<compile_context>
chip_gen: v7x
topology: tpu7x:2x2x1
jax: 0.10.2.dev20260603
libtpu: 0.0.44.dev20260713+nightly
codegen_flags: <defaults>
</compile_context>

<pallas_src>
import functools

import jax
import jax.numpy as jnp
import numpy as np
from jax import lax
from jax.experimental import pallas as pl
from jax.experimental.pallas import tpu as pltpu
from jax.experimental.pallas import tpu_sc as plsc

_N = 10000
_E = 320000
_D = 128
_DA = 8
_DE = 16
_FCH = 8
_LOG2 = float(np.log(2.0))
_INV_SQRT_D = float(1.0 / np.sqrt(float(_D)))
_INV_SQRT_DE = float(1.0 / np.sqrt(float(_DE)))
_INV_SQRT_FCH = float(1.0 / np.sqrt(float(_FCH)))
_INV_SQRT_AVG = float(1.0 / np.sqrt(32.0))
_INV_SQRT_DDA = float(1.0 / np.sqrt(float(_D * _DA)))

_BN = 2000
_BE = 2000

_NC = 2
_NS = 16
_NW = _NC * _NS
_K = 80
_EPW = _E // _NW
_NCH = _EPW // _K
_NPAD = 10240
_RPT = _NPAD // _NS


def _ssp(v):
    return jnp.maximum(v, 0.0) + jnp.log1p(jnp.exp(-jnp.abs(v))) - _LOG2



def _x_body(nf_ref, w1_ref, x_ref):
    x_ref[...] = jnp.dot(nf_ref[...], w1_ref[...],
                         preferred_element_type=jnp.float32) * _INV_SQRT_D


def _x_call(nf, W1):
    return pl.pallas_call(
        _x_body,
        grid=(_N // _BN,),
        in_specs=[
            pl.BlockSpec((_BN, _D), lambda i: (i, 0)),
            pl.BlockSpec((_D, _D), lambda i: (0, 0)),
        ],
        out_specs=pl.BlockSpec((_BN, _D), lambda i: (i, 0)),
        out_shape=jax.ShapeDtypeStruct((_N, _D), jnp.float32),
    )(nf, W1)



_BEW = 2000
_NWR = _E // 8


def _w_body(eew_ref, wr1bd_ref, wr2bd_ref, out_ref):
    h = jnp.dot(eew_ref[...], wr1bd_ref[...],
                preferred_element_type=jnp.float32) * _INV_SQRT_DE
    h = _ssp(h)
    for j in range(8):
        out_ref[:, j, :] = jnp.dot(
            h, wr2bd_ref[:, 128 * j:128 * (j + 1)],
            preferred_element_type=jnp.float32,
        ) * (_INV_SQRT_FCH * _INV_SQRT_AVG)


def _w_call(eew, Wr1bd, Wr2bd):
    return pl.pallas_call(
        _w_body,
        grid=(_NWR // _BEW,),
        in_specs=[
            pl.BlockSpec((_BEW, 128), lambda i: (i, 0)),
            pl.BlockSpec((128, 64), lambda i: (0, 0)),
            pl.BlockSpec((64, 1024), lambda i: (0, 0)),
        ],
        out_specs=pl.BlockSpec((_BEW, 8, _D), lambda i: (i, 0, 0)),
        out_shape=jax.ShapeDtypeStruct((_NWR, 8, _D), jnp.float32),
    )(eew, Wr1bd, Wr2bd)



def _sc_body(x_hbm, wp_hbm, ea_hbm, src_hbm, dst_hbm, out_hbm,
             src0, src1, src2, src3, dst0, dst1, ea0, ea1,
             rows0, rows1, w0, w1, agg_sh,
             sems0, sems1, sems2, sems3, semd0, semd1, sema0, sema1,
             semg0, semg1, semw0, semw1):
    cid = lax.axis_index("c")
    sid = lax.axis_index("s")
    wid = sid * _NC + cid
    srcv = (src0, src1, src2, src3)
    dstv = (dst0, dst1)
    eav = (ea0, ea1)
    rows = (rows0, rows1)
    wv = (w0, w1)
    sems = (sems0, sems1, sems2, sems3)
    semd = (semd0, semd1)
    sema = (sema0, sema1)
    semg = (semg0, semg1)
    semw = (semw0, semw1)
    base = wid * _EPW

    def _zb(k, carry):
        for j in range(_D // 16):
            rows0[k, pl.ds(j * 16, 16)] = jnp.zeros((16,), jnp.float32)
        return carry
    lax.fori_loop(0, _K, _zb, 0)
    for c in range(_RPT // _K):
        pltpu.sync_copy(rows0, agg_sh.at[pl.ds(sid * _RPT + c * _K, _K)])
    plsc.subcore_barrier()

    def _lsrc(t, c):
        pltpu.async_copy(src_hbm.at[pl.ds(base + t * _K, _K)],
                         srcv[c], sems[c])

    def _issue(t, b, c, wait_src):
        if wait_src:
            pltpu.make_async_copy(src_hbm.at[pl.ds(base + t * _K, _K)],
                                  srcv[c], sems[c]).wait()
        pltpu.async_copy(dst_hbm.at[pl.ds(base + t * _K, _K)],
                         dstv[b], semd[b])
        pltpu.async_copy(ea_hbm.at[pl.ds(base + t * _K, _K)],
                         eav[b].at[pl.ds(0, _K)], sema[b])
        pltpu.async_copy(x_hbm.at[srcv[c]], rows[b], semg[b])
        pltpu.async_copy(wp_hbm.at[pl.ds(base + t * _K, _K)], wv[b], semw[b])

    def _consume(t, b, c):
        pltpu.make_async_copy(x_hbm.at[srcv[c]], rows[b], semg[b]).wait()
        pltpu.make_async_copy(wp_hbm.at[pl.ds(base + t * _K, _K)],
                              wv[b], semw[b]).wait()
        pltpu.make_async_copy(ea_hbm.at[pl.ds(base + t * _K, _K)],
                              eav[b].at[pl.ds(0, _K)], sema[b]).wait()

        def _mul(k, c2):
            s = jnp.broadcast_to(eav[b][pl.ds(k, 16)][0], (16,))
            for j in range(_D // 16):
                sl = pl.ds(j * 16, 16)
                rows[b][k, sl] = rows[b][k, sl] * (wv[b][k, sl] * s)
            return c2
        lax.fori_loop(0, _K, _mul, 0)
        pltpu.make_async_copy(dst_hbm.at[pl.ds(base + t * _K, _K)],
                              dstv[b], semd[b]).wait()
        pltpu.sync_copy(rows[b], agg_sh.at[dstv[b]], add=True)
        @pl.when(t + 4 < _NCH)
        def _():
            _lsrc(t + 4, c)

    pltpu.sync_copy(src_hbm.at[pl.ds(base, _K)], src0)
    pltpu.sync_copy(src_hbm.at[pl.ds(base + _K, _K)], src1)
    _lsrc(2, 2)
    _lsrc(3, 3)
    _issue(0, 0, 0, False)
    _issue(1, 1, 1, False)

    def _quad(g, carry):
        t0 = g * 4
        _consume(t0, 0, 0)
        _issue(t0 + 2, 0, 2, True)
        _consume(t0 + 1, 1, 1)
        _issue(t0 + 3, 1, 3, True)
        _consume(t0 + 2, 0, 2)

        @pl.when(t0 + 4 < _NCH)
        def _():
            _issue(t0 + 4, 0, 0, True)
        _consume(t0 + 3, 1, 3)

        @pl.when(t0 + 5 < _NCH)
        def _():
            _issue(t0 + 5, 1, 1, True)
        return carry

    lax.fori_loop(0, _NCH // 4, _quad, 0)
    _consume(_NCH - 1, 0, 0)
    plsc.subcore_barrier()
    pltpu.sync_copy(agg_sh.at[pl.ds(sid * _RPT, _RPT)],
                    out_hbm.at[cid, pl.ds(sid * _RPT, _RPT)])


def _sc_call(x, wp, ea1d, src1d, dst1d):
    mesh = plsc.VectorSubcoreMesh(core_axis_name="c", subcore_axis_name="s")
    f = pl.kernel(
        _sc_body,
        out_type=jax.ShapeDtypeStruct((_NC, _NPAD, _D), jnp.float32),
        mesh=mesh,
        scratch_types=[
            pltpu.VMEM((_K,), jnp.int32),
            pltpu.VMEM((_K,), jnp.int32),
            pltpu.VMEM((_K,), jnp.int32),
            pltpu.VMEM((_K,), jnp.int32),
            pltpu.VMEM((_K,), jnp.int32),
            pltpu.VMEM((_K,), jnp.int32),
            pltpu.VMEM((_K + 16,), jnp.float32),
            pltpu.VMEM((_K + 16,), jnp.float32),
            pltpu.VMEM((_K, _D), jnp.float32),
            pltpu.VMEM((_K, _D), jnp.float32),
            pltpu.VMEM((_K, _D), jnp.float32),
            pltpu.VMEM((_K, _D), jnp.float32),
            pltpu.VMEM_SHARED((_NPAD, _D), jnp.float32),
        ] + [pltpu.SemaphoreType.DMA] * 12,
    )
    return f(x, wp, ea1d, src1d, dst1d)



def _final_body(nf_ref, na_ref, p_ref, w2_ref, wsct_ref, out_ref):
    agg = p_ref[0, :, :] + p_ref[1, :, :]
    out_lin = jnp.dot(agg, w2_ref[...],
                      preferred_element_type=jnp.float32) * _INV_SQRT_D
    nf = nf_ref[...]
    na = na_ref[...]
    sc = jnp.zeros_like(out_lin)
    for v in range(_DA):
        sc = sc + jnp.dot(nf * na[:, v:v + 1], wsct_ref[v],
                          preferred_element_type=jnp.float32)
    conv = out_lin + sc * _INV_SQRT_DDA
    out_ref[...] = nf + _ssp(conv)


def _final_call(nf, na, partials, W2, Wsc_t):
    return pl.pallas_call(
        _final_body,
        grid=(_N // _BN,),
        in_specs=[
            pl.BlockSpec((_BN, _D), lambda i: (i, 0)),
            pl.BlockSpec((_BN, _DA), lambda i: (i, 0)),
            pl.BlockSpec((_NC, _BN, _D), lambda i: (0, i, 0)),
            pl.BlockSpec((_D, _D), lambda i: (0, 0)),
            pl.BlockSpec((_DA, _D, _D), lambda i: (0, 0, 0)),
        ],
        out_specs=pl.BlockSpec((_BN, _D), lambda i: (i, 0)),
        out_shape=jax.ShapeDtypeStruct((_N, _D), jnp.float32),
    )(nf, na, partials, W2, Wsc_t)


def kernel(node_features, node_attrs, edge_embedding, edge_attrs, edge_index,
           W1, Wr1, Wr2, W2, Wsc):
    x = _x_call(node_features, W1)
    eew = edge_embedding.reshape(_NWR, 128)
    eye8 = jnp.eye(8, dtype=jnp.float32)
    wp = _w_call(eew, jnp.kron(eye8, Wr1), jnp.kron(eye8, Wr2))
    wp = wp.reshape(_E, _D)
    ea1d = edge_attrs.reshape(_E)
    partials = _sc_call(x, wp, ea1d, edge_index[0], edge_index[1])
    Wsc_t = jnp.transpose(Wsc, (1, 0, 2))
    return _final_call(node_features, node_attrs, partials, W2, Wsc_t)

# --- scband reference (transcript-rebuilt; emitter-appended) ---
"""Pipeline reference for scband-tfnlayer-26079041421318 (READ-ONLY COPY).

The authoritative reference and input builder live on the scoring server;
editing this copy changes nothing except your own understanding.
"""

import jax, jax.numpy as jnp
import numpy as np

N = 10000
E = 320000
D = 128   # node feature dim (128x0e)
DA = 8    # node attr dim (8x0e)
DE = 16   # edge embedding dim (16x0e)
FC_H = 8  # radial MLP hidden size
AVG_NEIGH = 32.0
LOG2 = float(np.log(2.0))


def ssp(x):
    # ShiftedSoftPlus
    return jax.nn.softplus(x) - LOG2


def setup_inputs(seed: int = 0) -> dict:
    key = jax.random.key(seed)
    ks = jax.random.split(key, 10)
    node_features = jax.random.normal(ks[0], (N, D), dtype=jnp.float32)
    node_attrs = jax.random.normal(ks[1], (N, DA), dtype=jnp.float32)
    edge_embedding = jax.random.uniform(ks[2], (E, DE), dtype=jnp.float32)
    edge_attrs = jax.random.normal(ks[3], (E, 1), dtype=jnp.float32)
    edge_index = jax.random.randint(ks[4], (2, E), 0, N, dtype=jnp.int32)
    # learned parameters
    W1 = jax.random.normal(ks[5], (D, D), dtype=jnp.float32)      # linear_1 (e3nn Linear on 128x0e)
    Wr1 = jax.random.normal(ks[6], (DE, FC_H), dtype=jnp.float32) # radial MLP layer 1
    Wr2 = jax.random.normal(ks[7], (FC_H, D), dtype=jnp.float32)  # radial MLP layer 2 -> tp.weight_numel = 128
    W2 = jax.random.normal(ks[8], (D, D), dtype=jnp.float32)      # linear_2
    Wsc = jax.random.normal(ks[9], (D, DA, D), dtype=jnp.float32) # self-connection FullyConnectedTensorProduct
    return {
        'node_features': node_features,
        'node_attrs': node_attrs,
        'edge_embedding': edge_embedding,
        'edge_attrs': edge_attrs,
        'edge_index': edge_index,
        'W1': W1, 'Wr1': Wr1, 'Wr2': Wr2, 'W2': W2, 'Wsc': Wsc,
    }


def reference(node_features, node_attrs, edge_embedding, edge_attrs, edge_index, W1, Wr1, Wr2, W2, Wsc):
    src = edge_index[0]
    dst = edge_index[1]
    # linear_1: e3nn Linear on 128x0e -> dense matmul with 1/sqrt(fan_in) path normalization
    x = (node_features @ W1) / jnp.sqrt(float(D))
    # radial_nn: FullyConnectedNet([16, 8, 128], act=ssp), no bias, weight/sqrt(fan_in)
    h = ssp((edge_embedding @ Wr1) / jnp.sqrt(float(DE)))
    w = (h @ Wr2) / jnp.sqrt(float(FC_H))  # [E, 128] per-edge tp weights
    # TensorProduct(128x0e, 1x0e -> 128x0e, 'uvu', shared_weights=False):
    # edge_feats[e,u] = x[src[e],u] * edge_attrs[e,0] * w[e,u]
    edge_feats = x[src] * edge_attrs * w
    # scatter-add onto destination nodes
    agg = jax.ops.segment_sum(edge_feats, dst, num_segments=N)
    agg = agg / jnp.sqrt(AVG_NEIGH)
    # linear_2
    out = (agg @ W2) / jnp.sqrt(float(D))
    # self connection: FullyConnectedTensorProduct(128x0e, 8x0e -> 128x0e)
    sc = jnp.einsum('nu,nv,uvk->nk', node_features, node_attrs, Wsc) / jnp.sqrt(float(D * DA))
    conv = out + sc
    # gate activation: all-scalar even irreps -> ssp elementwise
    act = ssp(conv)
    # resnet: irreps_in == irreps_out -> residual add
    return node_features + act

if __name__ == "__main__":
    import jax
    _d = setup_inputs()
    print(jax.jit(kernel)(*tuple(_d.values())))

</pallas_src>

<mosaic_0001>
#map = affine_map<(d0, d1) -> (0, 0)>
#map1 = affine_map<(d0, d1) -> (0)>
#map2 = affine_map<(d0, d1) -> (0, 0, 0)>
module attributes {stable_mosaic.version = 14 : i64} {
  func.func @_sc_body(%arg0: i32, %arg1: i32, %arg2: memref<10000x128xf32, #tpu.memory_space<hbm>>, %arg3: memref<320000x128xf32, #tpu.memory_space<hbm>>, %arg4: memref<320000xf32, #tpu.memory_space<hbm>>, %arg5: memref<320000xi32, #tpu.memory_space<hbm>>, %arg6: memref<320000xi32, #tpu.memory_space<hbm>>, %arg7: memref<2x10240x128xf32, #tpu.memory_space<hbm>>, %arg8: memref<80xi32, #tpu.memory_space<vmem>>, %arg9: memref<80xi32, #tpu.memory_space<vmem>>, %arg10: memref<80xi32, #tpu.memory_space<vmem>>, %arg11: memref<80xi32, #tpu.memory_space<vmem>>, %arg12: memref<80xi32, #tpu.memory_space<vmem>>, %arg13: memref<80xi32, #tpu.memory_space<vmem>>, %arg14: memref<96xf32, #tpu.memory_space<vmem>>, %arg15: memref<96xf32, #tpu.memory_space<vmem>>, %arg16: memref<80x128xf32, #tpu.memory_space<vmem>>, %arg17: memref<80x128xf32, #tpu.memory_space<vmem>>, %arg18: memref<80x128xf32, #tpu.memory_space<vmem>>, %arg19: memref<80x128xf32, #tpu.memory_space<vmem>>, %arg20: memref<10240x128xf32, #tpu.memory_space<vmem_shared>>, %arg21: memref<!tpu.dma_semaphore, #tpu.memory_space<semaphore_mem>>, %arg22: memref<!tpu.dma_semaphore, #tpu.memory_space<semaphore_mem>>, %arg23: memref<!tpu.dma_semaphore, #tpu.memory_space<semaphore_mem>>, %arg24: memref<!tpu.dma_semaphore, #tpu.memory_space<semaphore_mem>>, %arg25: memref<!tpu.dma_semaphore, #tpu.memory_space<semaphore_mem>>, %arg26: memref<!tpu.dma_semaphore, #tpu.memory_space<semaphore_mem>>, %arg27: memref<!tpu.dma_semaphore, #tpu.memory_space<semaphore_mem>>, %arg28: memref<!tpu.dma_semaphore, #tpu.memory_space<semaphore_mem>>, %arg29: memref<!tpu.dma_semaphore, #tpu.memory_space<semaphore_mem>>, %arg30: memref<!tpu.dma_semaphore, #tpu.memory_space<semaphore_mem>>, %arg31: memref<!tpu.dma_semaphore, #tpu.memory_space<semaphore_mem>>, %arg32: memref<!tpu.dma_semaphore, #tpu.memory_space<semaphore_mem>>) attributes {dimension_semantics = [#tpu.dimension_semantics<core_parallel>, #tpu.dimension_semantics<subcore_parallel>], iteration_bounds = array<i64: 2, 16>, scalar_prefetch = 0 : i64, scratch_operands = 25 : i64, tpu.core_type = #tpu.core_type<sc_vector_subcore>, window_params = [{transform_indices = #map}, {transform_indices = #map}, {transform_indices = #map1}, {transform_indices = #map1}, {transform_indices = #map1}, {transform_indices = #map2}]} {
    %mul3A = arith.constant 2 : i32
    %mul3A_0 = arith.muli %arg1, %mul3A : i32
    %add3A = arith.addi %mul3A_0, %arg0 : i32
    %mul3A_1 = arith.constant 10000 : i32
    %mul3A_2 = arith.muli %add3A, %mul3A_1 : i32
    %scan3A = arith.constant 0 : i32
    %scan3A_3 = arith.constant 0 : i32
    %scan3A_4 = arith.constant 80 : i32
    %scan3A_5 = arith.addi %scan3A_3, %scan3A_4 : i32
    %scan3A_6 = arith.constant 1 : i32
    scf.for %scan3A_128 = %scan3A_3 to %scan3A_5 step %scan3A_6  : i32 {
      %broadcast_in_dim3A = arith.constant 0.000000e+00 : f32
      %broadcast_in_dim3A_129 = vector.broadcast %broadcast_in_dim3A : f32 to vector<16xf32>
      %swap3A = arith.index_cast %scan3A_128 : i32 to index
      %swap3A_130 = arith.constant 0 : index
      %swap3A_131 = tpu.vector_load %arg16[%swap3A, %swap3A_130] {strides = array<i32>} : memref<80x128xf32, #tpu.memory_space<vmem>>, vector<1x16xf32>,
      %swap3A_132 = vector.shape_cast %swap3A_131 : vector<1x16xf32> to vector<16xf32>
      %swap3A_133 = vector.shape_cast %broadcast_in_dim3A_129 : vector<16xf32> to vector<1x16xf32>
      tpu.vector_store %arg16[%swap3A, %swap3A_130], %swap3A_133 {strides = array<i32>} : memref<80x128xf32, #tpu.memory_space<vmem>>, vector<1x16xf32>,
      %broadcast_in_dim3A_134 = arith.constant 0.000000e+00 : f32
      %broadcast_in_dim3A_135 = vector.broadcast %broadcast_in_dim3A_134 : f32 to vector<16xf32>
      %swap3A_136 = arith.index_cast %scan3A_128 : i32 to index
      %swap3A_137 = arith.constant 16 : index
      %swap3A_138 = tpu.vector_load %arg16[%swap3A_136, %swap3A_137] {strides = array<i32>} : memref<80x128xf32, #tpu.memory_space<vmem>>, vector<1x16xf32>,
      %swap3A_139 = vector.shape_cast %swap3A_138 : vector<1x16xf32> to vector<16xf32>
      %swap3A_140 = vector.shape_cast %broadcast_in_dim3A_135 : vector<16xf32> to vector<1x16xf32>
      tpu.vector_store %arg16[%swap3A_136, %swap3A_137], %swap3A_140 {strides = array<i32>} : memref<80x128xf32, #tpu.memory_space<vmem>>, vector<1x16xf32>,
      %broadcast_in_dim3A_141 = arith.constant 0.000000e+00 : f32
      %broadcast_in_dim3A_142 = vector.broadcast %broadcast_in_dim3A_141 : f32 to vector<16xf32>
      %swap3A_143 = arith.index_cast %scan3A_128 : i32 to index
      %swap3A_144 = arith.constant 32 : index
      %swap3A_145 = tpu.vector_load %arg16[%swap3A_143, %swap3A_144] {strides = array<i32>} : memref<80x128xf32, #tpu.memory_space<vmem>>, vector<1x16xf32>,
      %swap3A_146 = vector.shape_cast %swap3A_145 : vector<1x16xf32> to vector<16xf32>
      %swap3A_147 = vector.shape_cast %broadcast_in_dim3A_142 : vector<16xf32> to vector<1x16xf32>
      tpu.vector_store %arg16[%swap3A_143, %swap3A_144], %swap3A_147 {strides = array<i32>} : memref<80x128xf32, #tpu.memory_space<vmem>>, vector<1x16xf32>,
      %broadcast_in_dim3A_148 = arith.constant 0.000000e+00 : f32
      %broadcast_in_dim3A_149 = vector.broadcast %broadcast_in_dim3A_148 : f32 to vector<16xf32>
      %swap3A_150 = arith.index_cast %scan3A_128 : i32 to index
      %swap3A_151 = arith.constant 48 : index
      %swap3A_152 = tpu.vector_load %arg16[%swap3A_150, %swap3A_151] {strides = array<i32>} : memref<80x128xf32, #tpu.memory_space<vmem>>, vector<1x16xf32>,
      %swap3A_153 = vector.shape_cast %swap3A_152 : vector<1x16xf32> to vector<16xf32>
      %swap3A_154 = vector.shape_cast %broadcast_in_dim3A_149 : vector<16xf32> to vector<1x16xf32>
      tpu.vector_store %arg16[%swap3A_150, %swap3A_151], %swap3A_154 {strides = array<i32>} : memref<80x128xf32, #tpu.memory_space<vmem>>, vector<1x16xf32>,
      %broadcast_in_dim3A_155 = arith.constant 0.000000e+00 : f32
      %broadcast_in_dim3A_156 = vector.broadcast %broadcast_in_dim3A_155 : f32 to vector<16xf32>
      %swap3A_157 = arith.index_cast %scan3A_128 : i32 to index
      %swap3A_158 = arith.constant 64 : index
      %swap3A_159 = tpu.vector_load %arg16[%swap3A_157, %swap3A_158] {strides = array<i32>} : memref<80x128xf32, #tpu.memory_space<vmem>>, vector<1x16xf32>,
      %swap3A_160 = vector.shape_cast %swap3A_159 : vector<1x16xf32> to vector<16xf32>
      %swap3A_161 = vector.shape_cast %broadcast_in_dim3A_156 : vector<16xf32> to vector<1x16xf32>
      tpu.vector_store %arg16[%swap3A_157, %swap3A_158], %swap3A_161 {strides = array<i32>} : memref<80x128xf32, #tpu.memory_space<vmem>>, vector<1x16xf32>,
      %broadcast_in_dim3A_162 = arith.constant 0.000000e+00 : f32
      %broadcast_in_dim3A_163 = vector.broadcast %broadcast_in_dim3A_162 : f32 to vector<16xf32>
      %swap3A_164 = arith.index_cast %scan3A_128 : i32 to index
      %swap3A_165 = arith.constant 80 : index
      %swap3A_166 = tpu.vector_load %arg16[%swap3A_164, %swap3A_165] {strides = array<i32>} : memref<80x128xf32, #tpu.memory_space<vmem>>, vector<1x16xf32>,
      %swap3A_167 = vector.shape_cast %swap3A_166 : vector<1x16xf32> to vector<16xf32>
      %swap3A_168 = vector.shape_cast %broadcast_in_dim3A_163 : vector<16xf32> to vector<1x16xf32>
      tpu.vector_store %arg16[%swap3A_164, %swap3A_165], %swap3A_168 {strides = array<i32>} : memref<80x128xf32, #tpu.memory_space<vmem>>, vector<1x16xf32>,
      %broadcast_in_dim3A_169 = arith.constant 0.000000e+00 : f32
      %broadcast_in_dim3A_170 = vector.broadcast %broadcast_in_dim3A_169 : f32 to vector<16xf32>
      %swap3A_171 = arith.index_cast %scan3A_128 : i32 to index
      %swap3A_172 = arith.constant 96 : index
      %swap3A_173 = tpu.vector_load %arg16[%swap3A_171, %swap3A_172] {strides = array<i32>} : memref<80x128xf32, #tpu.memory_space<vmem>>, vector<1x16xf32>,
      %swap3A_174 = vector.shape_cast %swap3A_173 : vector<1x16xf32> to vector<16xf32>
      %swap3A_175 = vector.shape_cast %broadcast_in_dim3A_170 : vector<16xf32> to vector<1x16xf32>
      tpu.vector_store %arg16[%swap3A_171, %swap3A_172], %swap3A_175 {strides = array<i32>} : memref<80x128xf32, #tpu.memory_space<vmem>>, vector<1x16xf32>,
      %broadcast_in_dim3A_176 = arith.constant 0.000000e+00 : f32
      %broadcast_in_dim3A_177 = vector.broadcast %broadcast_in_dim3A_176 : f32 to vector<16xf32>
      %swap3A_178 = arith.index_cast %scan3A_128 : i32 to index
      %swap3A_179 = arith.constant 112 : index
      %swap3A_180 = tpu.vector_load %arg16[%swap3A_178, %swap3A_179] {strides = array<i32>} : memref<80x128xf32, #tpu.memory_space<vmem>>, vector<1x16xf32>,
      %swap3A_181 = vector.shape_cast %swap3A_180 : vector<1x16xf32> to vector<16xf32>
      %swap3A_182 = vector.shape_cast %broadcast_in_dim3A_177 : vector<16xf32> to vector<1x16xf32>
      tpu.vector_store %arg16[%swap3A_178, %swap3A_179], %swap3A_182 {strides = array<i32>} : memref<80x128xf32, #tpu.memory_space<vmem>>, vector<1x16xf32>,
    }
    %scan3A_7 = arith.constant 80 : i32
    %mul3A_8 = arith.constant 640 : i32
    %mul3A_9 = arith.muli %arg1, %mul3A_8 : i32
    %add3A_10 = arith.constant 0 : i32
    %add3A_11 = arith.addi %mul3A_9, %add3A_10 : i32
    "tpu.region"() ({
      %run_scoped3A = tpu.sem_alloc : memref<!tpu.dma_semaphore, #tpu.memory_space<semaphore_mem>>
      %dma_start3A_128 = arith.constant 0 : i32
      %dma_start3A_129 = tpu.memref_slice %arg20[%add3A_11, %dma_start3A_128] : memref<10240x128xf32, #tpu.memory_space<vmem_shared>> -> memref<80x128xf32, #tpu.memory_space<vmem_shared>>
      %dma_start3A_130 = arith.constant 0 : i32
      %dma_start3A_131 = tpu.memref_slice %arg20[%add3A_11, %dma_start3A_130] : memref<10240x128xf32, #tpu.memory_space<vmem_shared>> -> memref<80x128xf32, #tpu.memory_space<vmem_shared>>
      tpu.enqueue_dma source(%arg16 : memref<80x128xf32, #tpu.memory_space<vmem>>) target(%dma_start3A_131 : memref<80x128xf32, #tpu.memory_space<vmem_shared>>) target_semaphore(%run_scoped3A : memref<!tpu.dma_semaphore, #tpu.memory_space<semaphore_mem>>)
      %dma_wait3A_132 = arith.constant 0 : i32
      %dma_wait3A_133 = tpu.memref_slice %arg20[%add3A_11, %dma_wait3A_132] : memref<10240x128xf32, #tpu.memory_space<vmem_shared>> -> memref<80x128xf32, #tpu.memory_space<vmem_shared>>
      %dma_wait3A_134 = arith.constant 0 : i32
      %dma_wait3A_135 = tpu.memref_slice %arg20[%add3A_11, %dma_wait3A_134] : memref<10240x128xf32, #tpu.memory_space<vmem_shared>> -> memref<80x128xf32, #tpu.memory_space<vmem_shared>>
      tpu.wait_dma2 semaphore(%run_scoped3A : memref<!tpu.dma_semaphore, #tpu.memory_space<semaphore_mem>>) src(%arg16 : memref<80x128xf32, #tpu.memory_space<vmem>>) dst(%dma_wait3A_135 : memref<80x128xf32, #tpu.memory_space<vmem_shared>>)
      tpu.yield
    }) : () -> ()
    %mul3A_12 = arith.constant 640 : i32
    %mul3A_13 = arith.muli %arg1, %mul3A_12 : i32
    %add3A_14 = arith.constant 80 : i32
    %add3A_15 = arith.addi %mul3A_13, %add3A_14 : i32
    "tpu.region"() ({
      %run_scoped3A = tpu.sem_alloc : memref<!tpu.dma_semaphore, #tpu.memory_space<semaphore_mem>>
      %dma_start3A_128 = arith.constant 0 : i32
      %dma_start3A_129 = tpu.memref_slice %arg20[%add3A_15, %dma_start3A_128] : memref<10240x128xf32, #tpu.memory_space<vmem_shared>> -> memref<80x128xf32, #tpu.memory_space<vmem_shared>>
      %dma_start3A_130 = arith.constant 0 : i32
      %dma_start3A_131 = tpu.memref_slice %arg20[%add3A_15, %dma_start3A_130] : memref<10240x128xf32, #tpu.memory_space<vmem_shared>> -> memref<80x128xf32, #tpu.memory_space<vmem_shared>>
      tpu.enqueue_dma source(%arg16 : memref<80x128xf32, #tpu.memory_space<vmem>>) target(%dma_start3A_131 : memref<80x128xf32, #tpu.memory_space<vmem_shared>>) target_semaphore(%run_scoped3A : memref<!tpu.dma_semaphore, #tpu.memory_space<semaphore_mem>>)
      %dma_wait3A_132 = arith.constant 0 : i32
      %dma_wait3A_133 = tpu.memref_slice %arg20[%add3A_15, %dma_wait3A_132] : memref<10240x128xf32, #tpu.memory_space<vmem_shared>> -> memref<80x128xf32, #tpu.memory_space<vmem_shared>>
      %dma_wait3A_134 = arith.constant 0 : i32
      %dma_wait3A_135 = tpu.memref_slice %arg20[%add3A_15, %dma_wait3A_134] : memref<10240x128xf32, #tpu.memory_space<vmem_shared>> -> memref<80x128xf32, #tpu.memory_space<vmem_shared>>
      tpu.wait_dma2 semaphore(%run_scoped3A : memref<!tpu.dma_semaphore, #tpu.memory_space<semaphore_mem>>) src(%arg16 : memref<80x128xf32, #tpu.memory_space<vmem>>) dst(%dma_wait3A_135 : memref<80x128xf32, #tpu.memory_space<vmem_shared>>)
      tpu.yield
    }) : () -> ()
    %mul3A_16 = arith.constant 640 : i32
    %mul3A_17 = arith.muli %arg1, %mul3A_16 : i32
    %add3A_18 = arith.constant 160 : i32
    %add3A_19 = arith.addi %mul3A_17, %add3A_18 : i32
    "tpu.region"() ({
      %run_scoped3A = tpu.sem_alloc : memref<!tpu.dma_semaphore, #tpu.memory_space<semaphore_mem>>
      %dma_start3A_128 = arith.constant 0 : i32
      %dma_start3A_129 = tpu.memref_slice %arg20[%add3A_19, %dma_start3A_128] : memref<10240x128xf32, #tpu.memory_space<vmem_shared>> -> memref<80x128xf32, #tpu.memory_space<vmem_shared>>
      %dma_start3A_130 = arith.constant 0 : i32
      %dma_start3A_131 = tpu.memref_slice %arg20[%add3A_19, %dma_start3A_130] : memref<10240x128xf32, #tpu.memory_space<vmem_shared>> -> memref<80x128xf32, #tpu.memory_space<vmem_shared>>
      tpu.enqueue_dma source(%arg16 : memref<80x128xf32, #tpu.memory_space<vmem>>) target(%dma_start3A_131 : memref<80x128xf32, #tpu.memory_space<vmem_shared>>) target_semaphore(%run_scoped3A : memref<!tpu.dma_semaphore, #tpu.memory_space<semaphore_mem>>)
      %dma_wait3A_132 = arith.constant 0 : i32
      %dma_wait3A_133 = tpu.memref_slice %arg20[%add3A_19, %dma_wait3A_132] : memref<10240x128xf32, #tpu.memory_space<vmem_shared>> -> memref<80x128xf32, #tpu.memory_space<vmem_shared>>
      %dma_wait3A_134 = arith.constant 0 : i32
      %dma_wait3A_135 = tpu.memref_slice %arg20[%add3A_19, %dma_wait3A_134] : memref<10240x128xf32, #tpu.memory_space<vmem_shared>> -> memref<80x128xf32, #tpu.memory_space<vmem_shared>>
      tpu.wait_dma2 semaphore(%run_scoped3A : memref<!tpu.dma_semaphore, #tpu.memory_space<semaphore_mem>>) src(%arg16 : memref<80x128xf32, #tpu.memory_space<vmem>>) dst(%dma_wait3A_135 : memref<80x128xf32, #tpu.memory_space<vmem_shared>>)
      tpu.yield
    }) : () -> ()
    %mul3A_20 = arith.constant 640 : i32
    %mul3A_21 = arith.muli %arg1, %mul3A_20 : i32
    %add3A_22 = arith.constant 240 : i32
    %add3A_23 = arith.addi %mul3A_21, %add3A_22 : i32
    "tpu.region"() ({
      %run_scoped3A = tpu.sem_alloc : memref<!tpu.dma_semaphore, #tpu.memory_space<semaphore_mem>>
      %dma_start3A_128 = arith.constant 0 : i32
      %dma_start3A_129 = tpu.memref_slice %arg20[%add3A_23, %dma_start3A_128] : memref<10240x128xf32, #tpu.memory_space<vmem_shared>> -> memref<80x128xf32, #tpu.memory_space<vmem_shared>>
      %dma_start3A_130 = arith.constant 0 : i32
      %dma_start3A_131 = tpu.memref_slice %arg20[%add3A_23, %dma_start3A_130] : memref<10240x128xf32, #tpu.memory_space<vmem_shared>> -> memref<80x128xf32, #tpu.memory_space<vmem_shared>>
      tpu.enqueue_dma source(%arg16 : memref<80x128xf32, #tpu.memory_space<vmem>>) target(%dma_start3A_131 : memref<80x128xf32, #tpu.memory_space<vmem_shared>>) target_semaphore(%run_scoped3A : memref<!tpu.dma_semaphore, #tpu.memory_space<semaphore_mem>>)
      %dma_wait3A_132 = arith.constant 0 : i32
      %dma_wait3A_133 = tpu.memref_slice %arg20[%add3A_23, %dma_wait3A_132] : memref<10240x128xf32, #tpu.memory_space<vmem_shared>> -> memref<80x128xf32, #tpu.memory_space<vmem_shared>>
      %dma_wait3A_134 = arith.constant 0 : i32
      %dma_wait3A_135 = tpu.memref_slice %arg20[%add3A_23, %dma_wait3A_134] : memref<10240x128xf32, #tpu.memory_space<vmem_shared>> -> memref<80x128xf32, #tpu.memory_space<vmem_shared>>
      tpu.wait_dma2 semaphore(%run_scoped3A : memref<!tpu.dma_semaphore, #tpu.memory_space<semaphore_mem>>) src(%arg16 : memref<80x128xf32, #tpu.memory_space<vmem>>) dst(%dma_wait3A_135 : memref<80x128xf32, #tpu.memory_space<vmem_shared>>)
      tpu.yield
    }) : () -> ()
    %mul3A_24 = arith.constant 640 : i32
    %mul3A_25 = arith.muli %arg1, %mul3A_24 : i32
    %add3A_26 = arith.constant 320 : i32
    %add3A_27 = arith.addi %mul3A_25, %add3A_26 : i32
    "tpu.region"() ({
      %run_scoped3A = tpu.sem_alloc : memref<!tpu.dma_semaphore, #tpu.memory_space<semaphore_mem>>
      %dma_start3A_128 = arith.constant 0 : i32
      %dma_start3A_129 = tpu.memref_slice %arg20[%add3A_27, %dma_start3A_128] : memref<10240x128xf32, #tpu.memory_space<vmem_shared>> -> memref<80x128xf32, #tpu.memory_space<vmem_shared>>
      %dma_start3A_130 = arith.constant 0 : i32
      %dma_start3A_131 = tpu.memref_slice %arg20[%add3A_27, %dma_start3A_130] : memref<10240x128xf32, #tpu.memory_space<vmem_shared>> -> memref<80x128xf32, #tpu.memory_space<vmem_shared>>
      tpu.enqueue_dma source(%arg16 : memref<80x128xf32, #tpu.memory_space<vmem>>) target(%dma_start3A_131 : memref<80x128xf32, #tpu.memory_space<vmem_shared>>) target_semaphore(%run_scoped3A : memref<!tpu.dma_semaphore, #tpu.memory_space<semaphore_mem>>)
      %dma_wait3A_132 = arith.constant 0 : i32
      %dma_wait3A_133 = tpu.memref_slice %arg20[%add3A_27, %dma_wait3A_132] : memref<10240x128xf32, #tpu.memory_space<vmem_shared>> -> memref<80x128xf32, #tpu.memory_space<vmem_shared>>
      %dma_wait3A_134 = arith.constant 0 : i32
      %dma_wait3A_135 = tpu.memref_slice %arg20[%add3A_27, %dma_wait3A_134] : memref<10240x128xf32, #tpu.memory_space<vmem_shared>> -> memref<80x128xf32, #tpu.memory_space<vmem_shared>>
      tpu.wait_dma2 semaphore(%run_scoped3A : memref<!tpu.dma_semaphore, #tpu.memory_space<semaphore_mem>>) src(%arg16 : memref<80x128xf32, #tpu.memory_space<vmem>>) dst(%dma_wait3A_135 : memref<80x128xf32, #tpu.memory_space<vmem_shared>>)
      tpu.yield
    }) : () -> ()
    %mul3A_28 = arith.constant 640 : i32
    %mul3A_29 = arith.muli %arg1, %mul3A_28 : i32
    %add3A_30 = arith.constant 400 : i32
    %add3A_31 = arith.addi %mul3A_29, %add3A_30 : i32
    "tpu.region"() ({
      %run_scoped3A = tpu.sem_alloc : memref<!tpu.dma_semaphore, #tpu.memory_space<semaphore_mem>>
      %dma_start3A_128 = arith.constant 0 : i32
      %dma_start3A_129 = tpu.memref_slice %arg20[%add3A_31, %dma_start3A_128] : memref<10240x128xf32, #tpu.memory_space<vmem_shared>> -> memref<80x128xf32, #tpu.memory_space<vmem_shared>>
      %dma_start3A_130 = arith.constant 0 : i32
      %dma_start3A_131 = tpu.memref_slice %arg20[%add3A_31, %dma_start3A_130] : memref<10240x128xf32, #tpu.memory_space<vmem_shared>> -> memref<80x128xf32, #tpu.memory_space<vmem_shared>>
      tpu.enqueue_dma source(%arg16 : memref<80x128xf32, #tpu.memory_space<vmem>>) target(%dma_start3A_131 : memref<80x128xf32, #tpu.memory_space<vmem_shared>>) target_semaphore(%run_scoped3A : memref<!tpu.dma_semaphore, #tpu.memory_space<semaphore_mem>>)
      %dma_wait3A_132 = arith.constant 0 : i32
      %dma_wait3A_133 = tpu.memref_slice %arg20[%add3A_31, %dma_wait3A_132] : memref<10240x128xf32, #tpu.memory_space<vmem_shared>> -> memref<80x128xf32, #tpu.memory_space<vmem_shared>>
      %dma_wait3A_134 = arith.constant 0 : i32
      %dma_wait3A_135 = tpu.memref_slice %arg20[%add3A_31, %dma_wait3A_134] : memref<10240x128xf32, #tpu.memory_space<vmem_shared>> -> memref<80x128xf32, #tpu.memory_space<vmem_shared>>
      tpu.wait_dma2 semaphore(%run_scoped3A : memref<!tpu.dma_semaphore, #tpu.memory_space<semaphore_mem>>) src(%arg16 : memref<80x128xf32, #tpu.memory_space<vmem>>) dst(%dma_wait3A_135 : memref<80x128xf32, #tpu.memory_space<vmem_shared>>)
      tpu.yield
    }) : () -> ()
    %mul3A_32 = arith.constant 640 : i32
    %mul3A_33 = arith.muli %arg1, %mul3A_32 : i32
    %add3A_34 = arith.constant 480 : i32
    %add3A_35 = arith.addi %mul3A_33, %add3A_34 : i32
    "tpu.region"() ({
      %run_scoped3A = tpu.sem_alloc : memref<!tpu.dma_semaphore, #tpu.memory_space<semaphore_mem>>
      %dma_start3A_128 = arith.constant 0 : i32
      %dma_start3A_129 = tpu.memref_slice %arg20[%add3A_35, %dma_start3A_128] : memref<10240x128xf32, #tpu.memory_space<vmem_shared>> -> memref<80x128xf32, #tpu.memory_space<vmem_shared>>
      %dma_start3A_130 = arith.constant 0 : i32
      %dma_start3A_131 = tpu.memref_slice %arg20[%add3A_35, %dma_start3A_130] : memref<10240x128xf32, #tpu.memory_space<vmem_shared>> -> memref<80x128xf32, #tpu.memory_space<vmem_shared>>
      tpu.enqueue_dma source(%arg16 : memref<80x128xf32, #tpu.memory_space<vmem>>) target(%dma_start3A_131 : memref<80x128xf32, #tpu.memory_space<vmem_shared>>) target_semaphore(%run_scoped3A : memref<!tpu.dma_semaphore, #tpu.memory_space<semaphore_mem>>)
      %dma_wait3A_132 = arith.constant 0 : i32
      %dma_wait3A_133 = tpu.memref_slice %arg20[%add3A_35, %dma_wait3A_132] : memref<10240x128xf32, #tpu.memory_space<vmem_shared>> -> memref<80x128xf32, #tpu.memory_space<vmem_shared>>
      %dma_wait3A_134 = arith.constant 0 : i32
      %dma_wait3A_135 = tpu.memref_slice %arg20[%add3A_35, %dma_wait3A_134] : memref<10240x128xf32, #tpu.memory_space<vmem_shared>> -> memref<80x128xf32, #tpu.memory_space<vmem_shared>>
      tpu.wait_dma2 semaphore(%run_scoped3A : memref<!tpu.dma_semaphore, #tpu.memory_space<semaphore_mem>>) src(%arg16 : memref<80x128xf32, #tpu.memory_space<vmem>>) dst(%dma_wait3A_135 : memref<80x128xf32, #tpu.memory_space<vmem_shared>>)
      tpu.yield
    }) : () -> ()
    %mul3A_36 = arith.constant 640 : i32
    %mul3A_37 = arith.muli %arg1, %mul3A_36 : i32
    %add3A_38 = arith.constant 560 : i32
    %add3A_39 = arith.addi %mul3A_37, %add3A_38 : i32
    "tpu.region"() ({
      %run_scoped3A = tpu.sem_alloc : memref<!tpu.dma_semaphore, #tpu.memory_space<semaphore_mem>>
      %dma_start3A_128 = arith.constant 0 : i32
      %dma_start3A_129 = tpu.memref_slice %arg20[%add3A_39, %dma_start3A_128] : memref<10240x128xf32, #tpu.memory_space<vmem_shared>> -> memref<80x128xf32, #tpu.memory_space<vmem_shared>>
      %dma_start3A_130 = arith.constant 0 : i32
      %dma_start3A_131 = tpu.memref_slice %arg20[%add3A_39, %dma_start3A_130] : memref<10240x128xf32, #tpu.memory_space<vmem_shared>> -> memref<80x128xf32, #tpu.memory_space<vmem_shared>>
      tpu.enqueue_dma source(%arg16 : memref<80x128xf32, #tpu.memory_space<vmem>>) target(%dma_start3A_131 : memref<80x128xf32, #tpu.memory_space<vmem_shared>>) target_semaphore(%run_scoped3A : memref<!tpu.dma_semaphore, #tpu.memory_space<semaphore_mem>>)
      %dma_wait3A_132 = arith.constant 0 : i32
      %dma_wait3A_133 = tpu.memref_slice %arg20[%add3A_39, %dma_wait3A_132] : memref<10240x128xf32, #tpu.memory_space<vmem_shared>> -> memref<80x128xf32, #tpu.memory_space<vmem_shared>>
      %dma_wait3A_134 = arith.constant 0 : i32
      %dma_wait3A_135 = tpu.memref_slice %arg20[%add3A_39, %dma_wait3A_134] : memref<10240x128xf32, #tpu.memory_space<vmem_shared>> -> memref<80x128xf32, #tpu.memory_space<vmem_shared>>
      tpu.wait_dma2 semaphore(%run_scoped3A : memref<!tpu.dma_semaphore, #tpu.memory_space<semaphore_mem>>) src(%arg16 : memref<80x128xf32, #tpu.memory_space<vmem>>) dst(%dma_wait3A_135 : memref<80x128xf32, #tpu.memory_space<vmem_shared>>)
      tpu.yield
    }) : () -> ()
    %barrier3A = arith.constant 0 : index
    tpu.barrier barrier_id(%barrier3A)
    "tpu.region"() ({
      %run_scoped3A = tpu.sem_alloc : memref<!tpu.dma_semaphore, #tpu.memory_space<semaphore_mem>>
      %dma_start3A_128 = tpu.memref_slice %arg5[%mul3A_2] : memref<320000xi32, #tpu.memory_space<hbm>> -> memref<80xi32, #tpu.memory_space<hbm>>
      %dma_start3A_129 = tpu.memref_slice %arg5[%mul3A_2] : memref<320000xi32, #tpu.memory_space<hbm>> -> memref<80xi32, #tpu.memory_space<hbm>>
      tpu.enqueue_dma source(%dma_start3A_129 : memref<80xi32, #tpu.memory_space<hbm>>) target(%arg8 : memref<80xi32, #tpu.memory_space<vmem>>) target_semaphore(%run_scoped3A : memref<!tpu.dma_semaphore, #tpu.memory_space<semaphore_mem>>)
      %dma_wait3A_130 = tpu.memref_slice %arg5[%mul3A_2] : memref<320000xi32, #tpu.memory_space<hbm>> -> memref<80xi32, #tpu.memory_space<hbm>>
      %dma_wait3A_131 = tpu.memref_slice %arg5[%mul3A_2] : memref<320000xi32, #tpu.memory_space<hbm>> -> memref<80xi32, #tpu.memory_space<hbm>>
      tpu.wait_dma2 semaphore(%run_scoped3A : memref<!tpu.dma_semaphore, #tpu.memory_space<semaphore_mem>>) src(%dma_wait3A_131 : memref<80xi32, #tpu.memory_space<hbm>>) dst(%arg8 : memref<80xi32, #tpu.memory_space<vmem>>)
      tpu.yield
    }) : () -> ()
    %add3A_40 = arith.constant 80 : i32
    %add3A_41 = arith.addi %mul3A_2, %add3A_40 : i32
    "tpu.region"() ({
      %run_scoped3A = tpu.sem_alloc : memref<!tpu.dma_semaphore, #tpu.memory_space<semaphore_mem>>
      %dma_start3A_128 = tpu.memref_slice %arg5[%add3A_41] : memref<320000xi32, #tpu.memory_space<hbm>> -> memref<80xi32, #tpu.memory_space<hbm>>
      %dma_start3A_129 = tpu.memref_slice %arg5[%add3A_41] : memref<320000xi32, #tpu.memory_space<hbm>> -> memref<80xi32, #tpu.memory_space<hbm>>
      tpu.enqueue_dma source(%dma_start3A_129 : memref<80xi32, #tpu.memory_space<hbm>>) target(%arg9 : memref<80xi32, #tpu.memory_space<vmem>>) target_semaphore(%run_scoped3A : memref<!tpu.dma_semaphore, #tpu.memory_space<semaphore_mem>>)
      %dma_wait3A_130 = tpu.memref_slice %arg5[%add3A_41] : memref<320000xi32, #tpu.memory_space<hbm>> -> memref<80xi32, #tpu.memory_space<hbm>>
      %dma_wait3A_131 = tpu.memref_slice %arg5[%add3A_41] : memref<320000xi32, #tpu.memory_space<hbm>> -> memref<80xi32, #tpu.memory_space<hbm>>
      tpu.wait_dma2 semaphore(%run_scoped3A : memref<!tpu.dma_semaphore, #tpu.memory_space<semaphore_mem>>) src(%dma_wait3A_131 : memref<80xi32, #tpu.memory_space<hbm>>) dst(%arg9 : memref<80xi32, #tpu.memory_space<vmem>>)
      tpu.yield
    }) : () -> ()
    %add3A_42 = arith.constant 160 : i32
    %add3A_43 = arith.addi %mul3A_2, %add3A_42 : i32
    %dma_start3A = tpu.memref_slice %arg5[%add3A_43] : memref<320000xi32, #tpu.memory_space<hbm>> -> memref<80xi32, #tpu.memory_space<hbm>>
    %dma_start3A_44 = tpu.memref_slice %arg5[%add3A_43] : memref<320000xi32, #tpu.memory_space<hbm>> -> memref<80xi32, #tpu.memory_space<hbm>>
    tpu.enqueue_dma source(%dma_start3A_44 : memref<80xi32, #tpu.memory_space<hbm>>) target(%arg10 : memref<80xi32, #tpu.memory_space<vmem>>) target_semaphore(%arg23 : memref<!tpu.dma_semaphore, #tpu.memory_space<semaphore_mem>>)
    %add3A_45 = arith.constant 240 : i32
    %add3A_46 = arith.addi %mul3A_2, %add3A_45 : i32
    %dma_start3A_47 = tpu.memref_slice %arg5[%add3A_46] : memref<320000xi32, #tpu.memory_space<hbm>> -> memref<80xi32, #tpu.memory_space<hbm>>
    %dma_start3A_48 = tpu.memref_slice %arg5[%add3A_46] : memref<320000xi32, #tpu.memory_space<hbm>> -> memref<80xi32, #tpu.memory_space<hbm>>
    tpu.enqueue_dma source(%dma_start3A_48 : memref<80xi32, #tpu.memory_space<hbm>>) target(%arg11 : memref<80xi32, #tpu.memory_space<vmem>>) target_semaphore(%arg24 : memref<!tpu.dma_semaphore, #tpu.memory_space<semaphore_mem>>)
    %add3A_49 = arith.constant 0 : i32
    %add3A_50 = arith.addi %mul3A_2, %add3A_49 : i32
    %dma_start3A_51 = tpu.memref_slice %arg6[%add3A_50] : memref<320000xi32, #tpu.memory_space<hbm>> -> memref<80xi32, #tpu.memory_space<hbm>>
    %dma_start3A_52 = tpu.memref_slice %arg6[%add3A_50] : memref<320000xi32, #tpu.memory_space<hbm>> -> memref<80xi32, #tpu.memory_space<hbm>>
    tpu.enqueue_dma source(%dma_start3A_52 : memref<80xi32, #tpu.memory_space<hbm>>) target(%arg12 : memref<80xi32, #tpu.memory_space<vmem>>) target_semaphore(%arg25 : memref<!tpu.dma_semaphore, #tpu.memory_space<semaphore_mem>>)
    %add3A_53 = arith.constant 0 : i32
    %add3A_54 = arith.addi %mul3A_2, %add3A_53 : i32
    %dma_start3A_55 = arith.constant 0 : i32
    %dma_start3A_56 = tpu.memref_slice %arg14[%dma_start3A_55] : memref<96xf32, #tpu.memory_space<vmem>> -> memref<80xf32, #tpu.memory_space<vmem>>
    %dma_start3A_57 = tpu.memref_slice %arg4[%add3A_54] : memref<320000xf32, #tpu.memory_space<hbm>> -> memref<80xf32, #tpu.memory_space<hbm>>
    %dma_start3A_58 = arith.constant 0 : i32
    %dma_start3A_59 = tpu.memref_slice %arg14[%dma_start3A_58] : memref<96xf32, #tpu.memory_space<vmem>> -> memref<80xf32, #tpu.memory_space<vmem>>
    %dma_start3A_60 = tpu.memref_slice %arg4[%add3A_54] : memref<320000xf32, #tpu.memory_space<hbm>> -> memref<80xf32, #tpu.memory_space<hbm>>
    tpu.enqueue_dma source(%dma_start3A_60 : memref<80xf32, #tpu.memory_space<hbm>>) target(%dma_start3A_59 : memref<80xf32, #tpu.memory_space<vmem>>) target_semaphore(%arg27 : memref<!tpu.dma_semaphore, #tpu.memory_space<semaphore_mem>>)
    %dma_start3A_61 = arith.constant 0 : i32
    %dma_start3A_62 = arith.constant 0 : i32
    %dma_start3A_63 = tpu.memref_slice %arg2[%dma_start3A_61, %dma_start3A_62] : memref<10000x128xf32, #tpu.memory_space<hbm>> -> memref<10000x128xf32, #tpu.memory_space<hbm>>
    tpu.enqueue_indirect_dma source(%dma_start3A_63 : memref<10000x128xf32, #tpu.memory_space<hbm>>) target(%arg16 : memref<80x128xf32, #tpu.memory_space<vmem>>) offsets(%arg8 : memref<80xi32, #tpu.memory_space<vmem>>) semaphore(%arg29 : memref<!tpu.dma_semaphore, #tpu.memory_space<semaphore_mem>>)
    %add3A_64 = arith.constant 0 : i32
    %add3A_65 = arith.addi %mul3A_2, %add3A_64 : i32
    %dma_start3A_66 = arith.constant 0 : i32
    %dma_start3A_67 = tpu.memref_slice %arg3[%add3A_65, %dma_start3A_66] : memref<320000x128xf32, #tpu.memory_space<hbm>> -> memref<80x128xf32, #tpu.memory_space<hbm>>
    %dma_start3A_68 = arith.constant 0 : i32
    %dma_start3A_69 = tpu.memref_slice %arg3[%add3A_65, %dma_start3A_68] : memref<320000x128xf32, #tpu.memory_space<hbm>> -> memref<80x128xf32, #tpu.memory_space<hbm>>
    tpu.enqueue_dma source(%dma_start3A_69 : memref<80x128xf32, #tpu.memory_space<hbm>>) target(%arg18 : memref<80x128xf32, #tpu.memory_space<vmem>>) target_semaphore(%arg31 : memref<!tpu.dma_semaphore, #tpu.memory_space<semaphore_mem>>)
    %add3A_70 = arith.constant 80 : i32
    %add3A_71 = arith.addi %mul3A_2, %add3A_70 : i32
    %dma_start3A_72 = tpu.memref_slice %arg6[%add3A_71] : memref<320000xi32, #tpu.memory_space<hbm>> -> memref<80xi32, #tpu.memory_space<hbm>>
    %dma_start3A_73 = tpu.memref_slice %arg6[%add3A_71] : memref<320000xi32, #tpu.memory_space<hbm>> -> memref<80xi32, #tpu.memory_space<hbm>>
    tpu.enqueue_dma source(%dma_start3A_73 : memref<80xi32, #tpu.memory_space<hbm>>) target(%arg13 : memref<80xi32, #tpu.memory_space<vmem>>) target_semaphore(%arg26 : memref<!tpu.dma_semaphore, #tpu.memory_space<semaphore_mem>>)
    %add3A_74 = arith.constant 80 : i32
    %add3A_75 = arith.addi %mul3A_2, %add3A_74 : i32
    %dma_start3A_76 = arith.constant 0 : i32
    %dma_start3A_77 = tpu.memref_slice %arg15[%dma_start3A_76] : memref<96xf32, #tpu.memory_space<vmem>> -> memref<80xf32, #tpu.memory_space<vmem>>
    %dma_start3A_78 = tpu.memref_slice %arg4[%add3A_75] : memref<320000xf32, #tpu.memory_space<hbm>> -> memref<80xf32, #tpu.memory_space<hbm>>
    %dma_start3A_79 = arith.constant 0 : i32
    %dma_start3A_80 = tpu.memref_slice %arg15[%dma_start3A_79] : memref<96xf32, #tpu.memory_space<vmem>> -> memref<80xf32, #tpu.memory_space<vmem>>
    %dma_start3A_81 = tpu.memref_slice %arg4[%add3A_75] : memref<320000xf32, #tpu.memory_space<hbm>> -> memref<80xf32, #tpu.memory_space<hbm>>
    tpu.enqueue_dma source(%dma_start3A_81 : memref<80xf32, #tpu.memory_space<hbm>>) target(%dma_start3A_80 : memref<80xf32, #tpu.memory_space<vmem>>) target_semaphore(%arg28 : memref<!tpu.dma_semaphore, #tpu.memory_space<semaphore_mem>>)
    %dma_start3A_82 = arith.constant 0 : i32
    %dma_start3A_83 = arith.constant 0 : i32
    %dma_start3A_84 = tpu.memref_slice %arg2[%dma_start3A_82, %dma_start3A_83] : memref<10000x128xf32, #tpu.memory_space<hbm>> -> memref<10000x128xf32, #tpu.memory_space<hbm>>
    tpu.enqueue_indirect_dma source(%dma_start3A_84 : memref<10000x128xf32, #tpu.memory_space<hbm>>) target(%arg17 : memref<80x128xf32, #tpu.memory_space<vmem>>) offsets(%arg9 : memref<80xi32, #tpu.memory_space<vmem>>) semaphore(%arg30 : memref<!tpu.dma_semaphore, #tpu.memory_space<semaphore_mem>>)
    %add3A_85 = arith.constant 80 : i32
    %add3A_86 = arith.addi %mul3A_2, %add3A_85 : i32
    %dma_start3A_87 = arith.constant 0 : i32
    %dma_start3A_88 = tpu.memref_slice %arg3[%add3A_86, %dma_start3A_87] : memref<320000x128xf32, #tpu.memory_space<hbm>> -> memref<80x128xf32, #tpu.memory_space<hbm>>
    %dma_start3A_89 = arith.constant 0 : i32
    %dma_start3A_90 = tpu.memref_slice %arg3[%add3A_86, %dma_start3A_89] : memref<320000x128xf32, #tpu.memory_space<hbm>> -> memref<80x128xf32, #tpu.memory_space<hbm>>
    tpu.enqueue_dma source(%dma_start3A_90 : memref<80x128xf32, #tpu.memory_space<hbm>>) target(%arg19 : memref<80x128xf32, #tpu.memory_space<vmem>>) target_semaphore(%arg32 : memref<!tpu.dma_semaphore, #tpu.memory_space<semaphore_mem>>)
    %scan3A_91 = arith.constant 0 : i32
    %scan3A_92 = arith.constant 0 : i32
    %scan3A_93 = arith.constant 31 : i32
    %scan3A_94 = arith.addi %scan3A_92, %scan3A_93 : i32
    %scan3A_95 = arith.constant 1 : i32
    scf.for %scan3A_128 = %scan3A_92 to %scan3A_94 step %scan3A_95  : i32 {
      %mul3A_129 = arith.constant 4 : i32
      %mul3A_130 = arith.muli %scan3A_128, %mul3A_129 : i32
      %dma_wait3A_131 = arith.constant 0 : i32
      %dma_wait3A_132 = arith.constant 0 : i32
      %dma_wait3A_133 = tpu.memref_slice %arg2[%dma_wait3A_131, %dma_wait3A_132] : memref<10000x128xf32, #tpu.memory_space<hbm>> -> memref<10000x128xf32, #tpu.memory_space<hbm>>
      tpu.wait_indirect_dma semaphore(%arg29 : memref<!tpu.dma_semaphore, #tpu.memory_space<semaphore_mem>>) src(%dma_wait3A_133 : memref<10000x128xf32, #tpu.memory_space<hbm>>) dst(%arg16 : memref<80x128xf32, #tpu.memory_space<vmem>>)
      %mul3A_134 = arith.constant 80 : i32
      %mul3A_135 = arith.muli %mul3A_130, %mul3A_134 : i32
      %add3A_136 = arith.addi %mul3A_2, %mul3A_135 : i32
      %dma_wait3A_137 = arith.constant 0 : i32
      %dma_wait3A_138 = tpu.memref_slice %arg3[%add3A_136, %dma_wait3A_137] : memref<320000x128xf32, #tpu.memory_space<hbm>> -> memref<80x128xf32, #tpu.memory_space<hbm>>
      %dma_wait3A_139 = arith.constant 0 : i32
      %dma_wait3A_140 = tpu.memref_slice %arg3[%add3A_136, %dma_wait3A_139] : memref<320000x128xf32, #tpu.memory_space<hbm>> -> memref<80x128xf32, #tpu.memory_space<hbm>>
      tpu.wait_dma2 semaphore(%arg31 : memref<!tpu.dma_semaphore, #tpu.memory_space<semaphore_mem>>) src(%dma_wait3A_140 : memref<80x128xf32, #tpu.memory_space<hbm>>) dst(%arg18 : memref<80x128xf32, #tpu.memory_space<vmem>>)
      %mul3A_141 = arith.constant 80 : i32
      %mul3A_142 = arith.muli %mul3A_130, %mul3A_141 : i32
      %add3A_143 = arith.addi %mul3A_2, %mul3A_142 : i32
      %dma_wait3A_144 = arith.constant 0 : i32
      %dma_wait3A_145 = tpu.memref_slice %arg14[%dma_wait3A_144] : memref<96xf32, #tpu.memory_space<vmem>> -> memref<80xf32, #tpu.memory_space<vmem>>
      %dma_wait3A_146 = tpu.memref_slice %arg4[%add3A_143] : memref<320000xf32, #tpu.memory_space<hbm>> -> memref<80xf32, #tpu.memory_space<hbm>>
      %dma_wait3A_147 = arith.constant 0 : i32
      %dma_wait3A_148 = tpu.memref_slice %arg14[%dma_wait3A_147] : memref<96xf32, #tpu.memory_space<vmem>> -> memref<80xf32, #tpu.memory_space<vmem>>
      %dma_wait3A_149 = tpu.memref_slice %arg4[%add3A_143] : memref<320000xf32, #tpu.memory_space<hbm>> -> memref<80xf32, #tpu.memory_space<hbm>>
      tpu.wait_dma2 semaphore(%arg27 : memref<!tpu.dma_semaphore, #tpu.memory_space<semaphore_mem>>) src(%dma_wait3A_149 : memref<80xf32, #tpu.memory_space<hbm>>) dst(%dma_wait3A_148 : memref<80xf32, #tpu.memory_space<vmem>>)
      %scan3A_150 = arith.constant 0 : i32
      %scan3A_151 = arith.constant 0 : i32
      %scan3A_152 = arith.constant 80 : i32
      %scan3A_153 = arith.addi %scan3A_151, %scan3A_152 : i32
      %scan3A_154 = arith.constant 1 : i32
      scf.for %scan3A_358 = %scan3A_151 to %scan3A_153 step %scan3A_154  : i32 {
        %get3A = arith.index_cast %scan3A_358 : i32 to index
        %get3A_359 = tpu.vector_load %arg14[%get3A] {strides = array<i32>} : memref<96xf32, #tpu.memory_space<vmem>>, vector<16xf32>,
        %get3A_360 = vector.shape_cast %get3A_359 : vector<16xf32> to vector<16xf32>
        %slice3A = vector.extract_strided_slice %get3A_360 {offsets = [0], sizes = [1], strides = [1]} : vector<16xf32> to vector<1xf32>
        %squeeze3A = vector.extract %slice3A[0] : f32 from vector<1xf32>
        %broadcast_in_dim3A = vector.broadcast %squeeze3A : f32 to vector<16xf32>
        %get3A_361 = arith.index_cast %scan3A_358 : i32 to index
        %get3A_362 = arith.constant 0 : index
        %get3A_363 = tpu.vector_load %arg16[%get3A_361, %get3A_362] {strides = array<i32>} : memref<80x128xf32, #tpu.memory_space<vmem>>, vector<1x16xf32>,
        %get3A_364 = vector.shape_cast %get3A_363 : vector<1x16xf32> to vector<16xf32>
        %get3A_365 = arith.index_cast %scan3A_358 : i32 to index
        %get3A_366 = arith.constant 0 : index
        %get3A_367 = tpu.vector_load %arg18[%get3A_365, %get3A_366] {strides = array<i32>} : memref<80x128xf32, #tpu.memory_space<vmem>>, vector<1x16xf32>,
        %get3A_368 = vector.shape_cast %get3A_367 : vector<1x16xf32> to vector<16xf32>
        %mul3A_369 = arith.mulf %get3A_368, %broadcast_in_dim3A : vector<16xf32>
        %mul3A_370 = arith.mulf %get3A_364, %mul3A_369 : vector<16xf32>
        %swap3A = arith.index_cast %scan3A_358 : i32 to index
        %swap3A_371 = arith.constant 0 : index
        %swap3A_372 = tpu.vector_load %arg16[%swap3A, %swap3A_371] {strides = array<i32>} : memref<80x128xf32, #tpu.memory_space<vmem>>, vector<1x16xf32>,
        %swap3A_373 = vector.shape_cast %swap3A_372 : vector<1x16xf32> to vector<16xf32>
        %swap3A_374 = vector.shape_cast %mul3A_370 : vector<16xf32> to vector<1x16xf32>
        tpu.vector_store %arg16[%swap3A, %swap3A_371], %swap3A_374 {strides = array<i32>} : memref<80x128xf32, #tpu.memory_space<vmem>>, vector<1x16xf32>,
        %get3A_375 = arith.index_cast %scan3A_358 : i32 to index
        %get3A_376 = arith.constant 16 : index
        %get3A_377 = tpu.vector_load %arg16[%get3A_375, %get3A_376] {strides = array<i32>} : memref<80x128xf32, #tpu.memory_space<vmem>>, vector<1x16xf32>,
        %get3A_378 = vector.shape_cast %get3A_377 : vector<1x16xf32> to vector<16xf32>
        %get3A_379 = arith.index_cast %scan3A_358 : i32 to index
        %get3A_380 = arith.constant 16 : index
        %get3A_381 = tpu.vector_load %arg18[%get3A_379, %get3A_380] {strides = array<i32>} : memref<80x128xf32, #tpu.memory_space<vmem>>, vector<1x16xf32>,
        %get3A_382 = vector.shape_cast %get3A_381 : vector<1x16xf32> to vector<16xf32>
        %mul3A_383 = arith.mulf %get3A_382, %broadcast_in_dim3A : vector<16xf32>
        %mul3A_384 = arith.mulf %get3A_378, %mul3A_383 : vector<16xf32>
        %swap3A_385 = arith.index_cast %scan3A_358 : i32 to index
        %swap3A_386 = arith.constant 16 : index
        %swap3A_387 = tpu.vector_load %arg16[%swap3A_385, %swap3A_386] {strides = array<i32>} : memref<80x128xf32, #tpu.memory_space<vmem>>, vector<1x16xf32>,
        %swap3A_388 = vector.shape_cast %swap3A_387 : vector<1x16xf32> to vector<16xf32>
        %swap3A_389 = vector.shape_cast %mul3A_384 : vector<16xf32> to vector<1x16xf32>
        tpu.vector_store %arg16[%swap3A_385, %swap3A_386], %swap3A_389 {strides = array<i32>} : memref<80x128xf32, #tpu.memory_space<vmem>>, vector<1x16xf32>,
        %get3A_390 = arith.index_cast %scan3A_358 : i32 to index
        %get3A_391 = arith.constant 32 : index
        %get3A_392 = tpu.vector_load %arg16[%get3A_390, %get3A_391] {strides = array<i32>} : memref<80x128xf32, #tpu.memory_space<vmem>>, vector<1x16xf32>,
        %get3A_393 = vector.shape_cast %get3A_392 : vector<1x16xf32> to vector<16xf32>
        %get3A_394 = arith.index_cast %scan3A_358 : i32 to index
        %get3A_395 = arith.constant 32 : index
        %get3A_396 = tpu.vector_load %arg18[%get3A_394, %get3A_395] {strides = array<i32>} : memref<80x128xf32, #tpu.memory_space<vmem>>, vector<1x16xf32>,
        %get3A_397 = vector.shape_cast %get3A_396 : vector<1x16xf32> to vector<16xf32>
        %mul3A_398 = arith.mulf %get3A_397, %broadcast_in_dim3A : vector<16xf32>
        %mul3A_399 = arith.mulf %get3A_393, %mul3A_398 : vector<16xf32>
        %swap3A_400 = arith.index_cast %scan3A_358 : i32 to index
        %swap3A_401 = arith.constant 32 : index
        %swap3A_402 = tpu.vector_load %arg16[%swap3A_400, %swap3A_401] {strides = array<i32>} : memref<80x128xf32, #tpu.memory_space<vmem>>, vector<1x16xf32>,
        %swap3A_403 = vector.shape_cast %swap3A_402 : vector<1x16xf32> to vector<16xf32>
        %swap3A_404 = vector.shape_cast %mul3A_399 : vector<16xf32> to vector<1x16xf32>
        tpu.vector_store %arg16[%swap3A_400, %swap3A_401], %swap3A_404 {strides = array<i32>} : memref<80x128xf32, #tpu.memory_space<vmem>>, vector<1x16xf32>,
        %get3A_405 = arith.index_cast %scan3A_358 : i32 to index
        %get3A_406 = arith.constant 48 : index
        %get3A_407 = tpu.vector_load %arg16[%get3A_405, %get3A_406] {strides = array<i32>} : memref<80x128xf32, #tpu.memory_space<vmem>>, vector<1x16xf32>,
        %get3A_408 = vector.shape_cast %get3A_407 : vector<1x16xf32> to vector<16xf32>
        %get3A_409 = arith.index_cast %scan3A_358 : i32 to index
        %get3A_410 = arith.constant 48 : index
        %get3A_411 = tpu.vector_load %arg18[%get3A_409, %get3A_410] {strides = array<i32>} : memref<80x128xf32, #tpu.memory_space<vmem>>, vector<1x16xf32>,
        %get3A_412 = vector.shape_cast %get3A_411 : vector<1x16xf32> to vector<16xf32>
        %mul3A_413 = arith.mulf %get3A_412, %broadcast_in_dim3A : vector<16xf32>
        %mul3A_414 = arith.mulf %get3A_408, %mul3A_413 : vector<16xf32>
        %swap3A_415 = arith.index_cast %scan3A_358 : i32 to index
        %swap3A_416 = arith.constant 48 : index
        %swap3A_417 = tpu.vector_load %arg16[%swap3A_415, %swap3A_416] {strides = array<i32>} : memref<80x128xf32, #tpu.memory_space<vmem>>, vector<1x16xf32>,
        %swap3A_418 = vector.shape_cast %swap3A_417 : vector<1x16xf32> to vector<16xf32>
        %swap3A_419 = vector.shape_cast %mul3A_414 : vector<16xf32> to vector<1x16xf32>
        tpu.vector_store %arg16[%swap3A_415, %swap3A_416], %swap3A_419 {strides = array<i32>} : memref<80x128xf32, #tpu.memory_space<vmem>>, vector<1x16xf32>,
        %get3A_420 = arith.index_cast %scan3A_358 : i32 to index
        %get3A_421 = arith.constant 64 : index
        %get3A_422 = tpu.vector_load %arg16[%get3A_420, %get3A_421] {strides = array<i32>} : memref<80x128xf32, #tpu.memory_space<vmem>>, vector<1x16xf32>,
        %get3A_423 = vector.shape_cast %get3A_422 : vector<1x16xf32> to vector<16xf32>
        %get3A_424 = arith.index_cast %scan3A_358 : i32 to index
        %get3A_425 = arith.constant 64 : index
        %get3A_426 = tpu.vector_load %arg18[%get3A_424, %get3A_425] {strides = array<i32>} : memref<80x128xf32, #tpu.memory_space<vmem>>, vector<1x16xf32>,
        %get3A_427 = vector.shape_cast %get3A_426 : vector<1x16xf32> to vector<16xf32>
        %mul3A_428 = arith.mulf %get3A_427, %broadcast_in_dim3A : vector<16xf32>
        %mul3A_429 = arith.mulf %get3A_423, %mul3A_428 : vector<16xf32>
        %swap3A_430 = arith.index_cast %scan3A_358 : i32 to index
        %swap3A_431 = arith.constant 64 : index
        %swap3A_432 = tpu.vector_load %arg16[%swap3A_430, %swap3A_431] {strides = array<i32>} : memref<80x128xf32, #tpu.memory_space<vmem>>, vector<1x16xf32>,
        %swap3A_433 = vector.shape_cast %swap3A_432 : vector<1x16xf32> to vector<16xf32>
        %swap3A_434 = vector.shape_cast %mul3A_429 : vector<16xf32> to vector<1x16xf32>
        tpu.vector_store %arg16[%swap3A_430, %swap3A_431], %swap3A_434 {strides = array<i32>} : memref<80x128xf32, #tpu.memory_space<vmem>>, vector<1x16xf32>,
        %get3A_435 = arith.index_cast %scan3A_358 : i32 to index
        %get3A_436 = arith.constant 80 : index
        %get3A_437 = tpu.vector_load %arg16[%get3A_435, %get3A_436] {strides = array<i32>} : memref<80x128xf32, #tpu.memory_space<vmem>>, vector<1x16xf32>,
        %get3A_438 = vector.shape_cast %get3A_437 : vector<1x16xf32> to vector<16xf32>
        %get3A_439 = arith.index_cast %scan3A_358 : i32 to index
        %get3A_440 = arith.constant 80 : index
        %get3A_441 = tpu.vector_load %arg18[%get3A_439, %get3A_440] {strides = array<i32>} : memref<80x128xf32, #tpu.memory_space<vmem>>, vector<1x16xf32>,
        %get3A_442 = vector.shape_cast %get3A_441 : vector<1x16xf32> to vector<16xf32>
        %mul3A_443 = arith.mulf %get3A_442, %broadcast_in_dim3A : vector<16xf32>
        %mul3A_444 = arith.mulf %get3A_438, %mul3A_443 : vector<16xf32>
        %swap3A_445 = arith.index_cast %scan3A_358 : i32 to index
        %swap3A_446 = arith.constant 80 : index
        %swap3A_447 = tpu.vector_load %arg16[%swap3A_445, %swap3A_446] {strides = array<i32>} : memref<80x128xf32, #tpu.memory_space<vmem>>, vector<1x16xf32>,
        %swap3A_448 = vector.shape_cast %swap3A_447 : vector<1x16xf32> to vector<16xf32>
        %swap3A_449 = vector.shape_cast %mul3A_444 : vector<16xf32> to vector<1x16xf32>
        tpu.vector_store %arg16[%swap3A_445, %swap3A_446], %swap3A_449 {strides = array<i32>} : memref<80x128xf32, #tpu.memory_space<vmem>>, vector<1x16xf32>,
        %get3A_450 = arith.index_cast %scan3A_358 : i32 to index
        %get3A_451 = arith.constant 96 : index
        %get3A_452 = tpu.vector_load %arg16[%get3A_450, %get3A_451] {strides = array<i32>} : memref<80x128xf32, #tpu.memory_space<vmem>>, vector<1x16xf32>,
        %get3A_453 = vector.shape_cast %get3A_452 : vector<1x16xf32> to vector<16xf32>
        %get3A_454 = arith.index_cast %scan3A_358 : i32 to index
        %get3A_455 = arith.constant 96 : index
        %get3A_456 = tpu.vector_load %arg18[%get3A_454, %get3A_455] {strides = array<i32>} : memref<80x128xf32, #tpu.memory_space<vmem>>, vector<1x16xf32>,
        %get3A_457 = vector.shape_cast %get3A_456 : vector<1x16xf32> to vector<16xf32>
        %mul3A_458 = arith.mulf %get3A_457, %broadcast_in_dim3A : vector<16xf32>
        %mul3A_459 = arith.mulf %get3A_453, %mul3A_458 : vector<16xf32>
        %swap3A_460 = arith.index_cast %scan3A_358 : i32 to index
        %swap3A_461 = arith.constant 96 : index
        %swap3A_462 = tpu.vector_load %arg16[%swap3A_460, %swap3A_461] {strides = array<i32>} : memref<80x128xf32, #tpu.memory_space<vmem>>, vector<1x16xf32>,
        %swap3A_463 = vector.shape_cast %swap3A_462 : vector<1x16xf32> to vector<16xf32>
        %swap3A_464 = vector.shape_cast %mul3A_459 : vector<16xf32> to vector<1x16xf32>
        tpu.vector_store %arg16[%swap3A_460, %swap3A_461], %swap3A_464 {strides = array<i32>} : memref<80x128xf32, #tpu.memory_space<vmem>>, vector<1x16xf32>,
        %get3A_465 = arith.index_cast %scan3A_358 : i32 to index
        %get3A_466 = arith.constant 112 : index
        %get3A_467 = tpu.vector_load %arg16[%get3A_465, %get3A_466] {strides = array<i32>} : memref<80x128xf32, #tpu.memory_space<vmem>>, vector<1x16xf32>,
        %get3A_468 = vector.shape_cast %get3A_467 : vector<1x16xf32> to vector<16xf32>
        %get3A_469 = arith.index_cast %scan3A_358 : i32 to index
        %get3A_470 = arith.constant 112 : index
        %get3A_471 = tpu.vector_load %arg18[%get3A_469, %get3A_470] {strides = array<i32>} : memref<80x128xf32, #tpu.memory_space<vmem>>, vector<1x16xf32>,
        %get3A_472 = vector.shape_cast %get3A_471 : vector<1x16xf32> to vector<16xf32>
        %mul3A_473 = arith.mulf %get3A_472, %broadcast_in_dim3A : vector<16xf32>
        %mul3A_474 = arith.mulf %get3A_468, %mul3A_473 : vector<16xf32>
        %swap3A_475 = arith.index_cast %scan3A_358 : i32 to index
        %swap3A_476 = arith.constant 112 : index
        %swap3A_477 = tpu.vector_load %arg16[%swap3A_475, %swap3A_476] {strides = array<i32>} : memref<80x128xf32, #tpu.memory_space<vmem>>, vector<1x16xf32>,
        %swap3A_478 = vector.shape_cast %swap3A_477 : vector<1x16xf32> to vector<16xf32>
        %swap3A_479 = vector.shape_cast %mul3A_474 : vector<16xf32> to vector<1x16xf32>
        tpu.vector_store %arg16[%swap3A_475, %swap3A_476], %swap3A_479 {strides = array<i32>} : memref<80x128xf32, #tpu.memory_space<vmem>>, vector<1x16xf32>,
      }
      %scan3A_155 = arith.constant 80 : i32
      %mul3A_156 = arith.constant 80 : i32
      %mul3A_157 = arith.muli %mul3A_130, %mul3A_156 : i32
      %add3A_158 = arith.addi %mul3A_2, %mul3A_157 : i32
      %dma_wait3A_159 = tpu.memref_slice %arg6[%add3A_158] : memref<320000xi32, #tpu.memory_space<hbm>> -> memref<80xi32, #tpu.memory_space<hbm>>
      %dma_wait3A_160 = tpu.memref_slice %arg6[%add3A_158] : memref<320000xi32, #tpu.memory_space<hbm>> -> memref<80xi32, #tpu.memory_space<hbm>>
      tpu.wait_dma2 semaphore(%arg25 : memref<!tpu.dma_semaphore, #tpu.memory_space<semaphore_mem>>) src(%dma_wait3A_160 : memref<80xi32, #tpu.memory_space<hbm>>) dst(%arg12 : memref<80xi32, #tpu.memory_space<vmem>>)
      "tpu.region"() ({
        %run_scoped3A = tpu.sem_alloc : memref<!tpu.dma_semaphore, #tpu.memory_space<semaphore_mem>>
        %dma_start3A_358 = arith.constant 0 : i32
        %dma_start3A_359 = arith.constant 0 : i32
        %dma_start3A_360 = tpu.memref_slice %arg20[%dma_start3A_358, %dma_start3A_359] : memref<10240x128xf32, #tpu.memory_space<vmem_shared>> -> memref<10240x128xf32, #tpu.memory_space<vmem_shared>>
        tpu.enqueue_indirect_dma source(%arg16 : memref<80x128xf32, #tpu.memory_space<vmem>>) target(%dma_start3A_360 : memref<10240x128xf32, #tpu.memory_space<vmem_shared>>) offsets(%arg12 : memref<80xi32, #tpu.memory_space<vmem>>) semaphore(%run_scoped3A : memref<!tpu.dma_semaphore, #tpu.memory_space<semaphore_mem>>) {add = true}
        %dma_wait3A_361 = arith.constant 0 : i32
        %dma_wait3A_362 = arith.constant 0 : i32
        %dma_wait3A_363 = tpu.memref_slice %arg20[%dma_wait3A_361, %dma_wait3A_362] : memref<10240x128xf32, #tpu.memory_space<vmem_shared>> -> memref<10240x128xf32, #tpu.memory_space<vmem_shared>>
        tpu.wait_indirect_dma semaphore(%run_scoped3A : memref<!tpu.dma_semaphore, #tpu.memory_space<semaphore_mem>>) src(%arg16 : memref<80x128xf32, #tpu.memory_space<vmem>>) dst(%dma_wait3A_363 : memref<10240x128xf32, #tpu.memory_space<vmem_shared>>)
        tpu.yield
      }) : () -> ()
      %add3A_161 = arith.constant 4 : i32
      %add3A_162 = arith.addi %mul3A_130, %add3A_161 : i32
      %lt3A = arith.constant 125 : i32
      %lt3A_163 = arith.cmpi slt, %add3A_162, %lt3A : i32
      %convert_element_type3A = arith.extui %lt3A_163 : i1 to i32
      %cond3A = arith.constant 0 : i32
      %cond3A_164 = arith.cmpi ne, %convert_element_type3A, %cond3A : i32
      scf.if %cond3A_164 {
        %add3A_358 = arith.constant 4 : i32
        %add3A_359 = arith.addi %mul3A_130, %add3A_358 : i32
        %mul3A_360 = arith.constant 80 : i32
        %mul3A_361 = arith.muli %add3A_359, %mul3A_360 : i32
        %add3A_362 = arith.addi %mul3A_2, %mul3A_361 : i32
        %dma_start3A_363 = tpu.memref_slice %arg5[%add3A_362] : memref<320000xi32, #tpu.memory_space<hbm>> -> memref<80xi32, #tpu.memory_space<hbm>>
        %dma_start3A_364 = tpu.memref_slice %arg5[%add3A_362] : memref<320000xi32, #tpu.memory_space<hbm>> -> memref<80xi32, #tpu.memory_space<hbm>>
        tpu.enqueue_dma source(%dma_start3A_364 : memref<80xi32, #tpu.memory_space<hbm>>) target(%arg8 : memref<80xi32, #tpu.memory_space<vmem>>) target_semaphore(%arg21 : memref<!tpu.dma_semaphore, #tpu.memory_space<semaphore_mem>>)
      } else {
      }
      %add3A_165 = arith.constant 2 : i32
      %add3A_166 = arith.addi %mul3A_130, %add3A_165 : i32
      %mul3A_167 = arith.constant 80 : i32
      %mul3A_168 = arith.muli %add3A_166, %mul3A_167 : i32
      %add3A_169 = arith.addi %mul3A_2, %mul3A_168 : i32
      %dma_wait3A_170 = tpu.memref_slice %arg5[%add3A_169] : memref<320000xi32, #tpu.memory_space<hbm>> -> memref<80xi32, #tpu.memory_space<hbm>>
      %dma_wait3A_171 = tpu.memref_slice %arg5[%add3A_169] : memref<320000xi32, #tpu.memory_space<hbm>> -> memref<80xi32, #tpu.memory_space<hbm>>
      tpu.wait_dma2 semaphore(%arg23 : memref<!tpu.dma_semaphore, #tpu.memory_space<semaphore_mem>>) src(%dma_wait3A_171 : memref<80xi32, #tpu.memory_space<hbm>>) dst(%arg10 : memref<80xi32, #tpu.memory_space<vmem>>)
      %mul3A_172 = arith.constant 80 : i32
      %mul3A_173 = arith.muli %add3A_166, %mul3A_172 : i32
      %add3A_174 = arith.addi %mul3A_2, %mul3A_173 : i32
      %dma_start3A_175 = tpu.memref_slice %arg6[%add3A_174] : memref<320000xi32, #tpu.memory_space<hbm>> -> memref<80xi32, #tpu.memory_space<hbm>>
      %dma_start3A_176 = tpu.memref_slice %arg6[%add3A_174] : memref<320000xi32, #tpu.memory_space<hbm>> -> memref<80xi32, #tpu.memory_space<hbm>>
      tpu.enqueue_dma source(%dma_start3A_176 : memref<80xi32, #tpu.memory_space<hbm>>) target(%arg12 : memref<80xi32, #tpu.memory_space<vmem>>) target_semaphore(%arg25 : memref<!tpu.dma_semaphore, #tpu.memory_space<semaphore_mem>>)
      %mul3A_177 = arith.constant 80 : i32
      %mul3A_178 = arith.muli %add3A_166, %mul3A_177 : i32
      %add3A_179 = arith.addi %mul3A_2, %mul3A_178 : i32
      %dma_start3A_180 = arith.constant 0 : i32
      %dma_start3A_181 = tpu.memref_slice %arg14[%dma_start3A_180] : memref<96xf32, #tpu.memory_space<vmem>> -> memref<80xf32, #tpu.memory_space<vmem>>
      %dma_start3A_182 = tpu.memref_slice %arg4[%add3A_179] : memref<320000xf32, #tpu.memory_space<hbm>> -> memref<80xf32, #tpu.memory_space<hbm>>
      %dma_start3A_183 = arith.constant 0 : i32
      %dma_start3A_184 = tpu.memref_slice %arg14[%dma_start3A_183] : memref<96xf32, #tpu.memory_space<vmem>> -> memref<80xf32, #tpu.memory_space<vmem>>
      %dma_start3A_185 = tpu.memref_slice %arg4[%add3A_179] : memref<320000xf32, #tpu.memory_space<hbm>> -> memref<80xf32, #tpu.memory_space<hbm>>
      tpu.enqueue_dma source(%dma_start3A_185 : memref<80xf32, #tpu.memory_space<hbm>>) target(%dma_start3A_184 : memref<80xf32, #tpu.memory_space<vmem>>) target_semaphore(%arg27 : memref<!tpu.dma_semaphore, #tpu.memory_space<semaphore_mem>>)
      %dma_start3A_186 = arith.constant 0 : i32
      %dma_start3A_187 = arith.constant 0 : i32
      %dma_start3A_188 = tpu.memref_slice %arg2[%dma_start3A_186, %dma_start3A_187] : memref<10000x128xf32, #tpu.memory_space<hbm>> -> memref<10000x128xf32, #tpu.memory_space<hbm>>
      tpu.enqueue_indirect_dma source(%dma_start3A_188 : memref<10000x128xf32, #tpu.memory_space<hbm>>) target(%arg16 : memref<80x128xf32, #tpu.memory_space<vmem>>) offsets(%arg10 : memref<80xi32, #tpu.memory_space<vmem>>) semaphore(%arg29 : memref<!tpu.dma_semaphore, #tpu.memory_space<semaphore_mem>>)
      %mul3A_189 = arith.constant 80 : i32
      %mul3A_190 = arith.muli %add3A_166, %mul3A_189 : i32
      %add3A_191 = arith.addi %mul3A_2, %mul3A_190 : i32
      %dma_start3A_192 = arith.constant 0 : i32
      %dma_start3A_193 = tpu.memref_slice %arg3[%add3A_191, %dma_start3A_192] : memref<320000x128xf32, #tpu.memory_space<hbm>> -> memref<80x128xf32, #tpu.memory_space<hbm>>
      %dma_start3A_194 = arith.constant 0 : i32
      %dma_start3A_195 = tpu.memref_slice %arg3[%add3A_191, %dma_start3A_194] : memref<320000x128xf32, #tpu.memory_space<hbm>> -> memref<80x128xf32, #tpu.memory_space<hbm>>
      tpu.enqueue_dma source(%dma_start3A_195 : memref<80x128xf32, #tpu.memory_space<hbm>>) target(%arg18 : memref<80x128xf32, #tpu.memory_space<vmem>>) target_semaphore(%arg31 : memref<!tpu.dma_semaphore, #tpu.memory_space<semaphore_mem>>)
      %add3A_196 = arith.constant 1 : i32
      %add3A_197 = arith.addi %mul3A_130, %add3A_196 : i32
      %dma_wait3A_198 = arith.constant 0 : i32
      %dma_wait3A_199 = arith.constant 0 : i32
      %dma_wait3A_200 = tpu.memref_slice %arg2[%dma_wait3A_198, %dma_wait3A_199] : memref<10000x128xf32, #tpu.memory_space<hbm>> -> memref<10000x128xf32, #tpu.memory_space<hbm>>
      tpu.wait_indirect_dma semaphore(%arg30 : memref<!tpu.dma_semaphore, #tpu.memory_space<semaphore_mem>>) src(%dma_wait3A_200 : memref<10000x128xf32, #tpu.memory_space<hbm>>) dst(%arg17 : memref<80x128xf32, #tpu.memory_space<vmem>>)
      %mul3A_201 = arith.constant 80 : i32
      %mul3A_202 = arith.muli %add3A_197, %mul3A_201 : i32
      %add3A_203 = arith.addi %mul3A_2, %mul3A_202 : i32
      %dma_wait3A_204 = arith.constant 0 : i32
      %dma_wait3A_205 = tpu.memref_slice %arg3[%add3A_203, %dma_wait3A_204] : memref<320000x128xf32, #tpu.memory_space<hbm>> -> memref<80x128xf32, #tpu.memory_space<hbm>>
      %dma_wait3A_206 = arith.constant 0 : i32
      %dma_wait3A_207 = tpu.memref_slice %arg3[%add3A_203, %dma_wait3A_206] : memref<320000x128xf32, #tpu.memory_space<hbm>> -> memref<80x128xf32, #tpu.memory_space<hbm>>
      tpu.wait_dma2 semaphore(%arg32 : memref<!tpu.dma_semaphore, #tpu.memory_space<semaphore_mem>>) src(%dma_wait3A_207 : memref<80x128xf32, #tpu.memory_space<hbm>>) dst(%arg19 : memref<80x128xf32, #tpu.memory_space<vmem>>)
      %mul3A_208 = arith.constant 80 : i32
      %mul3A_209 = arith.muli %add3A_197, %mul3A_208 : i32
      %add3A_210 = arith.addi %mul3A_2, %mul3A_209 : i32
      %dma_wait3A_211 = arith.constant 0 : i32
      %dma_wait3A_212 = tpu.memref_slice %arg15[%dma_wait3A_211] : memref<96xf32, #tpu.memory_space<vmem>> -> memref<80xf32, #tpu.memory_space<vmem>>
      %dma_wait3A_213 = tpu.memref_slice %arg4[%add3A_210] : memref<320000xf32, #tpu.memory_space<hbm>> -> memref<80xf32, #tpu.memory_space<hbm>>
      %dma_wait3A_214 = arith.constant 0 : i32
      %dma_wait3A_215 = tpu.memref_slice %arg15[%dma_wait3A_214] : memref<96xf32, #tpu.memory_space<vmem>> -> memref<80xf32, #tpu.memory_space<vmem>>
      %dma_wait3A_216 = tpu.memref_slice %arg4[%add3A_210] : memref<320000xf32, #tpu.memory_space<hbm>> -> memref<80xf32, #tpu.memory_space<hbm>>
      tpu.wait_dma2 semaphore(%arg28 : memref<!tpu.dma_semaphore, #tpu.memory_space<semaphore_mem>>) src(%dma_wait3A_216 : memref<80xf32, #tpu.memory_space<hbm>>) dst(%dma_wait3A_215 : memref<80xf32, #tpu.memory_space<vmem>>)
      %scan3A_217 = arith.constant 0 : i32
      %scan3A_218 = arith.constant 0 : i32
      %scan3A_219 = arith.constant 80 : i32
      %scan3A_220 = arith.addi %scan3A_218, %scan3A_219 : i32
      %scan3A_221 = arith.constant 1 : i32
      scf.for %scan3A_358 = %scan3A_218 to %scan3A_220 step %scan3A_221  : i32 {
        %get3A = arith.index_cast %scan3A_358 : i32 to index
        %get3A_359 = tpu.vector_load %arg15[%get3A] {strides = array<i32>} : memref<96xf32, #tpu.memory_space<vmem>>, vector<16xf32>,
        %get3A_360 = vector.shape_cast %get3A_359 : vector<16xf32> to vector<16xf32>
        %slice3A = vector.extract_strided_slice %get3A_360 {offsets = [0], sizes = [1], strides = [1]} : vector<16xf32> to vector<1xf32>
        %squeeze3A = vector.extract %slice3A[0] : f32 from vector<1xf32>
        %broadcast_in_dim3A = vector.broadcast %squeeze3A : f32 to vector<16xf32>
        %get3A_361 = arith.index_cast %scan3A_358 : i32 to index
        %get3A_362 = arith.constant 0 : index
        %get3A_363 = tpu.vector_load %arg17[%get3A_361, %get3A_362] {strides = array<i32>} : memref<80x128xf32, #tpu.memory_space<vmem>>, vector<1x16xf32>,
        %get3A_364 = vector.shape_cast %get3A_363 : vector<1x16xf32> to vector<16xf32>
        %get3A_365 = arith.index_cast %scan3A_358 : i32 to index
        %get3A_366 = arith.constant 0 : index
        %get3A_367 = tpu.vector_load %arg19[%get3A_365, %get3A_366] {strides = array<i32>} : memref<80x128xf32, #tpu.memory_space<vmem>>, vector<1x16xf32>,
        %get3A_368 = vector.shape_cast %get3A_367 : vector<1x16xf32> to vector<16xf32>
        %mul3A_369 = arith.mulf %get3A_368, %broadcast_in_dim3A : vector<16xf32>
        %mul3A_370 = arith.mulf %get3A_364, %mul3A_369 : vector<16xf32>
        %swap3A = arith.index_cast %scan3A_358 : i32 to index
        %swap3A_371 = arith.constant 0 : index
        %swap3A_372 = tpu.vector_load %arg17[%swap3A, %swap3A_371] {strides = array<i32>} : memref<80x128xf32, #tpu.memory_space<vmem>>, vector<1x16xf32>,
        %swap3A_373 = vector.shape_cast %swap3A_372 : vector<1x16xf32> to vector<16xf32>
        %swap3A_374 = vector.shape_cast %mul3A_370 : vector<16xf32> to vector<1x16xf32>
        tpu.vector_store %arg17[%swap3A, %swap3A_371], %swap3A_374 {strides = array<i32>} : memref<80x128xf32, #tpu.memory_space<vmem>>, vector<1x16xf32>,
        %get3A_375 = arith.index_cast %scan3A_358 : i32 to index
        %get3A_376 = arith.constant 16 : index
        %get3A_377 = tpu.vector_load %arg17[%get3A_375, %get3A_376] {strides = array<i32>} : memref<80x128xf32, #tpu.memory_space<vmem>>, vector<1x16xf32>,
        %get3A_378 = vector.shape_cast %get3A_377 : vector<1x16xf32> to vector<16xf32>
        %get3A_379 = arith.index_cast %scan3A_358 : i32 to index
        %get3A_380 = arith.constant 16 : index
        %get3A_381 = tpu.vector_load %arg19[%get3A_379, %get3A_380] {strides = array<i32>} : memref<80x128xf32, #tpu.memory_space<vmem>>, vector<1x16xf32>,
        %get3A_382 = vector.shape_cast %get3A_381 : vector<1x16xf32> to vector<16xf32>
        %mul3A_383 = arith.mulf %get3A_382, %broadcast_in_dim3A : vector<16xf32>
        %mul3A_384 = arith.mulf %get3A_378, %mul3A_383 : vector<16xf32>
        %swap3A_385 = arith.index_cast %scan3A_358 : i32 to index
        %swap3A_386 = arith.constant 16 : index
        %swap3A_387 = tpu.vector_load %arg17[%swap3A_385, %swap3A_386] {strides = array<i32>} : memref<80x128xf32, #tpu.memory_space<vmem>>, vector<1x16xf32>,
        %swap3A_388 = vector.shape_cast %swap3A_387 : vector<1x16xf32> to vector<16xf32>
        %swap3A_389 = vector.shape_cast %mul3A_384 : vector<16xf32> to vector<1x16xf32>
        tpu.vector_store %arg17[%swap3A_385, %swap3A_386], %swap3A_389 {strides = array<i32>} : memref<80x128xf32, #tpu.memory_space<vmem>>, vector<1x16xf32>,
        %get3A_390 = arith.index_cast %scan3A_358 : i32 to index
        %get3A_391 = arith.constant 32 : index
        %get3A_392 = tpu.vector_load %arg17[%get3A_390, %get3A_391] {strides = array<i32>} : memref<80x128xf32, #tpu.memory_space<vmem>>, vector<1x16xf32>,
        %get3A_393 = vector.shape_cast %get3A_392 : vector<1x16xf32> to vector<16xf32>
        %get3A_394 = arith.index_cast %scan3A_358 : i32 to index
        %get3A_395 = arith.constant 32 : index
        %get3A_396 = tpu.vector_load %arg19[%get3A_394, %get3A_395] {strides = array<i32>} : memref<80x128xf32, #tpu.memory_space<vmem>>, vector<1x16xf32>,
        %get3A_397 = vector.shape_cast %get3A_396 : vector<1x16xf32> to vector<16xf32>
        %mul3A_398 = arith.mulf %get3A_397, %broadcast_in_dim3A : vector<16xf32>
        %mul3A_399 = arith.mulf %get3A_393, %mul3A_398 : vector<16xf32>
        %swap3A_400 = arith.index_cast %scan3A_358 : i32 to index
        %swap3A_401 = arith.constant 32 : index
        %swap3A_402 = tpu.vector_load %arg17[%swap3A_400, %swap3A_401] {strides = array<i32>} : memref<80x128xf32, #tpu.memory_space<vmem>>, vector<1x16xf32>,
        %swap3A_403 = vector.shape_cast %swap3A_402 : vector<1x16xf32> to vector<16xf32>
        %swap3A_404 = vector.shape_cast %mul3A_399 : vector<16xf32> to vector<1x16xf32>
        tpu.vector_store %arg17[%swap3A_400, %swap3A_401], %swap3A_404 {strides = array<i32>} : memref<80x128xf32, #tpu.memory_space<vmem>>, vector<1x16xf32>,
        %get3A_405 = arith.index_cast %scan3A_358 : i32 to index
        %get3A_406 = arith.constant 48 : index
        %get3A_407 = tpu.vector_load %arg17[%get3A_405, %get3A_406] {strides = array<i32>} : memref<80x128xf32, #tpu.memory_space<vmem>>, vector<1x16xf32>,
        %get3A_408 = vector.shape_cast %get3A_407 : vector<1x16xf32> to vector<16xf32>
        %get3A_409 = arith.index_cast %scan3A_358 : i32 to index
        %get3A_410 = arith.constant 48 : index
        %get3A_411 = tpu.vector_load %arg19[%get3A_409, %get3A_410] {strides = array<i32>} : memref<80x128xf32, #tpu.memory_space<vmem>>, vector<1x16xf32>,
        %get3A_412 = vector.shape_cast %get3A_411 : vector<1x16xf32> to vector<16xf32>
        %mul3A_413 = arith.mulf %get3A_412, %broadcast_in_dim3A : vector<16xf32>
        %mul3A_414 = arith.mulf %get3A_408, %mul3A_413 : vector<16xf32>
        %swap3A_415 = arith.index_cast %scan3A_358 : i32 to index
        %swap3A_416 = arith.constant 48 : index
        %swap3A_417 = tpu.vector_load %arg17[%swap3A_415, %swap3A_416] {strides = array<i32>} : memref<80x128xf32, #tpu.memory_space<vmem>>, vector<1x16xf32>,
        %swap3A_418 = vector.shape_cast %swap3A_417 : vector<1x16xf32> to vector<16xf32>
        %swap3A_419 = vector.shape_cast %mul3A_414 : vector<16xf32> to vector<1x16xf32>
        tpu.vector_store %arg17[%swap3A_415, %swap3A_416], %swap3A_419 {strides = array<i32>} : memref<80x128xf32, #tpu.memory_space<vmem>>, vector<1x16xf32>,
        %get3A_420 = arith.index_cast %scan3A_358 : i32 to index
        %get3A_421 = arith.constant 64 : index
        %get3A_422 = tpu.vector_load %arg17[%get3A_420, %get3A_421] {strides = array<i32>} : memref<80x128xf32, #tpu.memory_space<vmem>>, vector<1x16xf32>,
        %get3A_423 = vector.shape_cast %get3A_422 : vector<1x16xf32> to vector<16xf32>
        %get3A_424 = arith.index_cast %scan3A_358 : i32 to index
        %get3A_425 = arith.constant 64 : index
        %get3A_426 = tpu.vector_load %arg19[%get3A_424, %get3A_425] {strides = array<i32>} : memref<80x128xf32, #tpu.memory_space<vmem>>, vector<1x16xf32>,
        %get3A_427 = vector.shape_cast %get3A_426 : vector<1x16xf32> to vector<16xf32>
        %mul3A_428 = arith.mulf %get3A_427, %broadcast_in_dim3A : vector<16xf32>
        %mul3A_429 = arith.mulf %get3A_423, %mul3A_428 : vector<16xf32>
        %swap3A_430 = arith.index_cast %scan3A_358 : i32 to index
        %swap3A_431 = arith.constant 64 : index
        %swap3A_432 = tpu.vector_load %arg17[%swap3A_430, %swap3A_431] {strides = array<i32>} : memref<80x128xf32, #tpu.memory_space<vmem>>, vector<1x16xf32>,
        %swap3A_433 = vector.shape_cast %swap3A_432 : vector<1x16xf32> to vector<16xf32>
        %swap3A_434 = vector.shape_cast %mul3A_429 : vector<16xf32> to vector<1x16xf32>
        tpu.vector_store %arg17[%swap3A_430, %swap3A_431], %swap3A_434 {strides = array<i32>} : memref<80x128xf32, #tpu.memory_space<vmem>>, vector<1x16xf32>,
        %get3A_435 = arith.index_cast %scan3A_358 : i32 to index
        %get3A_436 = arith.constant 80 : index
        %get3A_437 = tpu.vector_load %arg17[%get3A_435, %get3A_436] {strides = array<i32>} : memref<80x128xf32, #tpu.memory_space<vmem>>, vector<1x16xf32>,
        %get3A_438 = vector.shape_cast %get3A_437 : vector<1x16xf32> to vector<16xf32>
        %get3A_439 = arith.index_cast %scan3A_358 : i32 to index
        %get3A_440 = arith.constant 80 : index
        %get3A_441 = tpu.vector_load %arg19[%get3A_439, %get3A_440] {strides = array<i32>} : memref<80x128xf32, #tpu.memory_space<vmem>>, vector<1x16xf32>,
        %get3A_442 = vector.shape_cast %get3A_441 : vector<1x16xf32> to vector<16xf32>
        %mul3A_443 = arith.mulf %get3A_442, %broadcast_in_dim3A : vector<16xf32>
        %mul3A_444 = arith.mulf %get3A_438, %mul3A_443 : vector<16xf32>
        %swap3A_445 = arith.index_cast %scan3A_358 : i32 to index
        %swap3A_446 = arith.constant 80 : index
        %swap3A_447 = tpu.vector_load %arg17[%swap3A_445, %swap3A_446] {strides = array<i32>} : memref<80x128xf32, #tpu.memory_space<vmem>>, vector<1x16xf32>,
        %swap3A_448 = vector.shape_cast %swap3A_447 : vector<1x16xf32> to vector<16xf32>
        %swap3A_449 = vector.shape_cast %mul3A_444 : vector<16xf32> to vector<1x16xf32>
        tpu.vector_store %arg17[%swap3A_445, %swap3A_446], %swap3A_449 {strides = array<i32>} : memref<80x128xf32, #tpu.memory_space<vmem>>, vector<1x16xf32>,
        %get3A_450 = arith.index_cast %scan3A_358 : i32 to index
        %get3A_451 = arith.constant 96 : index
        %get3A_452 = tpu.vector_load %arg17[%get3A_450, %get3A_451] {strides = array<i32>} : memref<80x128xf32, #tpu.memory_space<vmem>>, vector<1x16xf32>,
        %get3A_453 = vector.shape_cast %get3A_452 : vector<1x16xf32> to vector<16xf32>
        %get3A_454 = arith.index_cast %scan3A_358 : i32 to index
        %get3A_455 = arith.constant 96 : index
        %get3A_456 = tpu.vector_load %arg19[%get3A_454, %get3A_455] {strides = array<i32>} : memref<80x128xf32, #tpu.memory_space<vmem>>, vector<1x16xf32>,
        %get3A_457 = vector.shape_cast %get3A_456 : vector<1x16xf32> to vector<16xf32>
        %mul3A_458 = arith.mulf %get3A_457, %broadcast_in_dim3A : vector<16xf32>
        %mul3A_459 = arith.mulf %get3A_453, %mul3A_458 : vector<16xf32>
        %swap3A_460 = arith.index_cast %scan3A_358 : i32 to index
        %swap3A_461 = arith.constant 96 : index
        %swap3A_462 = tpu.vector_load %arg17[%swap3A_460, %swap3A_461] {strides = array<i32>} : memref<80x128xf32, #tpu.memory_space<vmem>>, vector<1x16xf32>,
        %swap3A_463 = vector.shape_cast %swap3A_462 : vector<1x16xf32> to vector<16xf32>
        %swap3A_464 = vector.shape_cast %mul3A_459 : vector<16xf32> to vector<1x16xf32>
        tpu.vector_store %arg17[%swap3A_460, %swap3A_461], %swap3A_464 {strides = array<i32>} : memref<80x128xf32, #tpu.memory_space<vmem>>, vector<1x16xf32>,
        %get3A_465 = arith.index_cast %scan3A_358 : i32 to index
        %get3A_466 = arith.constant 112 : index
        %get3A_467 = tpu.vector_load %arg17[%get3A_465, %get3A_466] {strides = array<i32>} : memref<80x128xf32, #tpu.memory_space<vmem>>, vector<1x16xf32>,
        %get3A_468 = vector.shape_cast %get3A_467 : vector<1x16xf32> to vector<16xf32>
        %get3A_469 = arith.index_cast %scan3A_358 : i32 to index
        %get3A_470 = arith.constant 112 : index
        %get3A_471 = tpu.vector_load %arg19[%get3A_469, %get3A_470] {strides = array<i32>} : memref<80x128xf32, #tpu.memory_space<vmem>>, vector<1x16xf32>,
        %get3A_472 = vector.shape_cast %get3A_471 : vector<1x16xf32> to vector<16xf32>
        %mul3A_473 = arith.mulf %get3A_472, %broadcast_in_dim3A : vector<16xf32>
        %mul3A_474 = arith.mulf %get3A_468, %mul3A_473 : vector<16xf32>
        %swap3A_475 = arith.index_cast %scan3A_358 : i32 to index
        %swap3A_476 = arith.constant 112 : index
        %swap3A_477 = tpu.vector_load %arg17[%swap3A_475, %swap3A_476] {strides = array<i32>} : memref<80x128xf32, #tpu.memory_space<vmem>>, vector<1x16xf32>,
        %swap3A_478 = vector.shape_cast %swap3A_477 : vector<1x16xf32> to vector<16xf32>
        %swap3A_479 = vector.shape_cast %mul3A_474 : vector<16xf32> to vector<1x16xf32>
        tpu.vector_store %arg17[%swap3A_475, %swap3A_476], %swap3A_479 {strides = array<i32>} : memref<80x128xf32, #tpu.memory_space<vmem>>, vector<1x16xf32>,
      }
      %scan3A_222 = arith.constant 80 : i32
      %mul3A_223 = arith.constant 80 : i32
      %mul3A_224 = arith.muli %add3A_197, %mul3A_223 : i32
      %add3A_225 = arith.addi %mul3A_2, %mul3A_224 : i32
      %dma_wait3A_226 = tpu.memref_slice %arg6[%add3A_225] : memref<320000xi32, #tpu.memory_space<hbm>> -> memref<80xi32, #tpu.memory_space<hbm>>
      %dma_wait3A_227 = tpu.memref_slice %arg6[%add3A_225] : memref<320000xi32, #tpu.memory_space<hbm>> -> memref<80xi32, #tpu.memory_space<hbm>>
      tpu.wait_dma2 semaphore(%arg26 : memref<!tpu.dma_semaphore, #tpu.memory_space<semaphore_mem>>) src(%dma_wait3A_227 : memref<80xi32, #tpu.memory_space<hbm>>) dst(%arg13 : memref<80xi32, #tpu.memory_space<vmem>>)
      "tpu.region"() ({
        %run_scoped3A = tpu.sem_alloc : memref<!tpu.dma_semaphore, #tpu.memory_space<semaphore_mem>>
        %dma_start3A_358 = arith.constant 0 : i32
        %dma_start3A_359 = arith.constant 0 : i32
        %dma_start3A_360 = tpu.memref_slice %arg20[%dma_start3A_358, %dma_start3A_359] : memref<10240x128xf32, #tpu.memory_space<vmem_shared>> -> memref<10240x128xf32, #tpu.memory_space<vmem_shared>>
        tpu.enqueue_indirect_dma source(%arg17 : memref<80x128xf32, #tpu.memory_space<vmem>>) target(%dma_start3A_360 : memref<10240x128xf32, #tpu.memory_space<vmem_shared>>) offsets(%arg13 : memref<80xi32, #tpu.memory_space<vmem>>) semaphore(%run_scoped3A : memref<!tpu.dma_semaphore, #tpu.memory_space<semaphore_mem>>) {add = true}
        %dma_wait3A_361 = arith.constant 0 : i32
        %dma_wait3A_362 = arith.constant 0 : i32
        %dma_wait3A_363 = tpu.memref_slice %arg20[%dma_wait3A_361, %dma_wait3A_362] : memref<10240x128xf32, #tpu.memory_space<vmem_shared>> -> memref<10240x128xf32, #tpu.memory_space<vmem_shared>>
        tpu.wait_indirect_dma semaphore(%run_scoped3A : memref<!tpu.dma_semaphore, #tpu.memory_space<semaphore_mem>>) src(%arg17 : memref<80x128xf32, #tpu.memory_space<vmem>>) dst(%dma_wait3A_363 : memref<10240x128xf32, #tpu.memory_space<vmem_shared>>)
        tpu.yield
      }) : () -> ()
      %add3A_228 = arith.constant 4 : i32
      %add3A_229 = arith.addi %add3A_197, %add3A_228 : i32
      %lt3A_230 = arith.constant 125 : i32
      %lt3A_231 = arith.cmpi slt, %add3A_229, %lt3A_230 : i32
      %convert_element_type3A_232 = arith.extui %lt3A_231 : i1 to i32
      %cond3A_233 = arith.constant 0 : i32
      %cond3A_234 = arith.cmpi ne, %convert_element_type3A_232, %cond3A_233 : i32
      scf.if %cond3A_234 {
        %add3A_358 = arith.constant 4 : i32
        %add3A_359 = arith.addi %add3A_197, %add3A_358 : i32
        %mul3A_360 = arith.constant 80 : i32
        %mul3A_361 = arith.muli %add3A_359, %mul3A_360 : i32
        %add3A_362 = arith.addi %mul3A_2, %mul3A_361 : i32
        %dma_start3A_363 = tpu.memref_slice %arg5[%add3A_362] : memref<320000xi32, #tpu.memory_space<hbm>> -> memref<80xi32, #tpu.memory_space<hbm>>
        %dma_start3A_364 = tpu.memref_slice %arg5[%add3A_362] : memref<320000xi32, #tpu.memory_space<hbm>> -> memref<80xi32, #tpu.memory_space<hbm>>
        tpu.enqueue_dma source(%dma_start3A_364 : memref<80xi32, #tpu.memory_space<hbm>>) target(%arg9 : memref<80xi32, #tpu.memory_space<vmem>>) target_semaphore(%arg22 : memref<!tpu.dma_semaphore, #tpu.memory_space<semaphore_mem>>)
      } else {
      }
      %add3A_235 = arith.constant 3 : i32
      %add3A_236 = arith.addi %mul3A_130, %add3A_235 : i32
      %mul3A_237 = arith.constant 80 : i32
      %mul3A_238 = arith.muli %add3A_236, %mul3A_237 : i32
      %add3A_239 = arith.addi %mul3A_2, %mul3A_238 : i32
      %dma_wait3A_240 = tpu.memref_slice %arg5[%add3A_239] : memref<320000xi32, #tpu.memory_space<hbm>> -> memref<80xi32, #tpu.memory_space<hbm>>
      %dma_wait3A_241 = tpu.memref_slice %arg5[%add3A_239] : memref<320000xi32, #tpu.memory_space<hbm>> -> memref<80xi32, #tpu.memory_space<hbm>>
      tpu.wait_dma2 semaphore(%arg24 : memref<!tpu.dma_semaphore, #tpu.memory_space<semaphore_mem>>) src(%dma_wait3A_241 : memref<80xi32, #tpu.memory_space<hbm>>) dst(%arg11 : memref<80xi32, #tpu.memory_space<vmem>>)
      %mul3A_242 = arith.constant 80 : i32
      %mul3A_243 = arith.muli %add3A_236, %mul3A_242 : i32
      %add3A_244 = arith.addi %mul3A_2, %mul3A_243 : i32
      %dma_start3A_245 = tpu.memref_slice %arg6[%add3A_244] : memref<320000xi32, #tpu.memory_space<hbm>> -> memref<80xi32, #tpu.memory_space<hbm>>
      %dma_start3A_246 = tpu.memref_slice %arg6[%add3A_244] : memref<320000xi32, #tpu.memory_space<hbm>> -> memref<80xi32, #tpu.memory_space<hbm>>
      tpu.enqueue_dma source(%dma_start3A_246 : memref<80xi32, #tpu.memory_space<hbm>>) target(%arg13 : memref<80xi32, #tpu.memory_space<vmem>>) target_semaphore(%arg26 : memref<!tpu.dma_semaphore, #tpu.memory_space<semaphore_mem>>)
      %mul3A_247 = arith.constant 80 : i32
      %mul3A_248 = arith.muli %add3A_236, %mul3A_247 : i32
      %add3A_249 = arith.addi %mul3A_2, %mul3A_248 : i32
      %dma_start3A_250 = arith.constant 0 : i32
      %dma_start3A_251 = tpu.memref_slice %arg15[%dma_start3A_250] : memref<96xf32, #tpu.memory_space<vmem>> -> memref<80xf32, #tpu.memory_space<vmem>>
      %dma_start3A_252 = tpu.memref_slice %arg4[%add3A_249] : memref<320000xf32, #tpu.memory_space<hbm>> -> memref<80xf32, #tpu.memory_space<hbm>>
      %dma_start3A_253 = arith.constant 0 : i32
      %dma_start3A_254 = tpu.memref_slice %arg15[%dma_start3A_253] : memref<96xf32, #tpu.memory_space<vmem>> -> memref<80xf32, #tpu.memory_space<vmem>>
      %dma_start3A_255 = tpu.memref_slice %arg4[%add3A_249] : memref<320000xf32, #tpu.memory_space<hbm>> -> memref<80xf32, #tpu.memory_space<hbm>>
      tpu.enqueue_dma source(%dma_start3A_255 : memref<80xf32, #tpu.memory_space<hbm>>) target(%dma_start3A_254 : memref<80xf32, #tpu.memory_space<vmem>>) target_semaphore(%arg28 : memref<!tpu.dma_semaphore, #tpu.memory_space<semaphore_mem>>)
      %dma_start3A_256 = arith.constant 0 : i32
      %dma_start3A_257 = arith.constant 0 : i32
      %dma_start3A_258 = tpu.memref_slice %arg2[%dma_start3A_256, %dma_start3A_257] : memref<10000x128xf32, #tpu.memory_space<hbm>> -> memref<10000x128xf32, #tpu.memory_space<hbm>>
      tpu.enqueue_indirect_dma source(%dma_start3A_258 : memref<10000x128xf32, #tpu.memory_space<hbm>>) target(%arg17 : memref<80x128xf32, #tpu.memory_space<vmem>>) offsets(%arg11 : memref<80xi32, #tpu.memory_space<vmem>>) semaphore(%arg30 : memref<!tpu.dma_semaphore, #tpu.memory_space<semaphore_mem>>)
      %mul3A_259 = arith.constant 80 : i32
      %mul3A_260 = arith.muli %add3A_236, %mul3A_259 : i32
      %add3A_261 = arith.addi %mul3A_2, %mul3A_260 : i32
      %dma_start3A_262 = arith.constant 0 : i32
      %dma_start3A_263 = tpu.memref_slice %arg3[%add3A_261, %dma_start3A_262] : memref<320000x128xf32, #tpu.memory_space<hbm>> -> memref<80x128xf32, #tpu.memory_space<hbm>>
      %dma_start3A_264 = arith.constant 0 : i32
      %dma_start3A_265 = tpu.memref_slice %arg3[%add3A_261, %dma_start3A_264] : memref<320000x128xf32, #tpu.memory_space<hbm>> -> memref<80x128xf32, #tpu.memory_space<hbm>>
      tpu.enqueue_dma source(%dma_start3A_265 : memref<80x128xf32, #tpu.memory_space<hbm>>) target(%arg19 : memref<80x128xf32, #tpu.memory_space<vmem>>) target_semaphore(%arg32 : memref<!tpu.dma_semaphore, #tpu.memory_space<semaphore_mem>>)
      %add3A_266 = arith.constant 2 : i32
      %add3A_267 = arith.addi %mul3A_130, %add3A_266 : i32
      %dma_wait3A_268 = arith.constant 0 : i32
      %dma_wait3A_269 = arith.constant 0 : i32
      %dma_wait3A_270 = tpu.memref_slice %arg2[%dma_wait3A_268, %dma_wait3A_269] : memref<10000x128xf32, #tpu.memory_space<hbm>> -> memref<10000x128xf32, #tpu.memory_space<hbm>>
      tpu.wait_indirect_dma semaphore(%arg29 : memref<!tpu.dma_semaphore, #tpu.memory_space<semaphore_mem>>) src(%dma_wait3A_270 : memref<10000x128xf32, #tpu.memory_space<hbm>>) dst(%arg16 : memref<80x128xf32, #tpu.memory_space<vmem>>)
      %mul3A_271 = arith.constant 80 : i32
      %mul3A_272 = arith.muli %add3A_267, %mul3A_271 : i32
      %add3A_273 = arith.addi %mul3A_2, %mul3A_272 : i32
      %dma_wait3A_274 = arith.constant 0 : i32
      %dma_wait3A_275 = tpu.memref_slice %arg3[%add3A_273, %dma_wait3A_274] : memref<320000x128xf32, #tpu.memory_space<hbm>> -> memref<80x128xf32, #tpu.memory_space<hbm>>
      %dma_wait3A_276 = arith.constant 0 : i32
      %dma_wait3A_277 = tpu.memref_slice %arg3[%add3A_273, %dma_wait3A_276] : memref<320000x128xf32, #tpu.memory_space<hbm>> -> memref<80x128xf32, #tpu.memory_space<hbm>>
      tpu.wait_dma2 semaphore(%arg31 : memref<!tpu.dma_semaphore, #tpu.memory_space<semaphore_mem>>) src(%dma_wait3A_277 : memref<80x128xf32, #tpu.memory_space<hbm>>) dst(%arg18 : memref<80x128xf32, #tpu.memory_space<vmem>>)
      %mul3A_278 = arith.constant 80 : i32
      %mul3A_279 = arith.muli %add3A_267, %mul3A_278 : i32
      %add3A_280 = arith.addi %mul3A_2, %mul3A_279 : i32
      %dma_wait3A_281 = arith.constant 0 : i32
      %dma_wait3A_282 = tpu.memref_slice %arg14[%dma_wait3A_281] : memref<96xf32, #tpu.memory_space<vmem>> -> memref<80xf32, #tpu.memory_space<vmem>>
      %dma_wait3A_283 = tpu.memref_slice %arg4[%add3A_280] : memref<320000xf32, #tpu.memory_space<hbm>> -> memref<80xf32, #tpu.memory_space<hbm>>
      %dma_wait3A_284 = arith.constant 0 : i32
      %dma_wait3A_285 = tpu.memref_slice %arg14[%dma_wait3A_284] : memref<96xf32, #tpu.memory_space<vmem>> -> memref<80xf32, #tpu.memory_space<vmem>>
      %dma_wait3A_286 = tpu.memref_slice %arg4[%add3A_280] : memref<320000xf32, #tpu.memory_space<hbm>> -> memref<80xf32, #tpu.memory_space<hbm>>
      tpu.wait_dma2 semaphore(%arg27 : memref<!tpu.dma_semaphore, #tpu.memory_space<semaphore_mem>>) src(%dma_wait3A_286 : memref<80xf32, #tpu.memory_space<hbm>>) dst(%dma_wait3A_285 : memref<80xf32, #tpu.memory_space<vmem>>)
      %scan3A_287 = arith.constant 0 : i32
      %scan3A_288 = arith.constant 0 : i32
      %scan3A_289 = arith.constant 80 : i32
      %scan3A_290 = arith.addi %scan3A_288, %scan3A_289 : i32
      %scan3A_291 = arith.constant 1 : i32
      scf.for %scan3A_358 = %scan3A_288 to %scan3A_290 step %scan3A_291  : i32 {
        %get3A = arith.index_cast %scan3A_358 : i32 to index
        %get3A_359 = tpu.vector_load %arg14[%get3A] {strides = array<i32>} : memref<96xf32, #tpu.memory_space<vmem>>, vector<16xf32>,
        %get3A_360 = vector.shape_cast %get3A_359 : vector<16xf32> to vector<16xf32>
        %slice3A = vector.extract_strided_slice %get3A_360 {offsets = [0], sizes = [1], strides = [1]} : vector<16xf32> to vector<1xf32>
        %squeeze3A = vector.extract %slice3A[0] : f32 from vector<1xf32>
        %broadcast_in_dim3A = vector.broadcast %squeeze3A : f32 to vector<16xf32>
        %get3A_361 = arith.index_cast %scan3A_358 : i32 to index
        %get3A_362 = arith.constant 0 : index
        %get3A_363 = tpu.vector_load %arg16[%get3A_361, %get3A_362] {strides = array<i32>} : memref<80x128xf32, #tpu.memory_space<vmem>>, vector<1x16xf32>,
        %get3A_364 = vector.shape_cast %get3A_363 : vector<1x16xf32> to vector<16xf32>
        %get3A_365 = arith.index_cast %scan3A_358 : i32 to index
        %get3A_366 = arith.constant 0 : index
        %get3A_367 = tpu.vector_load %arg18[%get3A_365, %get3A_366] {strides = array<i32>} : memref<80x128xf32, #tpu.memory_space<vmem>>, vector<1x16xf32>,
        %get3A_368 = vector.shape_cast %get3A_367 : vector<1x16xf32> to vector<16xf32>
        %mul3A_369 = arith.mulf %get3A_368, %broadcast_in_dim3A : vector<16xf32>
        %mul3A_370 = arith.mulf %get3A_364, %mul3A_369 : vector<16xf32>
        %swap3A = arith.index_cast %scan3A_358 : i32 to index
        %swap3A_371 = arith.constant 0 : index
        %swap3A_372 = tpu.vector_load %arg16[%swap3A, %swap3A_371] {strides = array<i32>} : memref<80x128xf32, #tpu.memory_space<vmem>>, vector<1x16xf32>,
        %swap3A_373 = vector.shape_cast %swap3A_372 : vector<1x16xf32> to vector<16xf32>
        %swap3A_374 = vector.shape_cast %mul3A_370 : vector<16xf32> to vector<1x16xf32>
        tpu.vector_store %arg16[%swap3A, %swap3A_371], %swap3A_374 {strides = array<i32>} : memref<80x128xf32, #tpu.memory_space<vmem>>, vector<1x16xf32>,
        %get3A_375 = arith.index_cast %scan3A_358 : i32 to index
        %get3A_376 = arith.constant 16 : index
        %get3A_377 = tpu.vector_load %arg16[%get3A_375, %get3A_376] {strides = array<i32>} : memref<80x128xf32, #tpu.memory_space<vmem>>, vector<1x16xf32>,
        %get3A_378 = vector.shape_cast %get3A_377 : vector<1x16xf32> to vector<16xf32>
        %get3A_379 = arith.index_cast %scan3A_358 : i32 to index
        %get3A_380 = arith.constant 16 : index
        %get3A_381 = tpu.vector_load %arg18[%get3A_379, %get3A_380] {strides = array<i32>} : memref<80x128xf32, #tpu.memory_space<vmem>>, vector<1x16xf32>,
        %get3A_382 = vector.shape_cast %get3A_381 : vector<1x16xf32> to vector<16xf32>
        %mul3A_383 = arith.mulf %get3A_382, %broadcast_in_dim3A : vector<16xf32>
        %mul3A_384 = arith.mulf %get3A_378, %mul3A_383 : vector<16xf32>
        %swap3A_385 = arith.index_cast %scan3A_358 : i32 to index
        %swap3A_386 = arith.constant 16 : index
        %swap3A_387 = tpu.vector_load %arg16[%swap3A_385, %swap3A_386] {strides = array<i32>} : memref<80x128xf32, #tpu.memory_space<vmem>>, vector<1x16xf32>,
        %swap3A_388 = vector.shape_cast %swap3A_387 : vector<1x16xf32> to vector<16xf32>
        %swap3A_389 = vector.shape_cast %mul3A_384 : vector<16xf32> to vector<1x16xf32>
        tpu.vector_store %arg16[%swap3A_385, %swap3A_386], %swap3A_389 {strides = array<i32>} : memref<80x128xf32, #tpu.memory_space<vmem>>, vector<1x16xf32>,
        %get3A_390 = arith.index_cast %scan3A_358 : i32 to index
        %get3A_391 = arith.constant 32 : index
        %get3A_392 = tpu.vector_load %arg16[%get3A_390, %get3A_391] {strides = array<i32>} : memref<80x128xf32, #tpu.memory_space<vmem>>, vector<1x16xf32>,
        %get3A_393 = vector.shape_cast %get3A_392 : vector<1x16xf32> to vector<16xf32>
        %get3A_394 = arith.index_cast %scan3A_358 : i32 to index
        %get3A_395 = arith.constant 32 : index
        %get3A_396 = tpu.vector_load %arg18[%get3A_394, %get3A_395] {strides = array<i32>} : memref<80x128xf32, #tpu.memory_space<vmem>>, vector<1x16xf32>,
        %get3A_397 = vector.shape_cast %get3A_396 : vector<1x16xf32> to vector<16xf32>
        %mul3A_398 = arith.mulf %get3A_397, %broadcast_in_dim3A : vector<16xf32>
        %mul3A_399 = arith.mulf %get3A_393, %mul3A_398 : vector<16xf32>
        %swap3A_400 = arith.index_cast %scan3A_358 : i32 to index
        %swap3A_401 = arith.constant 32 : index
        %swap3A_402 = tpu.vector_load %arg16[%swap3A_400, %swap3A_401] {strides = array<i32>} : memref<80x128xf32, #tpu.memory_space<vmem>>, vector<1x16xf32>,
        %swap3A_403 = vector.shape_cast %swap3A_402 : vector<1x16xf32> to vector<16xf32>
        %swap3A_404 = vector.shape_cast %mul3A_399 : vector<16xf32> to vector<1x16xf32>
        tpu.vector_store %arg16[%swap3A_400, %swap3A_401], %swap3A_404 {strides = array<i32>} : memref<80x128xf32, #tpu.memory_space<vmem>>, vector<1x16xf32>,
        %get3A_405 = arith.index_cast %scan3A_358 : i32 to index
        %get3A_406 = arith.constant 48 : index
        %get3A_407 = tpu.vector_load %arg16[%get3A_405, %get3A_406] {strides = array<i32>} : memref<80x128xf32, #tpu.memory_space<vmem>>, vector<1x16xf32>,
        %get3A_408 = vector.shape_cast %get3A_407 : vector<1x16xf32> to vector<16xf32>
        %get3A_409 = arith.index_cast %scan3A_358 : i32 to index
        %get3A_410 = arith.constant 48 : index
        %get3A_411 = tpu.vector_load %arg18[%get3A_409, %get3A_410] {strides = array<i32>} : memref<80x128xf32, #tpu.memory_space<vmem>>, vector<1x16xf32>,
        %get3A_412 = vector.shape_cast %get3A_411 : vector<1x16xf32> to vector<16xf32>
        %mul3A_413 = arith.mulf %get3A_412, %broadcast_in_dim3A : vector<16xf32>
        %mul3A_414 = arith.mulf %get3A_408, %mul3A_413 : vector<16xf32>
        %swap3A_415 = arith.index_cast %scan3A_358 : i32 to index
        %swap3A_416 = arith.constant 48 : index
        %swap3A_417 = tpu.vector_load %arg16[%swap3A_415, %swap3A_416] {strides = array<i32>} : memref<80x128xf32, #tpu.memory_space<vmem>>, vector<1x16xf32>,
        %swap3A_418 = vector.shape_cast %swap3A_417 : vector<1x16xf32> to vector<16xf32>
        %swap3A_419 = vector.shape_cast %mul3A_414 : vector<16xf32> to vector<1x16xf32>
        tpu.vector_store %arg16[%swap3A_415, %swap3A_416], %swap3A_419 {strides = array<i32>} : memref<80x128xf32, #tpu.memory_space<vmem>>, vector<1x16xf32>,
        %get3A_420 = arith.index_cast %scan3A_358 : i32 to index
        %get3A_421 = arith.constant 64 : index
        %get3A_422 = tpu.vector_load %arg16[%get3A_420, %get3A_421] {strides = array<i32>} : memref<80x128xf32, #tpu.memory_space<vmem>>, vector<1x16xf32>,
        %get3A_423 = vector.shape_cast %get3A_422 : vector<1x16xf32> to vector<16xf32>
        %get3A_424 = arith.index_cast %scan3A_358 : i32 to index
        %get3A_425 = arith.constant 64 : index
        %get3A_426 = tpu.vector_load %arg18[%get3A_424, %get3A_425] {strides = array<i32>} : memref<80x128xf32, #tpu.memory_space<vmem>>, vector<1x16xf32>,
        %get3A_427 = vector.shape_cast %get3A_426 : vector<1x16xf32> to vector<16xf32>
        %mul3A_428 = arith.mulf %get3A_427, %broadcast_in_dim3A : vector<16xf32>
        %mul3A_429 = arith.mulf %get3A_423, %mul3A_428 : vector<16xf32>
        %swap3A_430 = arith.index_cast %scan3A_358 : i32 to index
        %swap3A_431 = arith.constant 64 : index
        %swap3A_432 = tpu.vector_load %arg16[%swap3A_430, %swap3A_431] {strides = array<i32>} : memref<80x128xf32, #tpu.memory_space<vmem>>, vector<1x16xf32>,
        %swap3A_433 = vector.shape_cast %swap3A_432 : vector<1x16xf32> to vector<16xf32>
        %swap3A_434 = vector.shape_cast %mul3A_429 : vector<16xf32> to vector<1x16xf32>
        tpu.vector_store %arg16[%swap3A_430, %swap3A_431], %swap3A_434 {strides = array<i32>} : memref<80x128xf32, #tpu.memory_space<vmem>>, vector<1x16xf32>,
        %get3A_435 = arith.index_cast %scan3A_358 : i32 to index
        %get3A_436 = arith.constant 80 : index
        %get3A_437 = tpu.vector_load %arg16[%get3A_435, %get3A_436] {strides = array<i32>} : memref<80x128xf32, #tpu.memory_space<vmem>>, vector<1x16xf32>,
        %get3A_438 = vector.shape_cast %get3A_437 : vector<1x16xf32> to vector<16xf32>
        %get3A_439 = arith.index_cast %scan3A_358 : i32 to index
        %get3A_440 = arith.constant 80 : index
        %get3A_441 = tpu.vector_load %arg18[%get3A_439, %get3A_440] {strides = array<i32>} : memref<80x128xf32, #tpu.memory_space<vmem>>, vector<1x16xf32>,
        %get3A_442 = vector.shape_cast %get3A_441 : vector<1x16xf32> to vector<16xf32>
        %mul3A_443 = arith.mulf %get3A_442, %broadcast_in_dim3A : vector<16xf32>
        %mul3A_444 = arith.mulf %get3A_438, %mul3A_443 : vector<16xf32>
        %swap3A_445 = arith.index_cast %scan3A_358 : i32 to index
        %swap3A_446 = arith.constant 80 : index
        %swap3A_447 = tpu.vector_load %arg16[%swap3A_445, %swap3A_446] {strides = array<i32>} : memref<80x128xf32, #tpu.memory_space<vmem>>, vector<1x16xf32>,
        %swap3A_448 = vector.shape_cast %swap3A_447 : vector<1x16xf32> to vector<16xf32>
        %swap3A_449 = vector.shape_cast %mul3A_444 : vector<16xf32> to vector<1x16xf32>
        tpu.vector_store %arg16[%swap3A_445, %swap3A_446], %swap3A_449 {strides = array<i32>} : memref<80x128xf32, #tpu.memory_space<vmem>>, vector<1x16xf32>,
        %get3A_450 = arith.index_cast %scan3A_358 : i32 to index
        %get3A_451 = arith.constant 96 : index
        %get3A_452 = tpu.vector_load %arg16[%get3A_450, %get3A_451] {strides = array<i32>} : memref<80x128xf32, #tpu.memory_space<vmem>>, vector<1x16xf32>,
        %get3A_453 = vector.shape_cast %get3A_452 : vector<1x16xf32> to vector<16xf32>
        %get3A_454 = arith.index_cast %scan3A_358 : i32 to index
        %get3A_455 = arith.constant 96 : index
        %get3A_456 = tpu.vector_load %arg18[%get3A_454, %get3A_455] {strides = array<i32>} : memref<80x128xf32, #tpu.memory_space<vmem>>, vector<1x16xf32>,
        %get3A_457 = vector.shape_cast %get3A_456 : vector<1x16xf32> to vector<16xf32>
        %mul3A_458 = arith.mulf %get3A_457, %broadcast_in_dim3A : vector<16xf32>
        %mul3A_459 = arith.mulf %get3A_453, %mul3A_458 : vector<16xf32>
        %swap3A_460 = arith.index_cast %scan3A_358 : i32 to index
        %swap3A_461 = arith.constant 96 : index
        %swap3A_462 = tpu.vector_load %arg16[%swap3A_460, %swap3A_461] {strides = array<i32>} : memref<80x128xf32, #tpu.memory_space<vmem>>, vector<1x16xf32>,
        %swap3A_463 = vector.shape_cast %swap3A_462 : vector<1x16xf32> to vector<16xf32>
        %swap3A_464 = vector.shape_cast %mul3A_459 : vector<16xf32> to vector<1x16xf32>
        tpu.vector_store %arg16[%swap3A_460, %swap3A_461], %swap3A_464 {strides = array<i32>} : memref<80x128xf32, #tpu.memory_space<vmem>>, vector<1x16xf32>,
        %get3A_465 = arith.index_cast %scan3A_358 : i32 to index
        %get3A_466 = arith.constant 112 : index
        %get3A_467 = tpu.vector_load %arg16[%get3A_465, %get3A_466] {strides = array<i32>} : memref<80x128xf32, #tpu.memory_space<vmem>>, vector<1x16xf32>,
        %get3A_468 = vector.shape_cast %get3A_467 : vector<1x16xf32> to vector<16xf32>
        %get3A_469 = arith.index_cast %scan3A_358 : i32 to index
        %get3A_470 = arith.constant 112 : index
        %get3A_471 = tpu.vector_load %arg18[%get3A_469, %get3A_470] {strides = array<i32>} : memref<80x128xf32, #tpu.memory_space<vmem>>, vector<1x16xf32>,
        %get3A_472 = vector.shape_cast %get3A_471 : vector<1x16xf32> to vector<16xf32>
        %mul3A_473 = arith.mulf %get3A_472, %broadcast_in_dim3A : vector<16xf32>
        %mul3A_474 = arith.mulf %get3A_468, %mul3A_473 : vector<16xf32>
        %swap3A_475 = arith.index_cast %scan3A_358 : i32 to index
        %swap3A_476 = arith.constant 112 : index
        %swap3A_477 = tpu.vector_load %arg16[%swap3A_475, %swap3A_476] {strides = array<i32>} : memref<80x128xf32, #tpu.memory_space<vmem>>, vector<1x16xf32>,
        %swap3A_478 = vector.shape_cast %swap3A_477 : vector<1x16xf32> to vector<16xf32>
        %swap3A_479 = vector.shape_cast %mul3A_474 : vector<16xf32> to vector<1x16xf32>
        tpu.vector_store %arg16[%swap3A_475, %swap3A_476], %swap3A_479 {strides = array<i32>} : memref<80x128xf32, #tpu.memory_space<vmem>>, vector<1x16xf32>,
      }
      %scan3A_292 = arith.constant 80 : i32
      %mul3A_293 = arith.constant 80 : i32
      %mul3A_294 = arith.muli %add3A_267, %mul3A_293 : i32
      %add3A_295 = arith.addi %mul3A_2, %mul3A_294 : i32
      %dma_wait3A_296 = tpu.memref_slice %arg6[%add3A_295] : memref<320000xi32, #tpu.memory_space<hbm>> -> memref<80xi32, #tpu.memory_space<hbm>>
      %dma_wait3A_297 = tpu.memref_slice %arg6[%add3A_295] : memref<320000xi32, #tpu.memory_space<hbm>> -> memref<80xi32, #tpu.memory_space<hbm>>
      tpu.wait_dma2 semaphore(%arg25 : memref<!tpu.dma_semaphore, #tpu.memory_space<semaphore_mem>>) src(%dma_wait3A_297 : memref<80xi32, #tpu.memory_space<hbm>>) dst(%arg12 : memref<80xi32, #tpu.memory_space<vmem>>)
      "tpu.region"() ({
        %run_scoped3A = tpu.sem_alloc : memref<!tpu.dma_semaphore, #tpu.memory_space<semaphore_mem>>
        %dma_start3A_358 = arith.constant 0 : i32
        %dma_start3A_359 = arith.constant 0 : i32
        %dma_start3A_360 = tpu.memref_slice %arg20[%dma_start3A_358, %dma_start3A_359] : memref<10240x128xf32, #tpu.memory_space<vmem_shared>> -> memref<10240x128xf32, #tpu.memory_space<vmem_shared>>
        tpu.enqueue_indirect_dma source(%arg16 : memref<80x128xf32, #tpu.memory_space<vmem>>) target(%dma_start3A_360 : memref<10240x128xf32, #tpu.memory_space<vmem_shared>>) offsets(%arg12 : memref<80xi32, #tpu.memory_space<vmem>>) semaphore(%run_scoped3A : memref<!tpu.dma_semaphore, #tpu.memory_space<semaphore_mem>>) {add = true}
        %dma_wait3A_361 = arith.constant 0 : i32
        %dma_wait3A_362 = arith.constant 0 : i32
        %dma_wait3A_363 = tpu.memref_slice %arg20[%dma_wait3A_361, %dma_wait3A_362] : memref<10240x128xf32, #tpu.memory_space<vmem_shared>> -> memref<10240x128xf32, #tpu.memory_space<vmem_shared>>
        tpu.wait_indirect_dma semaphore(%run_scoped3A : memref<!tpu.dma_semaphore, #tpu.memory_space<semaphore_mem>>) src(%arg16 : memref<80x128xf32, #tpu.memory_space<vmem>>) dst(%dma_wait3A_363 : memref<10240x128xf32, #tpu.memory_space<vmem_shared>>)
        tpu.yield
      }) : () -> ()
      %add3A_298 = arith.constant 4 : i32
      %add3A_299 = arith.addi %add3A_267, %add3A_298 : i32
      %lt3A_300 = arith.constant 125 : i32
      %lt3A_301 = arith.cmpi slt, %add3A_299, %lt3A_300 : i32
      %convert_element_type3A_302 = arith.extui %lt3A_301 : i1 to i32
      %cond3A_303 = arith.constant 0 : i32
      %cond3A_304 = arith.cmpi ne, %convert_element_type3A_302, %cond3A_303 : i32
      scf.if %cond3A_304 {
        %add3A_358 = arith.constant 4 : i32
        %add3A_359 = arith.addi %add3A_267, %add3A_358 : i32
        %mul3A_360 = arith.constant 80 : i32
        %mul3A_361 = arith.muli %add3A_359, %mul3A_360 : i32
        %add3A_362 = arith.addi %mul3A_2, %mul3A_361 : i32
        %dma_start3A_363 = tpu.memref_slice %arg5[%add3A_362] : memref<320000xi32, #tpu.memory_space<hbm>> -> memref<80xi32, #tpu.memory_space<hbm>>
        %dma_start3A_364 = tpu.memref_slice %arg5[%add3A_362] : memref<320000xi32, #tpu.memory_space<hbm>> -> memref<80xi32, #tpu.memory_space<hbm>>
        tpu.enqueue_dma source(%dma_start3A_364 : memref<80xi32, #tpu.memory_space<hbm>>) target(%arg10 : memref<80xi32, #tpu.memory_space<vmem>>) target_semaphore(%arg23 : memref<!tpu.dma_semaphore, #tpu.memory_space<semaphore_mem>>)
      } else {
      }
      %add3A_305 = arith.constant 4 : i32
      %add3A_306 = arith.addi %mul3A_130, %add3A_305 : i32
      %lt3A_307 = arith.constant 125 : i32
      %lt3A_308 = arith.cmpi slt, %add3A_306, %lt3A_307 : i32
      %convert_element_type3A_309 = arith.extui %lt3A_308 : i1 to i32
      %cond3A_310 = arith.constant 0 : i32
      %cond3A_311 = arith.cmpi ne, %convert_element_type3A_309, %cond3A_310 : i32
      scf.if %cond3A_311 {
        %add3A_358 = arith.constant 4 : i32
        %add3A_359 = arith.addi %mul3A_130, %add3A_358 : i32
        %mul3A_360 = arith.constant 80 : i32
        %mul3A_361 = arith.muli %add3A_359, %mul3A_360 : i32
        %add3A_362 = arith.addi %mul3A_2, %mul3A_361 : i32
        %dma_wait3A_363 = tpu.memref_slice %arg5[%add3A_362] : memref<320000xi32, #tpu.memory_space<hbm>> -> memref<80xi32, #tpu.memory_space<hbm>>
        %dma_wait3A_364 = tpu.memref_slice %arg5[%add3A_362] : memref<320000xi32, #tpu.memory_space<hbm>> -> memref<80xi32, #tpu.memory_space<hbm>>
        tpu.wait_dma2 semaphore(%arg21 : memref<!tpu.dma_semaphore, #tpu.memory_space<semaphore_mem>>) src(%dma_wait3A_364 : memref<80xi32, #tpu.memory_space<hbm>>) dst(%arg8 : memref<80xi32, #tpu.memory_space<vmem>>)
        %mul3A_365 = arith.constant 80 : i32
        %mul3A_366 = arith.muli %add3A_359, %mul3A_365 : i32
        %add3A_367 = arith.addi %mul3A_2, %mul3A_366 : i32
        %dma_start3A_368 = tpu.memref_slice %arg6[%add3A_367] : memref<320000xi32, #tpu.memory_space<hbm>> -> memref<80xi32, #tpu.memory_space<hbm>>
        %dma_start3A_369 = tpu.memref_slice %arg6[%add3A_367] : memref<320000xi32, #tpu.memory_space<hbm>> -> memref<80xi32, #tpu.memory_space<hbm>>
        tpu.enqueue_dma source(%dma_start3A_369 : memref<80xi32, #tpu.memory_space<hbm>>) target(%arg12 : memref<80xi32, #tpu.memory_space<vmem>>) target_semaphore(%arg25 : memref<!tpu.dma_semaphore, #tpu.memory_space<semaphore_mem>>)
        %mul3A_370 = arith.constant 80 : i32
        %mul3A_371 = arith.muli %add3A_359, %mul3A_370 : i32
        %add3A_372 = arith.addi %mul3A_2, %mul3A_371 : i32
        %dma_start3A_373 = arith.constant 0 : i32
        %dma_start3A_374 = tpu.memref_slice %arg14[%dma_start3A_373] : memref<96xf32, #tpu.memory_space<vmem>> -> memref<80xf32, #tpu.memory_space<vmem>>
        %dma_start3A_375 = tpu.memref_slice %arg4[%add3A_372] : memref<320000xf32, #tpu.memory_space<hbm>> -> memref<80xf32, #tpu.memory_space<hbm>>
        %dma_start3A_376 = arith.constant 0 : i32
        %dma_start3A_377 = tpu.memref_slice %arg14[%dma_start3A_376] : memref<96xf32, #tpu.memory_space<vmem>> -> memref<80xf32, #tpu.memory_space<vmem>>
        %dma_start3A_378 = tpu.memref_slice %arg4[%add3A_372] : memref<320000xf32, #tpu.memory_space<hbm>> -> memref<80xf32, #tpu.memory_space<hbm>>
        tpu.enqueue_dma source(%dma_start3A_378 : memref<80xf32, #tpu.memory_space<hbm>>) target(%dma_start3A_377 : memref<80xf32, #tpu.memory_space<vmem>>) target_semaphore(%arg27 : memref<!tpu.dma_semaphore, #tpu.memory_space<semaphore_mem>>)
        %dma_start3A_379 = arith.constant 0 : i32
        %dma_start3A_380 = arith.constant 0 : i32
        %dma_start3A_381 = tpu.memref_slice %arg2[%dma_start3A_379, %dma_start3A_380] : memref<10000x128xf32, #tpu.memory_space<hbm>> -> memref<10000x128xf32, #tpu.memory_space<hbm>>
        tpu.enqueue_indirect_dma source(%dma_start3A_381 : memref<10000x128xf32, #tpu.memory_space<hbm>>) target(%arg16 : memref<80x128xf32, #tpu.memory_space<vmem>>) offsets(%arg8 : memref<80xi32, #tpu.memory_space<vmem>>) semaphore(%arg29 : memref<!tpu.dma_semaphore, #tpu.memory_space<semaphore_mem>>)
        %mul3A_382 = arith.constant 80 : i32
        %mul3A_383 = arith.muli %add3A_359, %mul3A_382 : i32
        %add3A_384 = arith.addi %mul3A_2, %mul3A_383 : i32
        %dma_start3A_385 = arith.constant 0 : i32
        %dma_start3A_386 = tpu.memref_slice %arg3[%add3A_384, %dma_start3A_385] : memref<320000x128xf32, #tpu.memory_space<hbm>> -> memref<80x128xf32, #tpu.memory_space<hbm>>
        %dma_start3A_387 = arith.constant 0 : i32
        %dma_start3A_388 = tpu.memref_slice %arg3[%add3A_384, %dma_start3A_387] : memref<320000x128xf32, #tpu.memory_space<hbm>> -> memref<80x128xf32, #tpu.memory_space<hbm>>
        tpu.enqueue_dma source(%dma_start3A_388 : memref<80x128xf32, #tpu.memory_space<hbm>>) target(%arg18 : memref<80x128xf32, #tpu.memory_space<vmem>>) target_semaphore(%arg31 : memref<!tpu.dma_semaphore, #tpu.memory_space<semaphore_mem>>)
      } else {
      }
      %add3A_312 = arith.constant 3 : i32
      %add3A_313 = arith.addi %mul3A_130, %add3A_312 : i32
      %dma_wait3A_314 = arith.constant 0 : i32
      %dma_wait3A_315 = arith.constant 0 : i32
      %dma_wait3A_316 = tpu.memref_slice %arg2[%dma_wait3A_314, %dma_wait3A_315] : memref<10000x128xf32, #tpu.memory_space<hbm>> -> memref<10000x128xf32, #tpu.memory_space<hbm>>
      tpu.wait_indirect_dma semaphore(%arg30 : memref<!tpu.dma_semaphore, #tpu.memory_space<semaphore_mem>>) src(%dma_wait3A_316 : memref<10000x128xf32, #tpu.memory_space<hbm>>) dst(%arg17 : memref<80x128xf32, #tpu.memory_space<vmem>>)
      %mul3A_317 = arith.constant 80 : i32
      %mul3A_318 = arith.muli %add3A_313, %mul3A_317 : i32
      %add3A_319 = arith.addi %mul3A_2, %mul3A_318 : i32
      %dma_wait3A_320 = arith.constant 0 : i32
      %dma_wait3A_321 = tpu.memref_slice %arg3[%add3A_319, %dma_wait3A_320] : memref<320000x128xf32, #tpu.memory_space<hbm>> -> memref<80x128xf32, #tpu.memory_space<hbm>>
      %dma_wait3A_322 = arith.constant 0 : i32
      %dma_wait3A_323 = tpu.memref_slice %arg3[%add3A_319, %dma_wait3A_322] : memref<320000x128xf32, #tpu.memory_space<hbm>> -> memref<80x128xf32, #tpu.memory_space<hbm>>
      tpu.wait_dma2 semaphore(%arg32 : memref<!tpu.dma_semaphore, #tpu.memory_space<semaphore_mem>>) src(%dma_wait3A_323 : memref<80x128xf32, #tpu.memory_space<hbm>>) dst(%arg19 : memref<80x128xf32, #tpu.memory_space<vmem>>)
      %mul3A_324 = arith.constant 80 : i32
      %mul3A_325 = arith.muli %add3A_313, %mul3A_324 : i32
      %add3A_326 = arith.addi %mul3A_2, %mul3A_325 : i32
      %dma_wait3A_327 = arith.constant 0 : i32
      %dma_wait3A_328 = tpu.memref_slice %arg15[%dma_wait3A_327] : memref<96xf32, #tpu.memory_space<vmem>> -> memref<80xf32, #tpu.memory_space<vmem>>
      %dma_wait3A_329 = tpu.memref_slice %arg4[%add3A_326] : memref<320000xf32, #tpu.memory_space<hbm>> -> memref<80xf32, #tpu.memory_space<hbm>>
      %dma_wait3A_330 = arith.constant 0 : i32
      %dma_wait3A_331 = tpu.memref_slice %arg15[%dma_wait3A_330] : memref<96xf32, #tpu.memory_space<vmem>> -> memref<80xf32, #tpu.memory_space<vmem>>
      %dma_wait3A_332 = tpu.memref_slice %arg4[%add3A_326] : memref<320000xf32, #tpu.memory_space<hbm>> -> memref<80xf32, #tpu.memory_space<hbm>>
      tpu.wait_dma2 semaphore(%arg28 : memref<!tpu.dma_semaphore, #tpu.memory_space<semaphore_mem>>) src(%dma_wait3A_332 : memref<80xf32, #tpu.memory_space<hbm>>) dst(%dma_wait3A_331 : memref<80xf32, #tpu.memory_space<vmem>>)
      %scan3A_333 = arith.constant 0 : i32
      %scan3A_334 = arith.constant 0 : i32
      %scan3A_335 = arith.constant 80 : i32
      %scan3A_336 = arith.addi %scan3A_334, %scan3A_335 : i32
      %scan3A_337 = arith.constant 1 : i32
      scf.for %scan3A_358 = %scan3A_334 to %scan3A_336 step %scan3A_337  : i32 {
        %get3A = arith.index_cast %scan3A_358 : i32 to index
        %get3A_359 = tpu.vector_load %arg15[%get3A] {strides = array<i32>} : memref<96xf32, #tpu.memory_space<vmem>>, vector<16xf32>,
        %get3A_360 = vector.shape_cast %get3A_359 : vector<16xf32> to vector<16xf32>
        %slice3A = vector.extract_strided_slice %get3A_360 {offsets = [0], sizes = [1], strides = [1]} : vector<16xf32> to vector<1xf32>
        %squeeze3A = vector.extract %slice3A[0] : f32 from vector<1xf32>
        %broadcast_in_dim3A = vector.broadcast %squeeze3A : f32 to vector<16xf32>
        %get3A_361 = arith.index_cast %scan3A_358 : i32 to index
        %get3A_362 = arith.constant 0 : index
        %get3A_363 = tpu.vector_load %arg17[%get3A_361, %get3A_362] {strides = array<i32>} : memref<80x128xf32, #tpu.memory_space<vmem>>, vector<1x16xf32>,
        %get3A_364 = vector.shape_cast %get3A_363 : vector<1x16xf32> to vector<16xf32>
        %get3A_365 = arith.index_cast %scan3A_358 : i32 to index
        %get3A_366 = arith.constant 0 : index
        %get3A_367 = tpu.vector_load %arg19[%get3A_365, %get3A_366] {strides = array<i32>} : memref<80x128xf32, #tpu.memory_space<vmem>>, vector<1x16xf32>,
        %get3A_368 = vector.shape_cast %get3A_367 : vector<1x16xf32> to vector<16xf32>
        %mul3A_369 = arith.mulf %get3A_368, %broadcast_in_dim3A : vector<16xf32>
        %mul3A_370 = arith.mulf %get3A_364, %mul3A_369 : vector<16xf32>
        %swap3A = arith.index_cast %scan3A_358 : i32 to index
        %swap3A_371 = arith.constant 0 : index
        %swap3A_372 = tpu.vector_load %arg17[%swap3A, %swap3A_371] {strides = array<i32>} : memref<80x128xf32, #tpu.memory_space<vmem>>, vector<1x16xf32>,
        %swap3A_373 = vector.shape_cast %swap3A_372 : vector<1x16xf32> to vector<16xf32>
        %swap3A_374 = vector.shape_cast %mul3A_370 : vector<16xf32> to vector<1x16xf32>
        tpu.vector_store %arg17[%swap3A, %swap3A_371], %swap3A_374 {strides = array<i32>} : memref<80x128xf32, #tpu.memory_space<vmem>>, vector<1x16xf32>,
        %get3A_375 = arith.index_cast %scan3A_358 : i32 to index
        %get3A_376 = arith.constant 16 : index
        %get3A_377 = tpu.vector_load %arg17[%get3A_375, %get3A_376] {strides = array<i32>} : memref<80x128xf32, #tpu.memory_space<vmem>>, vector<1x16xf32>,
        %get3A_378 = vector.shape_cast %get3A_377 : vector<1x16xf32> to vector<16xf32>
        %get3A_379 = arith.index_cast %scan3A_358 : i32 to index
        %get3A_380 = arith.constant 16 : index
        %get3A_381 = tpu.vector_load %arg19[%get3A_379, %get3A_380] {strides = array<i32>} : memref<80x128xf32, #tpu.memory_space<vmem>>, vector<1x16xf32>,
        %get3A_382 = vector.shape_cast %get3A_381 : vector<1x16xf32> to vector<16xf32>
        %mul3A_383 = arith.mulf %get3A_382, %broadcast_in_dim3A : vector<16xf32>
        %mul3A_384 = arith.mulf %get3A_378, %mul3A_383 : vector<16xf32>
        %swap3A_385 = arith.index_cast %scan3A_358 : i32 to index
        %swap3A_386 = arith.constant 16 : index
        %swap3A_387 = tpu.vector_load %arg17[%swap3A_385, %swap3A_386] {strides = array<i32>} : memref<80x128xf32, #tpu.memory_space<vmem>>, vector<1x16xf32>,
        %swap3A_388 = vector.shape_cast %swap3A_387 : vector<1x16xf32> to vector<16xf32>
        %swap3A_389 = vector.shape_cast %mul3A_384 : vector<16xf32> to vector<1x16xf32>
        tpu.vector_store %arg17[%swap3A_385, %swap3A_386], %swap3A_389 {strides = array<i32>} : memref<80x128xf32, #tpu.memory_space<vmem>>, vector<1x16xf32>,
        %get3A_390 = arith.index_cast %scan3A_358 : i32 to index
        %get3A_391 = arith.constant 32 : index
        %get3A_392 = tpu.vector_load %arg17[%get3A_390, %get3A_391] {strides = array<i32>} : memref<80x128xf32, #tpu.memory_space<vmem>>, vector<1x16xf32>,
        %get3A_393 = vector.shape_cast %get3A_392 : vector<1x16xf32> to vector<16xf32>
        %get3A_394 = arith.index_cast %scan3A_358 : i32 to index
        %get3A_395 = arith.constant 32 : index
        %get3A_396 = tpu.vector_load %arg19[%get3A_394, %get3A_395] {strides = array<i32>} : memref<80x128xf32, #tpu.memory_space<vmem>>, vector<1x16xf32>,
        %get3A_397 = vector.shape_cast %get3A_396 : vector<1x16xf32> to vector<16xf32>
        %mul3A_398 = arith.mulf %get3A_397, %broadcast_in_dim3A : vector<16xf32>
        %mul3A_399 = arith.mulf %get3A_393, %mul3A_398 : vector<16xf32>
        %swap3A_400 = arith.index_cast %scan3A_358 : i32 to index
        %swap3A_401 = arith.constant 32 : index
        %swap3A_402 = tpu.vector_load %arg17[%swap3A_400, %swap3A_401] {strides = array<i32>} : memref<80x128xf32, #tpu.memory_space<vmem>>, vector<1x16xf32>,
        %swap3A_403 = vector.shape_cast %swap3A_402 : vector<1x16xf32> to vector<16xf32>
        %swap3A_404 = vector.shape_cast %mul3A_399 : vector<16xf32> to vector<1x16xf32>
        tpu.vector_store %arg17[%swap3A_400, %swap3A_401], %swap3A_404 {strides = array<i32>} : memref<80x128xf32, #tpu.memory_space<vmem>>, vector<1x16xf32>,
        %get3A_405 = arith.index_cast %scan3A_358 : i32 to index
        %get3A_406 = arith.constant 48 : index
        %get3A_407 = tpu.vector_load %arg17[%get3A_405, %get3A_406] {strides = array<i32>} : memref<80x128xf32, #tpu.memory_space<vmem>>, vector<1x16xf32>,
        %get3A_408 = vector.shape_cast %get3A_407 : vector<1x16xf32> to vector<16xf32>
        %get3A_409 = arith.index_cast %scan3A_358 : i32 to index
        %get3A_410 = arith.constant 48 : index
        %get3A_411 = tpu.vector_load %arg19[%get3A_409, %get3A_410] {strides = array<i32>} : memref<80x128xf32, #tpu.memory_space<vmem>>, vector<1x16xf32>,
        %get3A_412 = vector.shape_cast %get3A_411 : vector<1x16xf32> to vector<16xf32>
        %mul3A_413 = arith.mulf %get3A_412, %broadcast_in_dim3A : vector<16xf32>
        %mul3A_414 = arith.mulf %get3A_408, %mul3A_413 : vector<16xf32>
        %swap3A_415 = arith.index_cast %scan3A_358 : i32 to index
        %swap3A_416 = arith.constant 48 : index
        %swap3A_417 = tpu.vector_load %arg17[%swap3A_415, %swap3A_416] {strides = array<i32>} : memref<80x128xf32, #tpu.memory_space<vmem>>, vector<1x16xf32>,
        %swap3A_418 = vector.shape_cast %swap3A_417 : vector<1x16xf32> to vector<16xf32>
        %swap3A_419 = vector.shape_cast %mul3A_414 : vector<16xf32> to vector<1x16xf32>
        tpu.vector_store %arg17[%swap3A_415, %swap3A_416], %swap3A_419 {strides = array<i32>} : memref<80x128xf32, #tpu.memory_space<vmem>>, vector<1x16xf32>,
        %get3A_420 = arith.index_cast %scan3A_358 : i32 to index
        %get3A_421 = arith.constant 64 : index
        %get3A_422 = tpu.vector_load %arg17[%get3A_420, %get3A_421] {strides = array<i32>} : memref<80x128xf32, #tpu.memory_space<vmem>>, vector<1x16xf32>,
        %get3A_423 = vector.shape_cast %get3A_422 : vector<1x16xf32> to vector<16xf32>
        %get3A_424 = arith.index_cast %scan3A_358 : i32 to index
        %get3A_425 = arith.constant 64 : index
        %get3A_426 = tpu.vector_load %arg19[%get3A_424, %get3A_425] {strides = array<i32>} : memref<80x128xf32, #tpu.memory_space<vmem>>, vector<1x16xf32>,
        %get3A_427 = vector.shape_cast %get3A_426 : vector<1x16xf32> to vector<16xf32>
        %mul3A_428 = arith.mulf %get3A_427, %broadcast_in_dim3A : vector<16xf32>
        %mul3A_429 = arith.mulf %get3A_423, %mul3A_428 : vector<16xf32>
        %swap3A_430 = arith.index_cast %scan3A_358 : i32 to index
        %swap3A_431 = arith.constant 64 : index
        %swap3A_432 = tpu.vector_load %arg17[%swap3A_430, %swap3A_431] {strides = array<i32>} : memref<80x128xf32, #tpu.memory_space<vmem>>, vector<1x16xf32>,
        %swap3A_433 = vector.shape_cast %swap3A_432 : vector<1x16xf32> to vector<16xf32>
        %swap3A_434 = vector.shape_cast %mul3A_429 : vector<16xf32> to vector<1x16xf32>
        tpu.vector_store %arg17[%swap3A_430, %swap3A_431], %swap3A_434 {strides = array<i32>} : memref<80x128xf32, #tpu.memory_space<vmem>>, vector<1x16xf32>,
        %get3A_435 = arith.index_cast %scan3A_358 : i32 to index
        %get3A_436 = arith.constant 80 : index
        %get3A_437 = tpu.vector_load %arg17[%get3A_435, %get3A_436] {strides = array<i32>} : memref<80x128xf32, #tpu.memory_space<vmem>>, vector<1x16xf32>,
        %get3A_438 = vector.shape_cast %get3A_437 : vector<1x16xf32> to vector<16xf32>
        %get3A_439 = arith.index_cast %scan3A_358 : i32 to index
        %get3A_440 = arith.constant 80 : index
        %get3A_441 = tpu.vector_load %arg19[%get3A_439, %get3A_440] {strides = array<i32>} : memref<80x128xf32, #tpu.memory_space<vmem>>, vector<1x16xf32>,
        %get3A_442 = vector.shape_cast %get3A_441 : vector<1x16xf32> to vector<16xf32>
        %mul3A_443 = arith.mulf %get3A_442, %broadcast_in_dim3A : vector<16xf32>
        %mul3A_444 = arith.mulf %get3A_438, %mul3A_443 : vector<16xf32>
        %swap3A_445 = arith.index_cast %scan3A_358 : i32 to index
        %swap3A_446 = arith.constant 80 : index
        %swap3A_447 = tpu.vector_load %arg17[%swap3A_445, %swap3A_446] {strides = array<i32>} : memref<80x128xf32, #tpu.memory_space<vmem>>, vector<1x16xf32>,
        %swap3A_448 = vector.shape_cast %swap3A_447 : vector<1x16xf32> to vector<16xf32>
        %swap3A_449 = vector.shape_cast %mul3A_444 : vector<16xf32> to vector<1x16xf32>
        tpu.vector_store %arg17[%swap3A_445, %swap3A_446], %swap3A_449 {strides = array<i32>} : memref<80x128xf32, #tpu.memory_space<vmem>>, vector<1x16xf32>,
        %get3A_450 = arith.index_cast %scan3A_358 : i32 to index
        %get3A_451 = arith.constant 96 : index
        %get3A_452 = tpu.vector_load %arg17[%get3A_450, %get3A_451] {strides = array<i32>} : memref<80x128xf32, #tpu.memory_space<vmem>>, vector<1x16xf32>,
        %get3A_453 = vector.shape_cast %get3A_452 : vector<1x16xf32> to vector<16xf32>
        %get3A_454 = arith.index_cast %scan3A_358 : i32 to index
        %get3A_455 = arith.constant 96 : index
        %get3A_456 = tpu.vector_load %arg19[%get3A_454, %get3A_455] {strides = array<i32>} : memref<80x128xf32, #tpu.memory_space<vmem>>, vector<1x16xf32>,
        %get3A_457 = vector.shape_cast %get3A_456 : vector<1x16xf32> to vector<16xf32>
        %mul3A_458 = arith.mulf %get3A_457, %broadcast_in_dim3A : vector<16xf32>
        %mul3A_459 = arith.mulf %get3A_453, %mul3A_458 : vector<16xf32>
        %swap3A_460 = arith.index_cast %scan3A_358 : i32 to index
        %swap3A_461 = arith.constant 96 : index
        %swap3A_462 = tpu.vector_load %arg17[%swap3A_460, %swap3A_461] {strides = array<i32>} : memref<80x128xf32, #tpu.memory_space<vmem>>, vector<1x16xf32>,
        %swap3A_463 = vector.shape_cast %swap3A_462 : vector<1x16xf32> to vector<16xf32>
        %swap3A_464 = vector.shape_cast %mul3A_459 : vector<16xf32> to vector<1x16xf32>
        tpu.vector_store %arg17[%swap3A_460, %swap3A_461], %swap3A_464 {strides = array<i32>} : memref<80x128xf32, #tpu.memory_space<vmem>>, vector<1x16xf32>,
        %get3A_465 = arith.index_cast %scan3A_358 : i32 to index
        %get3A_466 = arith.constant 112 : index
        %get3A_467 = tpu.vector_load %arg17[%get3A_465, %get3A_466] {strides = array<i32>} : memref<80x128xf32, #tpu.memory_space<vmem>>, vector<1x16xf32>,
        %get3A_468 = vector.shape_cast %get3A_467 : vector<1x16xf32> to vector<16xf32>
        %get3A_469 = arith.index_cast %scan3A_358 : i32 to index
        %get3A_470 = arith.constant 112 : index
        %get3A_471 = tpu.vector_load %arg19[%get3A_469, %get3A_470] {strides = array<i32>} : memref<80x128xf32, #tpu.memory_space<vmem>>, vector<1x16xf32>,
        %get3A_472 = vector.shape_cast %get3A_471 : vector<1x16xf32> to vector<16xf32>
        %mul3A_473 = arith.mulf %get3A_472, %broadcast_in_dim3A : vector<16xf32>
        %mul3A_474 = arith.mulf %get3A_468, %mul3A_473 : vector<16xf32>
        %swap3A_475 = arith.index_cast %scan3A_358 : i32 to index
        %swap3A_476 = arith.constant 112 : index
        %swap3A_477 = tpu.vector_load %arg17[%swap3A_475, %swap3A_476] {strides = array<i32>} : memref<80x128xf32, #tpu.memory_space<vmem>>, vector<1x16xf32>,
        %swap3A_478 = vector.shape_cast %swap3A_477 : vector<1x16xf32> to vector<16xf32>
        %swap3A_479 = vector.shape_cast %mul3A_474 : vector<16xf32> to vector<1x16xf32>
        tpu.vector_store %arg17[%swap3A_475, %swap3A_476], %swap3A_479 {strides = array<i32>} : memref<80x128xf32, #tpu.memory_space<vmem>>, vector<1x16xf32>,
      }
      %scan3A_338 = arith.constant 80 : i32
      %mul3A_339 = arith.constant 80 : i32
      %mul3A_340 = arith.muli %add3A_313, %mul3A_339 : i32
      %add3A_341 = arith.addi %mul3A_2, %mul3A_340 : i32
      %dma_wait3A_342 = tpu.memref_slice %arg6[%add3A_341] : memref<320000xi32, #tpu.memory_space<hbm>> -> memref<80xi32, #tpu.memory_space<hbm>>
      %dma_wait3A_343 = tpu.memref_slice %arg6[%add3A_341] : memref<320000xi32, #tpu.memory_space<hbm>> -> memref<80xi32, #tpu.memory_space<hbm>>
      tpu.wait_dma2 semaphore(%arg26 : memref<!tpu.dma_semaphore, #tpu.memory_space<semaphore_mem>>) src(%dma_wait3A_343 : memref<80xi32, #tpu.memory_space<hbm>>) dst(%arg13 : memref<80xi32, #tpu.memory_space<vmem>>)
      "tpu.region"() ({
        %run_scoped3A = tpu.sem_alloc : memref<!tpu.dma_semaphore, #tpu.memory_space<semaphore_mem>>
        %dma_start3A_358 = arith.constant 0 : i32
        %dma_start3A_359 = arith.constant 0 : i32
        %dma_start3A_360 = tpu.memref_slice %arg20[%dma_start3A_358, %dma_start3A_359] : memref<10240x128xf32, #tpu.memory_space<vmem_shared>> -> memref<10240x128xf32, #tpu.memory_space<vmem_shared>>
        tpu.enqueue_indirect_dma source(%arg17 : memref<80x128xf32, #tpu.memory_space<vmem>>) target(%dma_start3A_360 : memref<10240x128xf32, #tpu.memory_space<vmem_shared>>) offsets(%arg13 : memref<80xi32, #tpu.memory_space<vmem>>) semaphore(%run_scoped3A : memref<!tpu.dma_semaphore, #tpu.memory_space<semaphore_mem>>) {add = true}
        %dma_wait3A_361 = arith.constant 0 : i32
        %dma_wait3A_362 = arith.constant 0 : i32
        %dma_wait3A_363 = tpu.memref_slice %arg20[%dma_wait3A_361, %dma_wait3A_362] : memref<10240x128xf32, #tpu.memory_space<vmem_shared>> -> memref<10240x128xf32, #tpu.memory_space<vmem_shared>>
        tpu.wait_indirect_dma semaphore(%run_scoped3A : memref<!tpu.dma_semaphore, #tpu.memory_space<semaphore_mem>>) src(%arg17 : memref<80x128xf32, #tpu.memory_space<vmem>>) dst(%dma_wait3A_363 : memref<10240x128xf32, #tpu.memory_space<vmem_shared>>)
        tpu.yield
      }) : () -> ()
      %add3A_344 = arith.constant 4 : i32
      %add3A_345 = arith.addi %add3A_313, %add3A_344 : i32
      %lt3A_346 = arith.constant 125 : i32
      %lt3A_347 = arith.cmpi slt, %add3A_345, %lt3A_346 : i32
      %convert_element_type3A_348 = arith.extui %lt3A_347 : i1 to i32
      %cond3A_349 = arith.constant 0 : i32
      %cond3A_350 = arith.cmpi ne, %convert_element_type3A_348, %cond3A_349 : i32
      scf.if %cond3A_350 {
        %add3A_358 = arith.constant 4 : i32
        %add3A_359 = arith.addi %add3A_313, %add3A_358 : i32
        %mul3A_360 = arith.constant 80 : i32
        %mul3A_361 = arith.muli %add3A_359, %mul3A_360 : i32
        %add3A_362 = arith.addi %mul3A_2, %mul3A_361 : i32
        %dma_start3A_363 = tpu.memref_slice %arg5[%add3A_362] : memref<320000xi32, #tpu.memory_space<hbm>> -> memref<80xi32, #tpu.memory_space<hbm>>
        %dma_start3A_364 = tpu.memref_slice %arg5[%add3A_362] : memref<320000xi32, #tpu.memory_space<hbm>> -> memref<80xi32, #tpu.memory_space<hbm>>
        tpu.enqueue_dma source(%dma_start3A_364 : memref<80xi32, #tpu.memory_space<hbm>>) target(%arg11 : memref<80xi32, #tpu.memory_space<vmem>>) target_semaphore(%arg24 : memref<!tpu.dma_semaphore, #tpu.memory_space<semaphore_mem>>)
      } else {
      }
      %add3A_351 = arith.constant 5 : i32
      %add3A_352 = arith.addi %mul3A_130, %add3A_351 : i32
      %lt3A_353 = arith.constant 125 : i32
      %lt3A_354 = arith.cmpi slt, %add3A_352, %lt3A_353 : i32
      %convert_element_type3A_355 = arith.extui %lt3A_354 : i1 to i32
      %cond3A_356 = arith.constant 0 : i32
      %cond3A_357 = arith.cmpi ne, %convert_element_type3A_355, %cond3A_356 : i32
      scf.if %cond3A_357 {
        %add3A_358 = arith.constant 5 : i32
        %add3A_359 = arith.addi %mul3A_130, %add3A_358 : i32
        %mul3A_360 = arith.constant 80 : i32
        %mul3A_361 = arith.muli %add3A_359, %mul3A_360 : i32
        %add3A_362 = arith.addi %mul3A_2, %mul3A_361 : i32
        %dma_wait3A_363 = tpu.memref_slice %arg5[%add3A_362] : memref<320000xi32, #tpu.memory_space<hbm>> -> memref<80xi32, #tpu.memory_space<hbm>>
        %dma_wait3A_364 = tpu.memref_slice %arg5[%add3A_362] : memref<320000xi32, #tpu.memory_space<hbm>> -> memref<80xi32, #tpu.memory_space<hbm>>
        tpu.wait_dma2 semaphore(%arg22 : memref<!tpu.dma_semaphore, #tpu.memory_space<semaphore_mem>>) src(%dma_wait3A_364 : memref<80xi32, #tpu.memory_space<hbm>>) dst(%arg9 : memref<80xi32, #tpu.memory_space<vmem>>)
        %mul3A_365 = arith.constant 80 : i32
        %mul3A_366 = arith.muli %add3A_359, %mul3A_365 : i32
        %add3A_367 = arith.addi %mul3A_2, %mul3A_366 : i32
        %dma_start3A_368 = tpu.memref_slice %arg6[%add3A_367] : memref<320000xi32, #tpu.memory_space<hbm>> -> memref<80xi32, #tpu.memory_space<hbm>>
        %dma_start3A_369 = tpu.memref_slice %arg6[%add3A_367] : memref<320000xi32, #tpu.memory_space<hbm>> -> memref<80xi32, #tpu.memory_space<hbm>>
        tpu.enqueue_dma source(%dma_start3A_369 : memref<80xi32, #tpu.memory_space<hbm>>) target(%arg13 : memref<80xi32, #tpu.memory_space<vmem>>) target_semaphore(%arg26 : memref<!tpu.dma_semaphore, #tpu.memory_space<semaphore_mem>>)
        %mul3A_370 = arith.constant 80 : i32
        %mul3A_371 = arith.muli %add3A_359, %mul3A_370 : i32
        %add3A_372 = arith.addi %mul3A_2, %mul3A_371 : i32
        %dma_start3A_373 = arith.constant 0 : i32
        %dma_start3A_374 = tpu.memref_slice %arg15[%dma_start3A_373] : memref<96xf32, #tpu.memory_space<vmem>> -> memref<80xf32, #tpu.memory_space<vmem>>
        %dma_start3A_375 = tpu.memref_slice %arg4[%add3A_372] : memref<320000xf32, #tpu.memory_space<hbm>> -> memref<80xf32, #tpu.memory_space<hbm>>
        %dma_start3A_376 = arith.constant 0 : i32
        %dma_start3A_377 = tpu.memref_slice %arg15[%dma_start3A_376] : memref<96xf32, #tpu.memory_space<vmem>> -> memref<80xf32, #tpu.memory_space<vmem>>
        %dma_start3A_378 = tpu.memref_slice %arg4[%add3A_372] : memref<320000xf32, #tpu.memory_space<hbm>> -> memref<80xf32, #tpu.memory_space<hbm>>
        tpu.enqueue_dma source(%dma_start3A_378 : memref<80xf32, #tpu.memory_space<hbm>>) target(%dma_start3A_377 : memref<80xf32, #tpu.memory_space<vmem>>) target_semaphore(%arg28 : memref<!tpu.dma_semaphore, #tpu.memory_space<semaphore_mem>>)
        %dma_start3A_379 = arith.constant 0 : i32
        %dma_start3A_380 = arith.constant 0 : i32
        %dma_start3A_381 = tpu.memref_slice %arg2[%dma_start3A_379, %dma_start3A_380] : memref<10000x128xf32, #tpu.memory_space<hbm>> -> memref<10000x128xf32, #tpu.memory_space<hbm>>
        tpu.enqueue_indirect_dma source(%dma_start3A_381 : memref<10000x128xf32, #tpu.memory_space<hbm>>) target(%arg17 : memref<80x128xf32, #tpu.memory_space<vmem>>) offsets(%arg9 : memref<80xi32, #tpu.memory_space<vmem>>) semaphore(%arg30 : memref<!tpu.dma_semaphore, #tpu.memory_space<semaphore_mem>>)
        %mul3A_382 = arith.constant 80 : i32
        %mul3A_383 = arith.muli %add3A_359, %mul3A_382 : i32
        %add3A_384 = arith.addi %mul3A_2, %mul3A_383 : i32
        %dma_start3A_385 = arith.constant 0 : i32
        %dma_start3A_386 = tpu.memref_slice %arg3[%add3A_384, %dma_start3A_385] : memref<320000x128xf32, #tpu.memory_space<hbm>> -> memref<80x128xf32, #tpu.memory_space<hbm>>
        %dma_start3A_387 = arith.constant 0 : i32
        %dma_start3A_388 = tpu.memref_slice %arg3[%add3A_384, %dma_start3A_387] : memref<320000x128xf32, #tpu.memory_space<hbm>> -> memref<80x128xf32, #tpu.memory_space<hbm>>
        tpu.enqueue_dma source(%dma_start3A_388 : memref<80x128xf32, #tpu.memory_space<hbm>>) target(%arg19 : memref<80x128xf32, #tpu.memory_space<vmem>>) target_semaphore(%arg32 : memref<!tpu.dma_semaphore, #tpu.memory_space<semaphore_mem>>)
      } else {
      }
    }
    %scan3A_96 = arith.constant 31 : i32
    %dma_wait3A = arith.constant 0 : i32
    %dma_wait3A_97 = arith.constant 0 : i32
    %dma_wait3A_98 = tpu.memref_slice %arg2[%dma_wait3A, %dma_wait3A_97] : memref<10000x128xf32, #tpu.memory_space<hbm>> -> memref<10000x128xf32, #tpu.memory_space<hbm>>
    tpu.wait_indirect_dma semaphore(%arg29 : memref<!tpu.dma_semaphore, #tpu.memory_space<semaphore_mem>>) src(%dma_wait3A_98 : memref<10000x128xf32, #tpu.memory_space<hbm>>) dst(%arg16 : memref<80x128xf32, #tpu.memory_space<vmem>>)
    %add3A_99 = arith.constant 9920 : i32
    %add3A_100 = arith.addi %mul3A_2, %add3A_99 : i32
    %dma_wait3A_101 = arith.constant 0 : i32
    %dma_wait3A_102 = tpu.memref_slice %arg3[%add3A_100, %dma_wait3A_101] : memref<320000x128xf32, #tpu.memory_space<hbm>> -> memref<80x128xf32, #tpu.memory_space<hbm>>
    %dma_wait3A_103 = arith.constant 0 : i32
    %dma_wait3A_104 = tpu.memref_slice %arg3[%add3A_100, %dma_wait3A_103] : memref<320000x128xf32, #tpu.memory_space<hbm>> -> memref<80x128xf32, #tpu.memory_space<hbm>>
    tpu.wait_dma2 semaphore(%arg31 : memref<!tpu.dma_semaphore, #tpu.memory_space<semaphore_mem>>) src(%dma_wait3A_104 : memref<80x128xf32, #tpu.memory_space<hbm>>) dst(%arg18 : memref<80x128xf32, #tpu.memory_space<vmem>>)
    %add3A_105 = arith.constant 9920 : i32
    %add3A_106 = arith.addi %mul3A_2, %add3A_105 : i32
    %dma_wait3A_107 = arith.constant 0 : i32
    %dma_wait3A_108 = tpu.memref_slice %arg14[%dma_wait3A_107] : memref<96xf32, #tpu.memory_space<vmem>> -> memref<80xf32, #tpu.memory_space<vmem>>
    %dma_wait3A_109 = tpu.memref_slice %arg4[%add3A_106] : memref<320000xf32, #tpu.memory_space<hbm>> -> memref<80xf32, #tpu.memory_space<hbm>>
    %dma_wait3A_110 = arith.constant 0 : i32
    %dma_wait3A_111 = tpu.memref_slice %arg14[%dma_wait3A_110] : memref<96xf32, #tpu.memory_space<vmem>> -> memref<80xf32, #tpu.memory_space<vmem>>
    %dma_wait3A_112 = tpu.memref_slice %arg4[%add3A_106] : memref<320000xf32, #tpu.memory_space<hbm>> -> memref<80xf32, #tpu.memory_space<hbm>>
    tpu.wait_dma2 semaphore(%arg27 : memref<!tpu.dma_semaphore, #tpu.memory_space<semaphore_mem>>) src(%dma_wait3A_112 : memref<80xf32, #tpu.memory_space<hbm>>) dst(%dma_wait3A_111 : memref<80xf32, #tpu.memory_space<vmem>>)
    %scan3A_113 = arith.constant 0 : i32
    %scan3A_114 = arith.constant 0 : i32
    %scan3A_115 = arith.constant 80 : i32
    %scan3A_116 = arith.addi %scan3A_114, %scan3A_115 : i32
    %scan3A_117 = arith.constant 1 : i32
    scf.for %scan3A_128 = %scan3A_114 to %scan3A_116 step %scan3A_117  : i32 {
      %get3A = arith.index_cast %scan3A_128 : i32 to index
      %get3A_129 = tpu.vector_load %arg14[%get3A] {strides = array<i32>} : memref<96xf32, #tpu.memory_space<vmem>>, vector<16xf32>,
      %get3A_130 = vector.shape_cast %get3A_129 : vector<16xf32> to vector<16xf32>
      %slice3A = vector.extract_strided_slice %get3A_130 {offsets = [0], sizes = [1], strides = [1]} : vector<16xf32> to vector<1xf32>
      %squeeze3A = vector.extract %slice3A[0] : f32 from vector<1xf32>
      %broadcast_in_dim3A = vector.broadcast %squeeze3A : f32 to vector<16xf32>
      %get3A_131 = arith.index_cast %scan3A_128 : i32 to index
      %get3A_132 = arith.constant 0 : index
      %get3A_133 = tpu.vector_load %arg16[%get3A_131, %get3A_132] {strides = array<i32>} : memref<80x128xf32, #tpu.memory_space<vmem>>, vector<1x16xf32>,
      %get3A_134 = vector.shape_cast %get3A_133 : vector<1x16xf32> to vector<16xf32>
      %get3A_135 = arith.index_cast %scan3A_128 : i32 to index
      %get3A_136 = arith.constant 0 : index
      %get3A_137 = tpu.vector_load %arg18[%get3A_135, %get3A_136] {strides = array<i32>} : memref<80x128xf32, #tpu.memory_space<vmem>>, vector<1x16xf32>,
      %get3A_138 = vector.shape_cast %get3A_137 : vector<1x16xf32> to vector<16xf32>
      %mul3A_139 = arith.mulf %get3A_138, %broadcast_in_dim3A : vector<16xf32>
      %mul3A_140 = arith.mulf %get3A_134, %mul3A_139 : vector<16xf32>
      %swap3A = arith.index_cast %scan3A_128 : i32 to index
      %swap3A_141 = arith.constant 0 : index
      %swap3A_142 = tpu.vector_load %arg16[%swap3A, %swap3A_141] {strides = array<i32>} : memref<80x128xf32, #tpu.memory_space<vmem>>, vector<1x16xf32>,
      %swap3A_143 = vector.shape_cast %swap3A_142 : vector<1x16xf32> to vector<16xf32>
      %swap3A_144 = vector.shape_cast %mul3A_140 : vector<16xf32> to vector<1x16xf32>
      tpu.vector_store %arg16[%swap3A, %swap3A_141], %swap3A_144 {strides = array<i32>} : memref<80x128xf32, #tpu.memory_space<vmem>>, vector<1x16xf32>,
      %get3A_145 = arith.index_cast %scan3A_128 : i32 to index
      %get3A_146 = arith.constant 16 : index
      %get3A_147 = tpu.vector_load %arg16[%get3A_145, %get3A_146] {strides = array<i32>} : memref<80x128xf32, #tpu.memory_space<vmem>>, vector<1x16xf32>,
      %get3A_148 = vector.shape_cast %get3A_147 : vector<1x16xf32> to vector<16xf32>
      %get3A_149 = arith.index_cast %scan3A_128 : i32 to index
      %get3A_150 = arith.constant 16 : index
      %get3A_151 = tpu.vector_load %arg18[%get3A_149, %get3A_150] {strides = array<i32>} : memref<80x128xf32, #tpu.memory_space<vmem>>, vector<1x16xf32>,
      %get3A_152 = vector.shape_cast %get3A_151 : vector<1x16xf32> to vector<16xf32>
      %mul3A_153 = arith.mulf %get3A_152, %broadcast_in_dim3A : vector<16xf32>
      %mul3A_154 = arith.mulf %get3A_148, %mul3A_153 : vector<16xf32>
      %swap3A_155 = arith.index_cast %scan3A_128 : i32 to index
      %swap3A_156 = arith.constant 16 : index
      %swap3A_157 = tpu.vector_load %arg16[%swap3A_155, %swap3A_156] {strides = array<i32>} : memref<80x128xf32, #tpu.memory_space<vmem>>, vector<1x16xf32>,
      %swap3A_158 = vector.shape_cast %swap3A_157 : vector<1x16xf32> to vector<16xf32>
      %swap3A_159 = vector.shape_cast %mul3A_154 : vector<16xf32> to vector<1x16xf32>
      tpu.vector_store %arg16[%swap3A_155, %swap3A_156], %swap3A_159 {strides = array<i32>} : memref<80x128xf32, #tpu.memory_space<vmem>>, vector<1x16xf32>,
      %get3A_160 = arith.index_cast %scan3A_128 : i32 to index
      %get3A_161 = arith.constant 32 : index
      %get3A_162 = tpu.vector_load %arg16[%get3A_160, %get3A_161] {strides = array<i32>} : memref<80x128xf32, #tpu.memory_space<vmem>>, vector<1x16xf32>,
      %get3A_163 = vector.shape_cast %get3A_162 : vector<1x16xf32> to vector<16xf32>
      %get3A_164 = arith.index_cast %scan3A_128 : i32 to index
      %get3A_165 = arith.constant 32 : index
      %get3A_166 = tpu.vector_load %arg18[%get3A_164, %get3A_165] {strides = array<i32>} : memref<80x128xf32, #tpu.memory_space<vmem>>, vector<1x16xf32>,
      %get3A_167 = vector.shape_cast %get3A_166 : vector<1x16xf32> to vector<16xf32>
      %mul3A_168 = arith.mulf %get3A_167, %broadcast_in_dim3A : vector<16xf32>
      %mul3A_169 = arith.mulf %get3A_163, %mul3A_168 : vector<16xf32>
      %swap3A_170 = arith.index_cast %scan3A_128 : i32 to index
      %swap3A_171 = arith.constant 32 : index
      %swap3A_172 = tpu.vector_load %arg16[%swap3A_170, %swap3A_171] {strides = array<i32>} : memref<80x128xf32, #tpu.memory_space<vmem>>, vector<1x16xf32>,
      %swap3A_173 = vector.shape_cast %swap3A_172 : vector<1x16xf32> to vector<16xf32>
      %swap3A_174 = vector.shape_cast %mul3A_169 : vector<16xf32> to vector<1x16xf32>
      tpu.vector_store %arg16[%swap3A_170, %swap3A_171], %swap3A_174 {strides = array<i32>} : memref<80x128xf32, #tpu.memory_space<vmem>>, vector<1x16xf32>,
      %get3A_175 = arith.index_cast %scan3A_128 : i32 to index
      %get3A_176 = arith.constant 48 : index
      %get3A_177 = tpu.vector_load %arg16[%get3A_175, %get3A_176] {strides = array<i32>} : memref<80x128xf32, #tpu.memory_space<vmem>>, vector<1x16xf32>,
      %get3A_178 = vector.shape_cast %get3A_177 : vector<1x16xf32> to vector<16xf32>
      %get3A_179 = arith.index_cast %scan3A_128 : i32 to index
      %get3A_180 = arith.constant 48 : index
      %get3A_181 = tpu.vector_load %arg18[%get3A_179, %get3A_180] {strides = array<i32>} : memref<80x128xf32, #tpu.memory_space<vmem>>, vector<1x16xf32>,
      %get3A_182 = vector.shape_cast %get3A_181 : vector<1x16xf32> to vector<16xf32>
      %mul3A_183 = arith.mulf %get3A_182, %broadcast_in_dim3A : vector<16xf32>
      %mul3A_184 = arith.mulf %get3A_178, %mul3A_183 : vector<16xf32>
      %swap3A_185 = arith.index_cast %scan3A_128 : i32 to index
      %swap3A_186 = arith.constant 48 : index
      %swap3A_187 = tpu.vector_load %arg16[%swap3A_185, %swap3A_186] {strides = array<i32>} : memref<80x128xf32, #tpu.memory_space<vmem>>, vector<1x16xf32>,
      %swap3A_188 = vector.shape_cast %swap3A_187 : vector<1x16xf32> to vector<16xf32>
      %swap3A_189 = vector.shape_cast %mul3A_184 : vector<16xf32> to vector<1x16xf32>
      tpu.vector_store %arg16[%swap3A_185, %swap3A_186], %swap3A_189 {strides = array<i32>} : memref<80x128xf32, #tpu.memory_space<vmem>>, vector<1x16xf32>,
      %get3A_190 = arith.index_cast %scan3A_128 : i32 to index
      %get3A_191 = arith.constant 64 : index
      %get3A_192 = tpu.vector_load %arg16[%get3A_190, %get3A_191] {strides = array<i32>} : memref<80x128xf32, #tpu.memory_space<vmem>>, vector<1x16xf32>,
      %get3A_193 = vector.shape_cast %get3A_192 : vector<1x16xf32> to vector<16xf32>
      %get3A_194 = arith.index_cast %scan3A_128 : i32 to index
      %get3A_195 = arith.constant 64 : index
      %get3A_196 = tpu.vector_load %arg18[%get3A_194, %get3A_195] {strides = array<i32>} : memref<80x128xf32, #tpu.memory_space<vmem>>, vector<1x16xf32>,
      %get3A_197 = vector.shape_cast %get3A_196 : vector<1x16xf32> to vector<16xf32>
      %mul3A_198 = arith.mulf %get3A_197, %broadcast_in_dim3A : vector<16xf32>
      %mul3A_199 = arith.mulf %get3A_193, %mul3A_198 : vector<16xf32>
      %swap3A_200 = arith.index_cast %scan3A_128 : i32 to index
      %swap3A_201 = arith.constant 64 : index
      %swap3A_202 = tpu.vector_load %arg16[%swap3A_200, %swap3A_201] {strides = array<i32>} : memref<80x128xf32, #tpu.memory_space<vmem>>, vector<1x16xf32>,
      %swap3A_203 = vector.shape_cast %swap3A_202 : vector<1x16xf32> to vector<16xf32>
      %swap3A_204 = vector.shape_cast %mul3A_199 : vector<16xf32> to vector<1x16xf32>
      tpu.vector_store %arg16[%swap3A_200, %swap3A_201], %swap3A_204 {strides = array<i32>} : memref<80x128xf32, #tpu.memory_space<vmem>>, vector<1x16xf32>,
      %get3A_205 = arith.index_cast %scan3A_128 : i32 to index
      %get3A_206 = arith.constant 80 : index
      %get3A_207 = tpu.vector_load %arg16[%get3A_205, %get3A_206] {strides = array<i32>} : memref<80x128xf32, #tpu.memory_space<vmem>>, vector<1x16xf32>,
      %get3A_208 = vector.shape_cast %get3A_207 : vector<1x16xf32> to vector<16xf32>
      %get3A_209 = arith.index_cast %scan3A_128 : i32 to index
      %get3A_210 = arith.constant 80 : index
      %get3A_211 = tpu.vector_load %arg18[%get3A_209, %get3A_210] {strides = array<i32>} : memref<80x128xf32, #tpu.memory_space<vmem>>, vector<1x16xf32>,
      %get3A_212 = vector.shape_cast %get3A_211 : vector<1x16xf32> to vector<16xf32>
      %mul3A_213 = arith.mulf %get3A_212, %broadcast_in_dim3A : vector<16xf32>
      %mul3A_214 = arith.mulf %get3A_208, %mul3A_213 : vector<16xf32>
      %swap3A_215 = arith.index_cast %scan3A_128 : i32 to index
      %swap3A_216 = arith.constant 80 : index
      %swap3A_217 = tpu.vector_load %arg16[%swap3A_215, %swap3A_216] {strides = array<i32>} : memref<80x128xf32, #tpu.memory_space<vmem>>, vector<1x16xf32>,
      %swap3A_218 = vector.shape_cast %swap3A_217 : vector<1x16xf32> to vector<16xf32>
      %swap3A_219 = vector.shape_cast %mul3A_214 : vector<16xf32> to vector<1x16xf32>
      tpu.vector_store %arg16[%swap3A_215, %swap3A_216], %swap3A_219 {strides = array<i32>} : memref<80x128xf32, #tpu.memory_space<vmem>>, vector<1x16xf32>,
      %get3A_220 = arith.index_cast %scan3A_128 : i32 to index
      %get3A_221 = arith.constant 96 : index
      %get3A_222 = tpu.vector_load %arg16[%get3A_220, %get3A_221] {strides = array<i32>} : memref<80x128xf32, #tpu.memory_space<vmem>>, vector<1x16xf32>,
      %get3A_223 = vector.shape_cast %get3A_222 : vector<1x16xf32> to vector<16xf32>
      %get3A_224 = arith.index_cast %scan3A_128 : i32 to index
      %get3A_225 = arith.constant 96 : index
      %get3A_226 = tpu.vector_load %arg18[%get3A_224, %get3A_225] {strides = array<i32>} : memref<80x128xf32, #tpu.memory_space<vmem>>, vector<1x16xf32>,
      %get3A_227 = vector.shape_cast %get3A_226 : vector<1x16xf32> to vector<16xf32>
      %mul3A_228 = arith.mulf %get3A_227, %broadcast_in_dim3A : vector<16xf32>
      %mul3A_229 = arith.mulf %get3A_223, %mul3A_228 : vector<16xf32>
      %swap3A_230 = arith.index_cast %scan3A_128 : i32 to index
      %swap3A_231 = arith.constant 96 : index
      %swap3A_232 = tpu.vector_load %arg16[%swap3A_230, %swap3A_231] {strides = array<i32>} : memref<80x128xf32, #tpu.memory_space<vmem>>, vector<1x16xf32>,
      %swap3A_233 = vector.shape_cast %swap3A_232 : vector<1x16xf32> to vector<16xf32>
      %swap3A_234 = vector.shape_cast %mul3A_229 : vector<16xf32> to vector<1x16xf32>
      tpu.vector_store %arg16[%swap3A_230, %swap3A_231], %swap3A_234 {strides = array<i32>} : memref<80x128xf32, #tpu.memory_space<vmem>>, vector<1x16xf32>,
      %get3A_235 = arith.index_cast %scan3A_128 : i32 to index
      %get3A_236 = arith.constant 112 : index
      %get3A_237 = tpu.vector_load %arg16[%get3A_235, %get3A_236] {strides = array<i32>} : memref<80x128xf32, #tpu.memory_space<vmem>>, vector<1x16xf32>,
      %get3A_238 = vector.shape_cast %get3A_237 : vector<1x16xf32> to vector<16xf32>
      %get3A_239 = arith.index_cast %scan3A_128 : i32 to index
      %get3A_240 = arith.constant 112 : index
      %get3A_241 = tpu.vector_load %arg18[%get3A_239, %get3A_240] {strides = array<i32>} : memref<80x128xf32, #tpu.memory_space<vmem>>, vector<1x16xf32>,
      %get3A_242 = vector.shape_cast %get3A_241 : vector<1x16xf32> to vector<16xf32>
      %mul3A_243 = arith.mulf %get3A_242, %broadcast_in_dim3A : vector<16xf32>
      %mul3A_244 = arith.mulf %get3A_238, %mul3A_243 : vector<16xf32>
      %swap3A_245 = arith.index_cast %scan3A_128 : i32 to index
      %swap3A_246 = arith.constant 112 : index
      %swap3A_247 = tpu.vector_load %arg16[%swap3A_245, %swap3A_246] {strides = array<i32>} : memref<80x128xf32, #tpu.memory_space<vmem>>, vector<1x16xf32>,
      %swap3A_248 = vector.shape_cast %swap3A_247 : vector<1x16xf32> to vector<16xf32>
      %swap3A_249 = vector.shape_cast %mul3A_244 : vector<16xf32> to vector<1x16xf32>
      tpu.vector_store %arg16[%swap3A_245, %swap3A_246], %swap3A_249 {strides = array<i32>} : memref<80x128xf32, #tpu.memory_space<vmem>>, vector<1x16xf32>,
    }
    %scan3A_118 = arith.constant 80 : i32
    %add3A_119 = arith.constant 9920 : i32
    %add3A_120 = arith.addi %mul3A_2, %add3A_119 : i32
    %dma_wait3A_121 = tpu.memref_slice %arg6[%add3A_120] : memref<320000xi32, #tpu.memory_space<hbm>> -> memref<80xi32, #tpu.memory_space<hbm>>
    %dma_wait3A_122 = tpu.memref_slice %arg6[%add3A_120] : memref<320000xi32, #tpu.memory_space<hbm>> -> memref<80xi32, #tpu.memory_space<hbm>>
    tpu.wait_dma2 semaphore(%arg25 : memref<!tpu.dma_semaphore, #tpu.memory_space<semaphore_mem>>) src(%dma_wait3A_122 : memref<80xi32, #tpu.memory_space<hbm>>) dst(%arg12 : memref<80xi32, #tpu.memory_space<vmem>>)
    "tpu.region"() ({
      %run_scoped3A = tpu.sem_alloc : memref<!tpu.dma_semaphore, #tpu.memory_space<semaphore_mem>>
      %dma_start3A_128 = arith.constant 0 : i32
      %dma_start3A_129 = arith.constant 0 : i32
      %dma_start3A_130 = tpu.memref_slice %arg20[%dma_start3A_128, %dma_start3A_129] : memref<10240x128xf32, #tpu.memory_space<vmem_shared>> -> memref<10240x128xf32, #tpu.memory_space<vmem_shared>>
      tpu.enqueue_indirect_dma source(%arg16 : memref<80x128xf32, #tpu.memory_space<vmem>>) target(%dma_start3A_130 : memref<10240x128xf32, #tpu.memory_space<vmem_shared>>) offsets(%arg12 : memref<80xi32, #tpu.memory_space<vmem>>) semaphore(%run_scoped3A : memref<!tpu.dma_semaphore, #tpu.memory_space<semaphore_mem>>) {add = true}
      %dma_wait3A_131 = arith.constant 0 : i32
      %dma_wait3A_132 = arith.constant 0 : i32
      %dma_wait3A_133 = tpu.memref_slice %arg20[%dma_wait3A_131, %dma_wait3A_132] : memref<10240x128xf32, #tpu.memory_space<vmem_shared>> -> memref<10240x128xf32, #tpu.memory_space<vmem_shared>>
      tpu.wait_indirect_dma semaphore(%run_scoped3A : memref<!tpu.dma_semaphore, #tpu.memory_space<semaphore_mem>>) src(%arg16 : memref<80x128xf32, #tpu.memory_space<vmem>>) dst(%dma_wait3A_133 : memref<10240x128xf32, #tpu.memory_space<vmem_shared>>)
      tpu.yield
    }) : () -> ()
    %barrier3A_123 = arith.constant 0 : index
    tpu.barrier barrier_id(%barrier3A_123)
    %mul3A_124 = arith.constant 640 : i32
    %mul3A_125 = arith.muli %arg1, %mul3A_124 : i32
    %mul3A_126 = arith.constant 640 : i32
    %mul3A_127 = arith.muli %arg1, %mul3A_126 : i32
    "tpu.region"() ({
      %run_scoped3A = tpu.sem_alloc : memref<!tpu.dma_semaphore, #tpu.memory_space<semaphore_mem>>
      %dma_start3A_128 = arith.constant 0 : i32
      %dma_start3A_129 = tpu.memref_slice %arg7[%arg0, %mul3A_127, %dma_start3A_128] : memref<2x10240x128xf32, #tpu.memory_space<hbm>> -> memref<1x640x128xf32, #tpu.memory_space<hbm>>
      %dma_start3A_130 = tpu.memref_squeeze %dma_start3A_129 : memref<1x640x128xf32, #tpu.memory_space<hbm>> -> memref<640x128xf32, #tpu.memory_space<hbm>>
      %dma_start3A_131 = arith.constant 0 : i32
      %dma_start3A_132 = tpu.memref_slice %arg20[%mul3A_125, %dma_start3A_131] : memref<10240x128xf32, #tpu.memory_space<vmem_shared>> -> memref<640x128xf32, #tpu.memory_space<vmem_shared>>
      tpu.enqueue_dma source(%dma_start3A_132 : memref<640x128xf32, #tpu.memory_space<vmem_shared>>) target(%dma_start3A_130 : memref<640x128xf32, #tpu.memory_space<hbm>>) target_semaphore(%run_scoped3A : memref<!tpu.dma_semaphore, #tpu.memory_space<semaphore_mem>>)
      %dma_wait3A_133 = arith.constant 0 : i32
      %dma_wait3A_134 = tpu.memref_slice %arg7[%arg0, %mul3A_127, %dma_wait3A_133] : memref<2x10240x128xf32, #tpu.memory_space<hbm>> -> memref<1x640x128xf32, #tpu.memory_space<hbm>>
      %dma_wait3A_135 = tpu.memref_squeeze %dma_wait3A_134 : memref<1x640x128xf32, #tpu.memory_space<hbm>> -> memref<640x128xf32, #tpu.memory_space<hbm>>
      %dma_wait3A_136 = arith.constant 0 : i32
      %dma_wait3A_137 = tpu.memref_slice %arg20[%mul3A_125, %dma_wait3A_136] : memref<10240x128xf32, #tpu.memory_space<vmem_shared>> -> memref<640x128xf32, #tpu.memory_space<vmem_shared>>
      tpu.wait_dma2 semaphore(%run_scoped3A : memref<!tpu.dma_semaphore, #tpu.memory_space<semaphore_mem>>) src(%dma_wait3A_137 : memref<640x128xf32, #tpu.memory_space<vmem_shared>>) dst(%dma_wait3A_135 : memref<640x128xf32, #tpu.memory_space<hbm>>)
      tpu.yield
    }) : () -> ()
    return
  }
}

module attributes {stable_mosaic.version = 14 : i64} {
  func.func @_x_body(%arg0: i32, %arg1: memref<2000x128xf32, #tpu.memory_space<vmem>>, %arg2: memref<128x128xf32, #tpu.memory_space<vmem>>, %arg3: memref<2000x128xf32, #tpu.memory_space<vmem>>) attributes {dimension_semantics = [#tpu.dimension_semantics<arbitrary>], iteration_bounds = array<i64: 5>, scalar_prefetch = 0 : i64, scratch_operands = 0 : i64, tpu.core_type = #tpu.core_type<tc>, window_params = [{transform_indices = @transform_0, window_bounds = array<i64: 2000, 128>}, {pipeline_mode = #tpu.pipeline_mode<synchronous>, transform_indices = @transform_1, window_bounds = array<i64: 128, 128>}, {transform_indices = @transform_2, window_bounds = array<i64: 2000, 128>}]} {
    %get3A = arith.constant 0 : index
    %get3A_0 = arith.constant 0 : index
    %get3A_1 = vector.load %arg1[%get3A, %get3A_0] : memref<2000x128xf32, #tpu.memory_space<vmem>>, vector<2000x128xf32>
    %get3A_2 = arith.constant 0 : index
    %get3A_3 = arith.constant 0 : index
    %get3A_4 = vector.load %arg2[%get3A_2, %get3A_3] : memref<128x128xf32, #tpu.memory_space<vmem>>, vector<128x128xf32>
    %dot_general3A = arith.constant dense<0.000000e+00> : vector<2000x128xf32>
    %dot_general3A_5 = tpu.matmul %get3A_1, %get3A_4, %dot_general3A {dimension_numbers = #tpu.dot_dimension_numbers<[1], [0], [0], [1], [0, 0, 1, 1], [], []>, transpose_lhs_hint = false} : vector<2000x128xf32>, vector<128x128xf32>, vector<2000x128xf32> -> vector<2000x128xf32>
    %mul3A = arith.constant 0.0883883461 : f32
    %mul3A_6 = vector.broadcast %mul3A : f32 to vector<2000x128xf32>
    %mul3A_7 = arith.mulf %dot_general3A_5, %mul3A_6 : vector<2000x128xf32>
    %swap3A = arith.constant 0 : index
    %swap3A_8 = arith.constant 0 : index
    %swap3A_9 = vector.load %arg3[%swap3A, %swap3A_8] : memref<2000x128xf32, #tpu.memory_space<vmem>>, vector<2000x128xf32>
    tpu.vector_store %arg3[%swap3A, %swap3A_8], %mul3A_7 {strides = array<i32>} : memref<2000x128xf32, #tpu.memory_space<vmem>>, vector<2000x128xf32>,
    return
  }
  func.func @transform_0(%arg0: i32) -> (i32, i32) {
    %c0_i32 = arith.constant 0 : i32
    %c0_i32_0 = arith.constant 0 : i32
    return %arg0, %c0_i32 : i32, i32
  }
  func.func @transform_1(%arg0: i32) -> (i32, i32) {
    %c0_i32 = arith.constant 0 : i32
    %c0_i32_0 = arith.constant 0 : i32
    %c0_i32_1 = arith.constant 0 : i32
    return %c0_i32, %c0_i32_0 : i32, i32
  }
  func.func @transform_2(%arg0: i32) -> (i32, i32) {
    %c0_i32 = arith.constant 0 : i32
    %c0_i32_0 = arith.constant 0 : i32
    return %arg0, %c0_i32 : i32, i32
  }
}

module attributes {stable_mosaic.version = 14 : i64} {
  func.func @_w_body(%arg0: i32, %arg1: memref<2000x128xf32, #tpu.memory_space<vmem>>, %arg2: memref<128x64xf32, #tpu.memory_space<vmem>>, %arg3: memref<64x1024xf32, #tpu.memory_space<vmem>>, %arg4: memref<2000x8x128xf32, #tpu.memory_space<vmem>>) attributes {dimension_semantics = [#tpu.dimension_semantics<arbitrary>], iteration_bounds = array<i64: 20>, scalar_prefetch = 0 : i64, scratch_operands = 0 : i64, tpu.core_type = #tpu.core_type<tc>, window_params = [{transform_indices = @transform_0, window_bounds = array<i64: 2000, 128>}, {pipeline_mode = #tpu.pipeline_mode<synchronous>, transform_indices = @transform_1, window_bounds = array<i64: 128, 64>}, {pipeline_mode = #tpu.pipeline_mode<synchronous>, transform_indices = @transform_2, window_bounds = array<i64: 64, 1024>}, {transform_indices = @transform_3, window_bounds = array<i64: 2000, 8, 128>}]} {
    %get3A = arith.constant 0 : index
    %get3A_0 = arith.constant 0 : index
    %get3A_1 = vector.load %arg1[%get3A, %get3A_0] : memref<2000x128xf32, #tpu.memory_space<vmem>>, vector<2000x128xf32>
    %get3A_2 = arith.constant 0 : index
    %get3A_3 = arith.constant 0 : index
    %get3A_4 = vector.load %arg2[%get3A_2, %get3A_3] : memref<128x64xf32, #tpu.memory_space<vmem>>, vector<128x64xf32>
    %dot_general3A = arith.constant dense<0.000000e+00> : vector<2000x64xf32>
    %dot_general3A_5 = tpu.matmul %get3A_1, %get3A_4, %dot_general3A {dimension_numbers = #tpu.dot_dimension_numbers<[1], [0], [0], [1], [0, 0, 1, 1], [], []>, transpose_lhs_hint = false} : vector<2000x128xf32>, vector<128x64xf32>, vector<2000x64xf32> -> vector<2000x64xf32>
    %mul3A = arith.constant 2.500000e-01 : f32
    %mul3A_6 = vector.broadcast %mul3A : f32 to vector<2000x64xf32>
    %mul3A_7 = arith.mulf %dot_general3A_5, %mul3A_6 : vector<2000x64xf32>
    %max3A = arith.constant 0.000000e+00 : f32
    %max3A_8 = vector.broadcast %max3A : f32 to vector<2000x64xf32>
    %max3A_9 = arith.maximumf %mul3A_7, %max3A_8 : vector<2000x64xf32>
    %abs3A = math.absf %mul3A_7 : vector<2000x64xf32>
    %neg3A = arith.constant 0.000000e+00 : f32
    %neg3A_10 = vector.broadcast %neg3A : f32 to vector<2000x64xf32>
    %neg3A_11 = arith.subf %neg3A_10, %abs3A : vector<2000x64xf32>
    %exp3A = math.exp %neg3A_11 : vector<2000x64xf32>
    %log1p3A = math.log1p %exp3A : vector<2000x64xf32>
    %add3A = arith.addf %max3A_9, %log1p3A : vector<2000x64xf32>
    %sub3A = arith.constant 0.693147182 : f32
    %sub3A_12 = vector.broadcast %sub3A : f32 to vector<2000x64xf32>
    %sub3A_13 = arith.subf %add3A, %sub3A_12 : vector<2000x64xf32>
    %get3A_14 = arith.constant 0 : index
    %get3A_15 = arith.constant 0 : index
    %get3A_16 = vector.load %arg3[%get3A_14, %get3A_15] : memref<64x1024xf32, #tpu.memory_space<vmem>>, vector<64x128xf32>
    %dot_general3A_17 = arith.constant dense<0.000000e+00> : vector<2000x128xf32>
    %dot_general3A_18 = tpu.matmul %sub3A_13, %get3A_16, %dot_general3A_17 {dimension_numbers = #tpu.dot_dimension_numbers<[1], [0], [0], [1], [0, 0, 1, 1], [], []>, transpose_lhs_hint = false} : vector<2000x64xf32>, vector<64x128xf32>, vector<2000x128xf32> -> vector<2000x128xf32>
    %mul3A_19 = arith.constant 6.250000e-02 : f32
    %mul3A_20 = vector.broadcast %mul3A_19 : f32 to vector<2000x128xf32>
    %mul3A_21 = arith.mulf %dot_general3A_18, %mul3A_20 : vector<2000x128xf32>
    %swap3A = arith.constant 0 : index
    %swap3A_22 = arith.constant 0 : index
    %swap3A_23 = arith.constant 0 : index
    %swap3A_24 = vector.load %arg4[%swap3A, %swap3A_22, %swap3A_23] : memref<2000x8x128xf32, #tpu.memory_space<vmem>>, vector<2000x1x128xf32>
    %swap3A_25 = vector.shape_cast %swap3A_24 : vector<2000x1x128xf32> to vector<2000x128xf32>
    %swap3A_26 = vector.shape_cast %mul3A_21 : vector<2000x128xf32> to vector<2000x1x128xf32>
    tpu.vector_store %arg4[%swap3A, %swap3A_22, %swap3A_23], %swap3A_26 {strides = array<i32>} : memref<2000x8x128xf32, #tpu.memory_space<vmem>>, vector<2000x1x128xf32>,
    %get3A_27 = arith.constant 0 : index
    %get3A_28 = arith.constant 128 : index
    %get3A_29 = vector.load %arg3[%get3A_27, %get3A_28] : memref<64x1024xf32, #tpu.memory_space<vmem>>, vector<64x128xf32>
    %dot_general3A_30 = arith.constant dense<0.000000e+00> : vector<2000x128xf32>
    %dot_general3A_31 = tpu.matmul %sub3A_13, %get3A_29, %dot_general3A_30 {dimension_numbers = #tpu.dot_dimension_numbers<[1], [0], [0], [1], [0, 0, 1, 1], [], []>, transpose_lhs_hint = false} : vector<2000x64xf32>, vector<64x128xf32>, vector<2000x128xf32> -> vector<2000x128xf32>
    %mul3A_32 = arith.constant 6.250000e-02 : f32
    %mul3A_33 = vector.broadcast %mul3A_32 : f32 to vector<2000x128xf32>
    %mul3A_34 = arith.mulf %dot_general3A_31, %mul3A_33 : vector<2000x128xf32>
    %swap3A_35 = arith.constant 0 : index
    %swap3A_36 = arith.constant 1 : index
    %swap3A_37 = arith.constant 0 : index
    %swap3A_38 = vector.load %arg4[%swap3A_35, %swap3A_36, %swap3A_37] : memref<2000x8x128xf32, #tpu.memory_space<vmem>>, vector<2000x1x128xf32>
    %swap3A_39 = vector.shape_cast %swap3A_38 : vector<2000x1x128xf32> to vector<2000x128xf32>
    %swap3A_40 = vector.shape_cast %mul3A_34 : vector<2000x128xf32> to vector<2000x1x128xf32>
    tpu.vector_store %arg4[%swap3A_35, %swap3A_36, %swap3A_37], %swap3A_40 {strides = array<i32>} : memref<2000x8x128xf32, #tpu.memory_space<vmem>>, vector<2000x1x128xf32>,
    %get3A_41 = arith.constant 0 : index
    %get3A_42 = arith.constant 256 : index
    %get3A_43 = vector.load %arg3[%get3A_41, %get3A_42] : memref<64x1024xf32, #tpu.memory_space<vmem>>, vector<64x128xf32>
    %dot_general3A_44 = arith.constant dense<0.000000e+00> : vector<2000x128xf32>
    %dot_general3A_45 = tpu.matmul %sub3A_13, %get3A_43, %dot_general3A_44 {dimension_numbers = #tpu.dot_dimension_numbers<[1], [0], [0], [1], [0, 0, 1, 1], [], []>, transpose_lhs_hint = false} : vector<2000x64xf32>, vector<64x128xf32>, vector<2000x128xf32> -> vector<2000x128xf32>
    %mul3A_46 = arith.constant 6.250000e-02 : f32
    %mul3A_47 = vector.broadcast %mul3A_46 : f32 to vector<2000x128xf32>
    %mul3A_48 = arith.mulf %dot_general3A_45, %mul3A_47 : vector<2000x128xf32>
    %swap3A_49 = arith.constant 0 : index
    %swap3A_50 = arith.constant 2 : index
    %swap3A_51 = arith.constant 0 : index
    %swap3A_52 = vector.load %arg4[%swap3A_49, %swap3A_50, %swap3A_51] : memref<2000x8x128xf32, #tpu.memory_space<vmem>>, vector<2000x1x128xf32>
    %swap3A_53 = vector.shape_cast %swap3A_52 : vector<2000x1x128xf32> to vector<2000x128xf32>
    %swap3A_54 = vector.shape_cast %mul3A_48 : vector<2000x128xf32> to vector<2000x1x128xf32>
    tpu.vector_store %arg4[%swap3A_49, %swap3A_50, %swap3A_51], %swap3A_54 {strides = array<i32>} : memref<2000x8x128xf32, #tpu.memory_space<vmem>>, vector<2000x1x128xf32>,
    %get3A_55 = arith.constant 0 : index
    %get3A_56 = arith.constant 384 : index
    %get3A_57 = vector.load %arg3[%get3A_55, %get3A_56] : memref<64x1024xf32, #tpu.memory_space<vmem>>, vector<64x128xf32>
    %dot_general3A_58 = arith.constant dense<0.000000e+00> : vector<2000x128xf32>
    %dot_general3A_59 = tpu.matmul %sub3A_13, %get3A_57, %dot_general3A_58 {dimension_numbers = #tpu.dot_dimension_numbers<[1], [0], [0], [1], [0, 0, 1, 1], [], []>, transpose_lhs_hint = false} : vector<2000x64xf32>, vector<64x128xf32>, vector<2000x128xf32> -> vector<2000x128xf32>
    %mul3A_60 = arith.constant 6.250000e-02 : f32
    %mul3A_61 = vector.broadcast %mul3A_60 : f32 to vector<2000x128xf32>
    %mul3A_62 = arith.mulf %dot_general3A_59, %mul3A_61 : vector<2000x128xf32>
    %swap3A_63 = arith.constant 0 : index
    %swap3A_64 = arith.constant 3 : index
    %swap3A_65 = arith.constant 0 : index
    %swap3A_66 = vector.load %arg4[%swap3A_63, %swap3A_64, %swap3A_65] : memref<2000x8x128xf32, #tpu.memory_space<vmem>>, vector<2000x1x128xf32>
    %swap3A_67 = vector.shape_cast %swap3A_66 : vector<2000x1x128xf32> to vector<2000x128xf32>
    %swap3A_68 = vector.shape_cast %mul3A_62 : vector<2000x128xf32> to vector<2000x1x128xf32>
    tpu.vector_store %arg4[%swap3A_63, %swap3A_64, %swap3A_65], %swap3A_68 {strides = array<i32>} : memref<2000x8x128xf32, #tpu.memory_space<vmem>>, vector<2000x1x128xf32>,
    %get3A_69 = arith.constant 0 : index
    %get3A_70 = arith.constant 512 : index
    %get3A_71 = vector.load %arg3[%get3A_69, %get3A_70] : memref<64x1024xf32, #tpu.memory_space<vmem>>, vector<64x128xf32>
    %dot_general3A_72 = arith.constant dense<0.000000e+00> : vector<2000x128xf32>
    %dot_general3A_73 = tpu.matmul %sub3A_13, %get3A_71, %dot_general3A_72 {dimension_numbers = #tpu.dot_dimension_numbers<[1], [0], [0], [1], [0, 0, 1, 1], [], []>, transpose_lhs_hint = false} : vector<2000x64xf32>, vector<64x128xf32>, vector<2000x128xf32> -> vector<2000x128xf32>
    %mul3A_74 = arith.constant 6.250000e-02 : f32
    %mul3A_75 = vector.broadcast %mul3A_74 : f32 to vector<2000x128xf32>
    %mul3A_76 = arith.mulf %dot_general3A_73, %mul3A_75 : vector<2000x128xf32>
    %swap3A_77 = arith.constant 0 : index
    %swap3A_78 = arith.constant 4 : index
    %swap3A_79 = arith.constant 0 : index
    %swap3A_80 = vector.load %arg4[%swap3A_77, %swap3A_78, %swap3A_79] : memref<2000x8x128xf32, #tpu.memory_space<vmem>>, vector<2000x1x128xf32>
    %swap3A_81 = vector.shape_cast %swap3A_80 : vector<2000x1x128xf32> to vector<2000x128xf32>
    %swap3A_82 = vector.shape_cast %mul3A_76 : vector<2000x128xf32> to vector<2000x1x128xf32>
    tpu.vector_store %arg4[%swap3A_77, %swap3A_78, %swap3A_79], %swap3A_82 {strides = array<i32>} : memref<2000x8x128xf32, #tpu.memory_space<vmem>>, vector<2000x1x128xf32>,
    %get3A_83 = arith.constant 0 : index
    %get3A_84 = arith.constant 640 : index
    %get3A_85 = vector.load %arg3[%get3A_83, %get3A_84] : memref<64x1024xf32, #tpu.memory_space<vmem>>, vector<64x128xf32>
    %dot_general3A_86 = arith.constant dense<0.000000e+00> : vector<2000x128xf32>
    %dot_general3A_87 = tpu.matmul %sub3A_13, %get3A_85, %dot_general3A_86 {dimension_numbers = #tpu.dot_dimension_numbers<[1], [0], [0], [1], [0, 0, 1, 1], [], []>, transpose_lhs_hint = false} : vector<2000x64xf32>, vector<64x128xf32>, vector<2000x128xf32> -> vector<2000x128xf32>
    %mul3A_88 = arith.constant 6.250000e-02 : f32
    %mul3A_89 = vector.broadcast %mul3A_88 : f32 to vector<2000x128xf32>
    %mul3A_90 = arith.mulf %dot_general3A_87, %mul3A_89 : vector<2000x128xf32>
    %swap3A_91 = arith.constant 0 : index
    %swap3A_92 = arith.constant 5 : index
    %swap3A_93 = arith.constant 0 : index
    %swap3A_94 = vector.load %arg4[%swap3A_91, %swap3A_92, %swap3A_93] : memref<2000x8x128xf32, #tpu.memory_space<vmem>>, vector<2000x1x128xf32>
    %swap3A_95 = vector.shape_cast %swap3A_94 : vector<2000x1x128xf32> to vector<2000x128xf32>
    %swap3A_96 = vector.shape_cast %mul3A_90 : vector<2000x128xf32> to vector<2000x1x128xf32>
    tpu.vector_store %arg4[%swap3A_91, %swap3A_92, %swap3A_93], %swap3A_96 {strides = array<i32>} : memref<2000x8x128xf32, #tpu.memory_space<vmem>>, vector<2000x1x128xf32>,
    %get3A_97 = arith.constant 0 : index
    %get3A_98 = arith.constant 768 : index
    %get3A_99 = vector.load %arg3[%get3A_97, %get3A_98] : memref<64x1024xf32, #tpu.memory_space<vmem>>, vector<64x128xf32>
    %dot_general3A_100 = arith.constant dense<0.000000e+00> : vector<2000x128xf32>
    %dot_general3A_101 = tpu.matmul %sub3A_13, %get3A_99, %dot_general3A_100 {dimension_numbers = #tpu.dot_dimension_numbers<[1], [0], [0], [1], [0, 0, 1, 1], [], []>, transpose_lhs_hint = false} : vector<2000x64xf32>, vector<64x128xf32>, vector<2000x128xf32> -> vector<2000x128xf32>
    %mul3A_102 = arith.constant 6.250000e-02 : f32
    %mul3A_103 = vector.broadcast %mul3A_102 : f32 to vector<2000x128xf32>
    %mul3A_104 = arith.mulf %dot_general3A_101, %mul3A_103 : vector<2000x128xf32>
    %swap3A_105 = arith.constant 0 : index
    %swap3A_106 = arith.constant 6 : index
    %swap3A_107 = arith.constant 0 : index
    %swap3A_108 = vector.load %arg4[%swap3A_105, %swap3A_106, %swap3A_107] : memref<2000x8x128xf32, #tpu.memory_space<vmem>>, vector<2000x1x128xf32>
    %swap3A_109 = vector.shape_cast %swap3A_108 : vector<2000x1x128xf32> to vector<2000x128xf32>
    %swap3A_110 = vector.shape_cast %mul3A_104 : vector<2000x128xf32> to vector<2000x1x128xf32>
    tpu.vector_store %arg4[%swap3A_105, %swap3A_106, %swap3A_107], %swap3A_110 {strides = array<i32>} : memref<2000x8x128xf32, #tpu.memory_space<vmem>>, vector<2000x1x128xf32>,
    %get3A_111 = arith.constant 0 : index
    %get3A_112 = arith.constant 896 : index
    %get3A_113 = vector.load %arg3[%get3A_111, %get3A_112] : memref<64x1024xf32, #tpu.memory_space<vmem>>, vector<64x128xf32>
    %dot_general3A_114 = arith.constant dense<0.000000e+00> : vector<2000x128xf32>
    %dot_general3A_115 = tpu.matmul %sub3A_13, %get3A_113, %dot_general3A_114 {dimension_numbers = #tpu.dot_dimension_numbers<[1], [0], [0], [1], [0, 0, 1, 1], [], []>, transpose_lhs_hint = false} : vector<2000x64xf32>, vector<64x128xf32>, vector<2000x128xf32> -> vector<2000x128xf32>
    %mul3A_116 = arith.constant 6.250000e-02 : f32
    %mul3A_117 = vector.broadcast %mul3A_116 : f32 to vector<2000x128xf32>
    %mul3A_118 = arith.mulf %dot_general3A_115, %mul3A_117 : vector<2000x128xf32>
    %swap3A_119 = arith.constant 0 : index
    %swap3A_120 = arith.constant 7 : index
    %swap3A_121 = arith.constant 0 : index
    %swap3A_122 = vector.load %arg4[%swap3A_119, %swap3A_120, %swap3A_121] : memref<2000x8x128xf32, #tpu.memory_space<vmem>>, vector<2000x1x128xf32>
    %swap3A_123 = vector.shape_cast %swap3A_122 : vector<2000x1x128xf32> to vector<2000x128xf32>
    %swap3A_124 = vector.shape_cast %mul3A_118 : vector<2000x128xf32> to vector<2000x1x128xf32>
    tpu.vector_store %arg4[%swap3A_119, %swap3A_120, %swap3A_121], %swap3A_124 {strides = array<i32>} : memref<2000x8x128xf32, #tpu.memory_space<vmem>>, vector<2000x1x128xf32>,
    return
  }
  func.func @transform_0(%arg0: i32) -> (i32, i32) {
    %c0_i32 = arith.constant 0 : i32
    %c0_i32_0 = arith.constant 0 : i32
    return %arg0, %c0_i32 : i32, i32
  }
  func.func @transform_1(%arg0: i32) -> (i32, i32) {
    %c0_i32 = arith.constant 0 : i32
    %c0_i32_0 = arith.constant 0 : i32
    %c0_i32_1 = arith.constant 0 : i32
    return %c0_i32, %c0_i32_0 : i32, i32
  }
  func.func @transform_2(%arg0: i32) -> (i32, i32) {
    %c0_i32 = arith.constant 0 : i32
    %c0_i32_0 = arith.constant 0 : i32
    %c0_i32_1 = arith.constant 0 : i32
    return %c0_i32, %c0_i32_0 : i32, i32
  }
  func.func @transform_3(%arg0: i32) -> (i32, i32, i32) {
    %c0_i32 = arith.constant 0 : i32
    %c0_i32_0 = arith.constant 0 : i32
    %c0_i32_1 = arith.constant 0 : i32
    return %arg0, %c0_i32, %c0_i32_0 : i32, i32, i32
  }
}

module attributes {stable_mosaic.version = 14 : i64} {
  func.func @_final_body(%arg0: i32, %arg1: memref<2000x128xf32, #tpu.memory_space<vmem>>, %arg2: memref<2000x8xf32, #tpu.memory_space<vmem>>, %arg3: memref<2x2000x128xf32, #tpu.memory_space<vmem>>, %arg4: memref<128x128xf32, #tpu.memory_space<vmem>>, %arg5: memref<8x128x128xf32, #tpu.memory_space<vmem>>, %arg6: memref<2000x128xf32, #tpu.memory_space<vmem>>) attributes {dimension_semantics = [#tpu.dimension_semantics<arbitrary>], iteration_bounds = array<i64: 5>, scalar_prefetch = 0 : i64, scratch_operands = 0 : i64, tpu.core_type = #tpu.core_type<tc>, window_params = [{transform_indices = @transform_0, window_bounds = array<i64: 2000, 128>}, {transform_indices = @transform_1, window_bounds = array<i64: 2000, 8>}, {transform_indices = @transform_2, window_bounds = array<i64: 2, 2000, 128>}, {pipeline_mode = #tpu.pipeline_mode<synchronous>, transform_indices = @transform_3, window_bounds = array<i64: 128, 128>}, {pipeline_mode = #tpu.pipeline_mode<synchronous>, transform_indices = @transform_4, window_bounds = array<i64: 8, 128, 128>}, {transform_indices = @transform_5, window_bounds = array<i64: 2000, 128>}]} {
    %get3A = arith.constant 0 : index
    %get3A_0 = arith.constant 0 : index
    %get3A_1 = arith.constant 0 : index
    %get3A_2 = vector.load %arg3[%get3A, %get3A_0, %get3A_1] : memref<2x2000x128xf32, #tpu.memory_space<vmem>>, vector<1x2000x128xf32>
    %get3A_3 = vector.shape_cast %get3A_2 : vector<1x2000x128xf32> to vector<2000x128xf32>
    %get3A_4 = arith.constant 1 : index
    %get3A_5 = arith.constant 0 : index
    %get3A_6 = arith.constant 0 : index
    %get3A_7 = vector.load %arg3[%get3A_4, %get3A_5, %get3A_6] : memref<2x2000x128xf32, #tpu.memory_space<vmem>>, vector<1x2000x128xf32>
    %get3A_8 = vector.shape_cast %get3A_7 : vector<1x2000x128xf32> to vector<2000x128xf32>
    %add3A = arith.addf %get3A_3, %get3A_8 : vector<2000x128xf32>
    %get3A_9 = arith.constant 0 : index
    %get3A_10 = arith.constant 0 : index
    %get3A_11 = vector.load %arg4[%get3A_9, %get3A_10] : memref<128x128xf32, #tpu.memory_space<vmem>>, vector<128x128xf32>
    %dot_general3A = arith.constant dense<0.000000e+00> : vector<2000x128xf32>
    %dot_general3A_12 = tpu.matmul %add3A, %get3A_11, %dot_general3A {dimension_numbers = #tpu.dot_dimension_numbers<[1], [0], [0], [1], [0, 0, 1, 1], [], []>, transpose_lhs_hint = false} : vector<2000x128xf32>, vector<128x128xf32>, vector<2000x128xf32> -> vector<2000x128xf32>
    %mul3A = arith.constant 0.0883883461 : f32
    %mul3A_13 = vector.broadcast %mul3A : f32 to vector<2000x128xf32>
    %mul3A_14 = arith.mulf %dot_general3A_12, %mul3A_13 : vector<2000x128xf32>
    %get3A_15 = arith.constant 0 : index
    %get3A_16 = arith.constant 0 : index
    %get3A_17 = vector.load %arg1[%get3A_15, %get3A_16] : memref<2000x128xf32, #tpu.memory_space<vmem>>, vector<2000x128xf32>
    %get3A_18 = arith.constant 0 : index
    %get3A_19 = arith.constant 0 : index
    %get3A_20 = vector.load %arg2[%get3A_18, %get3A_19] : memref<2000x8xf32, #tpu.memory_space<vmem>>, vector<2000x8xf32>
    %broadcast_in_dim3A = arith.constant 0.000000e+00 : f32
    %broadcast_in_dim3A_21 = vector.broadcast %broadcast_in_dim3A : f32 to vector<2000x128xf32>
    %slice3A = vector.extract_strided_slice %get3A_20 {offsets = [0, 0], sizes = [2000, 1], strides = [1, 1]} : vector<2000x8xf32> to vector<2000x1xf32>
    %mul3A_22 = vector.broadcast %slice3A : vector<2000x1xf32> to vector<2000x128xf32>
    %mul3A_23 = arith.mulf %get3A_17, %mul3A_22 : vector<2000x128xf32>
    %get3A_24 = arith.constant 0 : index
    %get3A_25 = arith.constant 0 : index
    %get3A_26 = arith.constant 0 : index
    %get3A_27 = vector.load %arg5[%get3A_24, %get3A_25, %get3A_26] : memref<8x128x128xf32, #tpu.memory_space<vmem>>, vector<1x128x128xf32>
    %get3A_28 = vector.shape_cast %get3A_27 : vector<1x128x128xf32> to vector<128x128xf32>
    %dot_general3A_29 = arith.constant dense<0.000000e+00> : vector<2000x128xf32>
    %dot_general3A_30 = tpu.matmul %mul3A_23, %get3A_28, %dot_general3A_29 {dimension_numbers = #tpu.dot_dimension_numbers<[1], [0], [0], [1], [0, 0, 1, 1], [], []>, transpose_lhs_hint = false} : vector<2000x128xf32>, vector<128x128xf32>, vector<2000x128xf32> -> vector<2000x128xf32>
    %add3A_31 = arith.addf %broadcast_in_dim3A_21, %dot_general3A_30 : vector<2000x128xf32>
    %slice3A_32 = vector.extract_strided_slice %get3A_20 {offsets = [0, 1], sizes = [2000, 1], strides = [1, 1]} : vector<2000x8xf32> to vector<2000x1xf32>
    %mul3A_33 = vector.broadcast %slice3A_32 : vector<2000x1xf32> to vector<2000x128xf32>
    %mul3A_34 = arith.mulf %get3A_17, %mul3A_33 : vector<2000x128xf32>
    %get3A_35 = arith.constant 1 : index
    %get3A_36 = arith.constant 0 : index
    %get3A_37 = arith.constant 0 : index
    %get3A_38 = vector.load %arg5[%get3A_35, %get3A_36, %get3A_37] : memref<8x128x128xf32, #tpu.memory_space<vmem>>, vector<1x128x128xf32>
    %get3A_39 = vector.shape_cast %get3A_38 : vector<1x128x128xf32> to vector<128x128xf32>
    %dot_general3A_40 = arith.constant dense<0.000000e+00> : vector<2000x128xf32>
    %dot_general3A_41 = tpu.matmul %mul3A_34, %get3A_39, %dot_general3A_40 {dimension_numbers = #tpu.dot_dimension_numbers<[1], [0], [0], [1], [0, 0, 1, 1], [], []>, transpose_lhs_hint = false} : vector<2000x128xf32>, vector<128x128xf32>, vector<2000x128xf32> -> vector<2000x128xf32>
    %add3A_42 = arith.addf %add3A_31, %dot_general3A_41 : vector<2000x128xf32>
    %slice3A_43 = vector.extract_strided_slice %get3A_20 {offsets = [0, 2], sizes = [2000, 1], strides = [1, 1]} : vector<2000x8xf32> to vector<2000x1xf32>
    %mul3A_44 = vector.broadcast %slice3A_43 : vector<2000x1xf32> to vector<2000x128xf32>
    %mul3A_45 = arith.mulf %get3A_17, %mul3A_44 : vector<2000x128xf32>
    %get3A_46 = arith.constant 2 : index
    %get3A_47 = arith.constant 0 : index
    %get3A_48 = arith.constant 0 : index
    %get3A_49 = vector.load %arg5[%get3A_46, %get3A_47, %get3A_48] : memref<8x128x128xf32, #tpu.memory_space<vmem>>, vector<1x128x128xf32>
    %get3A_50 = vector.shape_cast %get3A_49 : vector<1x128x128xf32> to vector<128x128xf32>
    %dot_general3A_51 = arith.constant dense<0.000000e+00> : vector<2000x128xf32>
    %dot_general3A_52 = tpu.matmul %mul3A_45, %get3A_50, %dot_general3A_51 {dimension_numbers = #tpu.dot_dimension_numbers<[1], [0], [0], [1], [0, 0, 1, 1], [], []>, transpose_lhs_hint = false} : vector<2000x128xf32>, vector<128x128xf32>, vector<2000x128xf32> -> vector<2000x128xf32>
    %add3A_53 = arith.addf %add3A_42, %dot_general3A_52 : vector<2000x128xf32>
    %slice3A_54 = vector.extract_strided_slice %get3A_20 {offsets = [0, 3], sizes = [2000, 1], strides = [1, 1]} : vector<2000x8xf32> to vector<2000x1xf32>
    %mul3A_55 = vector.broadcast %slice3A_54 : vector<2000x1xf32> to vector<2000x128xf32>
    %mul3A_56 = arith.mulf %get3A_17, %mul3A_55 : vector<2000x128xf32>
    %get3A_57 = arith.constant 3 : index
    %get3A_58 = arith.constant 0 : index
    %get3A_59 = arith.constant 0 : index
    %get3A_60 = vector.load %arg5[%get3A_57, %get3A_58, %get3A_59] : memref<8x128x128xf32, #tpu.memory_space<vmem>>, vector<1x128x128xf32>
    %get3A_61 = vector.shape_cast %get3A_60 : vector<1x128x128xf32> to vector<128x128xf32>
    %dot_general3A_62 = arith.constant dense<0.000000e+00> : vector<2000x128xf32>
    %dot_general3A_63 = tpu.matmul %mul3A_56, %get3A_61, %dot_general3A_62 {dimension_numbers = #tpu.dot_dimension_numbers<[1], [0], [0], [1], [0, 0, 1, 1], [], []>, transpose_lhs_hint = false} : vector<2000x128xf32>, vector<128x128xf32>, vector<2000x128xf32> -> vector<2000x128xf32>
    %add3A_64 = arith.addf %add3A_53, %dot_general3A_63 : vector<2000x128xf32>
    %slice3A_65 = vector.extract_strided_slice %get3A_20 {offsets = [0, 4], sizes = [2000, 1], strides = [1, 1]} : vector<2000x8xf32> to vector<2000x1xf32>
    %mul3A_66 = vector.broadcast %slice3A_65 : vector<2000x1xf32> to vector<2000x128xf32>
    %mul3A_67 = arith.mulf %get3A_17, %mul3A_66 : vector<2000x128xf32>
    %get3A_68 = arith.constant 4 : index
    %get3A_69 = arith.constant 0 : index
    %get3A_70 = arith.constant 0 : index
    %get3A_71 = vector.load %arg5[%get3A_68, %get3A_69, %get3A_70] : memref<8x128x128xf32, #tpu.memory_space<vmem>>, vector<1x128x128xf32>
    %get3A_72 = vector.shape_cast %get3A_71 : vector<1x128x128xf32> to vector<128x128xf32>
    %dot_general3A_73 = arith.constant dense<0.000000e+00> : vector<2000x128xf32>
    %dot_general3A_74 = tpu.matmul %mul3A_67, %get3A_72, %dot_general3A_73 {dimension_numbers = #tpu.dot_dimension_numbers<[1], [0], [0], [1], [0, 0, 1, 1], [], []>, transpose_lhs_hint = false} : vector<2000x128xf32>, vector<128x128xf32>, vector<2000x128xf32> -> vector<2000x128xf32>
    %add3A_75 = arith.addf %add3A_64, %dot_general3A_74 : vector<2000x128xf32>
    %slice3A_76 = vector.extract_strided_slice %get3A_20 {offsets = [0, 5], sizes = [2000, 1], strides = [1, 1]} : vector<2000x8xf32> to vector<2000x1xf32>
    %mul3A_77 = vector.broadcast %slice3A_76 : vector<2000x1xf32> to vector<2000x128xf32>
    %mul3A_78 = arith.mulf %get3A_17, %mul3A_77 : vector<2000x128xf32>
    %get3A_79 = arith.constant 5 : index
    %get3A_80 = arith.constant 0 : index
    %get3A_81 = arith.constant 0 : index
    %get3A_82 = vector.load %arg5[%get3A_79, %get3A_80, %get3A_81] : memref<8x128x128xf32, #tpu.memory_space<vmem>>, vector<1x128x128xf32>
    %get3A_83 = vector.shape_cast %get3A_82 : vector<1x128x128xf32> to vector<128x128xf32>
    %dot_general3A_84 = arith.constant dense<0.000000e+00> : vector<2000x128xf32>
    %dot_general3A_85 = tpu.matmul %mul3A_78, %get3A_83, %dot_general3A_84 {dimension_numbers = #tpu.dot_dimension_numbers<[1], [0], [0], [1], [0, 0, 1, 1], [], []>, transpose_lhs_hint = false} : vector<2000x128xf32>, vector<128x128xf32>, vector<2000x128xf32> -> vector<2000x128xf32>
    %add3A_86 = arith.addf %add3A_75, %dot_general3A_85 : vector<2000x128xf32>
    %slice3A_87 = vector.extract_strided_slice %get3A_20 {offsets = [0, 6], sizes = [2000, 1], strides = [1, 1]} : vector<2000x8xf32> to vector<2000x1xf32>
    %mul3A_88 = vector.broadcast %slice3A_87 : vector<2000x1xf32> to vector<2000x128xf32>
    %mul3A_89 = arith.mulf %get3A_17, %mul3A_88 : vector<2000x128xf32>
    %get3A_90 = arith.constant 6 : index
    %get3A_91 = arith.constant 0 : index
    %get3A_92 = arith.constant 0 : index
    %get3A_93 = vector.load %arg5[%get3A_90, %get3A_91, %get3A_92] : memref<8x128x128xf32, #tpu.memory_space<vmem>>, vector<1x128x128xf32>
    %get3A_94 = vector.shape_cast %get3A_93 : vector<1x128x128xf32> to vector<128x128xf32>
    %dot_general3A_95 = arith.constant dense<0.000000e+00> : vector<2000x128xf32>
    %dot_general3A_96 = tpu.matmul %mul3A_89, %get3A_94, %dot_general3A_95 {dimension_numbers = #tpu.dot_dimension_numbers<[1], [0], [0], [1], [0, 0, 1, 1], [], []>, transpose_lhs_hint = false} : vector<2000x128xf32>, vector<128x128xf32>, vector<2000x128xf32> -> vector<2000x128xf32>
    %add3A_97 = arith.addf %add3A_86, %dot_general3A_96 : vector<2000x128xf32>
    %slice3A_98 = vector.extract_strided_slice %get3A_20 {offsets = [0, 7], sizes = [2000, 1], strides = [1, 1]} : vector<2000x8xf32> to vector<2000x1xf32>
    %mul3A_99 = vector.broadcast %slice3A_98 : vector<2000x1xf32> to vector<2000x128xf32>
    %mul3A_100 = arith.mulf %get3A_17, %mul3A_99 : vector<2000x128xf32>
    %get3A_101 = arith.constant 7 : index
    %get3A_102 = arith.constant 0 : index
    %get3A_103 = arith.constant 0 : index
    %get3A_104 = vector.load %arg5[%get3A_101, %get3A_102, %get3A_103] : memref<8x128x128xf32, #tpu.memory_space<vmem>>, vector<1x128x128xf32>
    %get3A_105 = vector.shape_cast %get3A_104 : vector<1x128x128xf32> to vector<128x128xf32>
    %dot_general3A_106 = arith.constant dense<0.000000e+00> : vector<2000x128xf32>
    %dot_general3A_107 = tpu.matmul %mul3A_100, %get3A_105, %dot_general3A_106 {dimension_numbers = #tpu.dot_dimension_numbers<[1], [0], [0], [1], [0, 0, 1, 1], [], []>, transpose_lhs_hint = false} : vector<2000x128xf32>, vector<128x128xf32>, vector<2000x128xf32> -> vector<2000x128xf32>
    %add3A_108 = arith.addf %add3A_97, %dot_general3A_107 : vector<2000x128xf32>
    %mul3A_109 = arith.constant 3.125000e-02 : f32
    %mul3A_110 = vector.broadcast %mul3A_109 : f32 to vector<2000x128xf32>
    %mul3A_111 = arith.mulf %add3A_108, %mul3A_110 : vector<2000x128xf32>
    %add3A_112 = arith.addf %mul3A_14, %mul3A_111 : vector<2000x128xf32>
    %max3A = arith.constant 0.000000e+00 : f32
    %max3A_113 = vector.broadcast %max3A : f32 to vector<2000x128xf32>
    %max3A_114 = arith.maximumf %add3A_112, %max3A_113 : vector<2000x128xf32>
    %abs3A = math.absf %add3A_112 : vector<2000x128xf32>
    %neg3A = arith.constant 0.000000e+00 : f32
    %neg3A_115 = vector.broadcast %neg3A : f32 to vector<2000x128xf32>
    %neg3A_116 = arith.subf %neg3A_115, %abs3A : vector<2000x128xf32>
    %exp3A = math.exp %neg3A_116 : vector<2000x128xf32>
    %log1p3A = math.log1p %exp3A : vector<2000x128xf32>
    %add3A_117 = arith.addf %max3A_114, %log1p3A : vector<2000x128xf32>
    %sub3A = arith.constant 0.693147182 : f32
    %sub3A_118 = vector.broadcast %sub3A : f32 to vector<2000x128xf32>
    %sub3A_119 = arith.subf %add3A_117, %sub3A_118 : vector<2000x128xf32>
    %add3A_120 = arith.addf %get3A_17, %sub3A_119 : vector<2000x128xf32>
    %swap3A = arith.constant 0 : index
    %swap3A_121 = arith.constant 0 : index
    %swap3A_122 = vector.load %arg6[%swap3A, %swap3A_121] : memref<2000x128xf32, #tpu.memory_space<vmem>>, vector<2000x128xf32>
    tpu.vector_store %arg6[%swap3A, %swap3A_121], %add3A_120 {strides = array<i32>} : memref<2000x128xf32, #tpu.memory_space<vmem>>, vector<2000x128xf32>,
    return
  }
  func.func @transform_0(%arg0: i32) -> (i32, i32) {
    %c0_i32 = arith.constant 0 : i32
    %c0_i32_0 = arith.constant 0 : i32
    return %arg0, %c0_i32 : i32, i32
  }
  func.func @transform_1(%arg0: i32) -> (i32, i32) {
    %c0_i32 = arith.constant 0 : i32
    %c0_i32_0 = arith.constant 0 : i32
    return %arg0, %c0_i32 : i32, i32
  }
  func.func @transform_2(%arg0: i32) -> (i32, i32, i32) {
    %c0_i32 = arith.constant 0 : i32
    %c0_i32_0 = arith.constant 0 : i32
    %c0_i32_1 = arith.constant 0 : i32
    return %c0_i32, %arg0, %c0_i32_0 : i32, i32, i32
  }
  func.func @transform_3(%arg0: i32) -> (i32, i32) {
    %c0_i32 = arith.constant 0 : i32
    %c0_i32_0 = arith.constant 0 : i32
    %c0_i32_1 = arith.constant 0 : i32
    return %c0_i32, %c0_i32_0 : i32, i32
  }
  func.func @transform_4(%arg0: i32) -> (i32, i32, i32) {
    %c0_i32 = arith.constant 0 : i32
    %c0_i32_0 = arith.constant 0 : i32
    %c0_i32_1 = arith.constant 0 : i32
    %c0_i32_2 = arith.constant 0 : i32
    return %c0_i32, %c0_i32_0, %c0_i32_1 : i32, i32, i32
  }
  func.func @transform_5(%arg0: i32) -> (i32, i32) {
    %c0_i32 = arith.constant 0 : i32
    %c0_i32_0 = arith.constant 0 : i32
    return %arg0, %c0_i32 : i32, i32
  }
}

</mosaic_0001>

<sc_bundles>
// kernel: kernel.6.cloned.1.call-start
scs
__scs_entry_jumppad:
0x0: {  	(pc) =	sbr.rel $0x88, $3  }
0x1: {  	(tag) =	ssettag $0x0;
	lr =	simm.s32 $0x1  }
0x2: {  	[smem:$0x3F97] =	sst lr;
	_ =	strace $0xD0000000  }
0x3: {  	_ = 	snop  }
0x4: {  	_ = 	snop  }
0x5: {  	_ = 	snop  }
0x6: {  	_ = 	snop  }
0x7: {  	_ = 	snop  }
__scs_overlays_trampoline_lowered:
0x8: {  	[smem:$0x3FA6] =	sst s0  }
0x9: {  	[smem:$0x3FA7] =	sst s1  }
0xa: {  	[smem:$0x3FA8] =	sst s2  }
0xb: {  	[smem:$0x3FA9] =	sst s3  }
0xc: {  	[smem:$0x3FAA] =	sst s4  }
0xd: {  	[smem:$0x3FAB] =	sst s5  }
0xe: {  	[smem:$0x3FAC] =	sst s6  }
0xf: {  	[smem:$0x3FAD] =	sst s7  }
0x10: {  	[smem:$0x3FAE] =	sst s8  }
0x11: {  	[smem:$0x3FAF] =	sst s9;
	s0 =	simm.s32 @!p0 $0x0  }
0x12: {  	s1 =	sld [smem:$0x3F95];
	s0 =	simm.s32 @p0 $0x1  }
0x13: {  	[smem:$0x3FB0] =	sst s0;
	s0 =	simm.s32 @!p1 $0x0  }
0x14: {  	s2 =	sld [smem:$0x3F94];
	s0 =	simm.s32 @p1 $0x1  }
0x15: {  	[smem:$0x3FB1] =	sst s0;
	s0 =	simm.s32 @!p2 $0x0  }
0x16: {  	s3 =	sld [smem:$0x3FDB];
	s0 =	simm.s32 @p2 $0x1  }
0x17: {  	s4 =	simm.s32 $0x1BF5;
	[smem:$0x3FB3] =	sst s0  }
0x18: {  	s0 =	sld [smem:$0x3F96];
	_ =	swait.ge [sflag:s4], $0x0  }
0x19: {  	s7 =	sld [smem:$0x3F97]  }
0x1a: {  	s8 =	sadd.s32 $0xFFFFE003, lr  }
0x1b: {  	s9 =	sadd.s32 $0xFFFFFEF7, lr;
	s5 =	simm.s32 $0xFFFFFFFF;
	p2 =	slt.u32 s8, $0xFFFFF086  }
0x1c: {  	p1 =	slt.u32 s9, $0xF7A;
	s5 =	simm.s32 @!p2 $0x0  }
0x1d: {  	s5 =	simm.s32 @p1 $0x1;
	p0 =	seq.s32 s7, s2  }
0x1e: {  	s7 =	smul.u32 @!p0 $0xF7A, s2;
	p2 =	seq.s32 @!p0 s5, $0x0  }
0x1f: {  	s9 =	smul.u32 $0xF7A, s1;
	s8 =	simm.s32 @!p0 $0x1BF5;
	p2 =	por !p2, p0  }
0x20: {  	[sflag:s8] =	ssyncset.s32 @!p0 $0xFFFFF086;
	s6 =	sadd.s32 @!p0 s3, s7;
	s7 =	simm.s32 @!p0 $0x108  }
0x21: {  	s3 =	sadd.s32 s3, s9;
	s6 =	sadd.s32 @!p0 $0x88, s6;
	s7 =	simm.s32 @p2 $0x1082  }
0x22: {  	[simem:s7], [sflag:s8] =	dma.local @!p0 [hbm:s6], $0xF7A  }
0x23: {  	s9 =	sor.u32 $0xD0000000, s2;
	s6 =	simm.s32 $0x108;
	_ =	swait.ge @!p0 [sflag:s8], $0x0  }
0x24: {  	s3 =	sadd.s32 $0x88, s3;
	s6 =	simm.s32 @!p1 $0x1082;
	[sflag:s4] =	ssyncset.s32 $0xFFFFF086  }
0x25: {  	[simem:s6], [sflag:s4] =	dma.local [hbm:s3], $0xF7A  }
0x26: {  	[smem:$0x3F97] =	sst s1;
	(tag) =	ssettag s2;
	_ =	strace s9  }
0x27: {  	s1 =	sld [smem:$0x3FA7]  }
0x28: {  	s2 =	sld [smem:$0x3FA8]  }
0x29: {  	s4 =	sld [smem:$0x3FAA]  }
0x2a: {  	p0 =	seq.s32 s5, $0x0;
	s5 =	sld [smem:$0x3FAB]  }
0x2b: {  	s6 =	sld [smem:$0x3FAC]  }
0x2c: {  	s7 =	sld [smem:$0x3FAD]  }
0x2d: {  	s3 =	simm.s32 $0x108;
	s8 =	sld [smem:$0x3FAE]  }
0x2e: {  	s3 =	simm.s32 @!p0 $0x1082;
	s9 =	sld [smem:$0x3FAF]  }
0x2f: {  	lr =	sadd.s32 s0, s3;
	s0 =	sld [smem:$0x3FA6]  }
0x30: {  	s3 =	sld [smem:$0x3FA9]  }
0x31: {  	[smem:$0x3FB2] =	sst s10  }
0x32: {  	s10 =	sld [smem:$0x3FB0];
	_ =	sdelay $0x3  }
0x33: {  	p0 =	seq.s32 s10, $0x1;
	s10 =	sld [smem:$0x3FB2];
	_ =	sdelay $0x3  }
0x34: {  	[smem:$0x3FB2] =	sst s10  }
0x35: {  	s10 =	sld [smem:$0x3FB1];
	_ =	sdelay $0x3  }
0x36: {  	p1 =	seq.s32 s10, $0x1;
	s10 =	sld [smem:$0x3FB2];
	_ =	sdelay $0x3  }
0x37: {  	[smem:$0x3FB2] =	sst s10  }
0x38: {  	s10 =	sld [smem:$0x3FB3]  }
0x39: {  	_ = 	snop;
	(pc) =	sbr.ind lr, $3  }
0x3a: {  	_ = 	snop  }
0x3b: {  	_ = 	snop  }
0x3c: {  	p2 =	seq.s32 s10, $0x1;
	s10 =	sld [smem:$0x3FB2]  }
0x3d: {  	_ =	shalt  }
0x3e: {  	_ =	shalt  }
0x3f: {  	_ =	shalt  }
0x40: {  	_ =	shalt  }
0x41: {  	_ =	shalt  }
0x42: {  	_ =	shalt  }
0x43: {  	_ =	shalt  }
0x44: {  	_ =	shalt  }
0x45: {  	_ =	shalt  }
0x46: {  	_ =	shalt  }
0x47: {  	_ =	shalt  }
0x48: {  	_ =	shalt  }
0x49: {  	_ =	shalt  }
0x4a: {  	_ =	shalt  }
0x4b: {  	_ =	shalt  }
0x4c: {  	_ =	shalt  }
0x4d: {  	_ =	shalt  }
0x4e: {  	_ =	shalt  }
0x4f: {  	_ =	shalt  }
0x50: {  	_ =	shalt  }
0x51: {  	_ =	shalt  }
0x52: {  	_ =	shalt  }
0x53: {  	_ =	shalt  }
0x54: {  	_ =	shalt  }
0x55: {  	_ =	shalt  }
0x56: {  	_ =	shalt  }
0x57: {  	_ =	shalt  }
0x58: {  	_ =	shalt  }
0x59: {  	_ =	shalt  }
0x5a: {  	_ =	shalt  }
0x5b: {  	_ =	shalt  }
0x5c: {  	_ =	shalt  }
0x5d: {  	_ =	shalt  }
0x5e: {  	_ =	shalt  }
0x5f: {  	_ =	shalt  }
0x60: {  	_ =	shalt  }
0x61: {  	_ =	shalt  }
0x62: {  	_ =	shalt  }
0x63: {  	_ =	shalt  }
0x64: {  	_ =	shalt  }
0x65: {  	_ =	shalt  }
0x66: {  	_ =	shalt  }
0x67: {  	_ =	shalt  }
0x68: {  	_ =	shalt  }
0x69: {  	_ =	shalt  }
0x6a: {  	_ =	shalt  }
0x6b: {  	_ =	shalt  }
0x6c: {  	_ =	shalt  }
0x6d: {  	_ =	shalt  }
0x6e: {  	_ =	shalt  }
0x6f: {  	_ =	shalt  }
0x70: {  	_ =	shalt  }
0x71: {  	_ =	shalt  }
0x72: {  	_ =	shalt  }
0x73: {  	_ =	shalt  }
0x74: {  	_ =	shalt  }
0x75: {  	_ =	shalt  }
0x76: {  	_ =	shalt  }
0x77: {  	_ =	shalt  }
0x78: {  	_ =	shalt  }
0x79: {  	_ =	shalt  }
0x7a: {  	_ =	shalt  }
0x7b: {  	_ =	shalt  }
0x7c: {  	_ =	shalt  }
0x7d: {  	_ =	shalt  }
0x7e: {  	_ =	shalt  }
0x7f: {  	_ =	shalt  }
0x80: {  	_ =	shalt  }
0x81: {  	_ =	shalt  }
0x82: {  	_ =	shalt  }
0x83: {  	_ =	shalt  }
0x84: {  	_ =	shalt  }
0x85: {  	_ =	shalt  }
0x86: {  	_ =	shalt  }
0x87: {  	_ =	shalt  }
.Lfunc_end0:
.L_simem_size_0:
called_computation_lowered:
.L_overlay_start_0:
0x88: {  	s2 =	sld [smem:$0x3FD9]  }
0x89: {  	s3 =	sld [smem:$0x3FFE];
	_ =	sdelay $0x1  }
0x8a: {  	s1 =	srdreg.scid  }
0x8b: {  	s0 =	sand.u32 $0x1, s1  }
0x8c: {  	s17 =	sshll.u32 s0, $0xA;
	s2 =	sadd.s32 s3, s2  }
0x8d: {  	s2 =	sadd.s32 s2, s17  }
0x8e: {  	[smem:$0x3FBE] =	sst s2  }
0x8f: {  	_ = 	snop  }
0x90: {  	s2 =	sld [smem:$0x3FD0];
	(tm) =	ssettm $0x1  }
0x91: {  	s18 =	sld [smem:$0x3FFB];
	_ =	sdelay $0x3  }
0x92: {  	_ =	strace s18  }
0x93: {  	s3 =	sld [smem:$0x3FFC];
	_ =	sdelay $0x3  }
0x94: {  	_ =	strace s3  }
0x95: {  	s3 =	sld [smem:$0x3FFD];
	_ =	sdelay $0x3  }
0x96: {  	_ =	strace s3  }
0x97: {  	_ =	strace $0x8FFFFFFF  }
0x98: {  	s19 =	sld [smem:$0x3FDB];
	_ =	sdelay $0x1  }
0x99: {  	s4 =	simm.s32 $_scs_section_size  }
0x9a: {  	s5 =	simm.s32 $_size__tile_overlayer_lowered;
	s6 =	simm.s32 $_tile_overlayer_lowered  }
0x9b: {  	s22 =	simm.s32 $0x1BFF;
	s21 =	sshll.u32 s6, $0x1;
	s3 =	sadd.s32 s4, s19  }
0x9c: {  	s7 =	simm.s32 $0x0;
	s20 =	sshll.u32 s5, $0x1;
	s5 =	sadd.s32 s21, s3  }
0x9d: {  	[timem:s7], [sflag:s22] =	dma.local [hbm:s5], s20  }
0x9e: {  	_ =	swait.ge [sflag:s22], s20  }
0x9f: {  	s4 =	ssub.s32 $0x0, s20;
	[sflag:s22] =	ssyncset.done $0x0  }
0xa0: {  	[sflag:s22] =	ssyncadd.s32 s4;
	_ =	sdelay $0x1  }
0xa1: {  	s23 =	simm.s32 $0x1B8B  }
0xa2: {  	_ =	swait.ge [sflag:s23], $0x1  }
0xa3: {  	[sflag:s23] =	ssyncset.done $0x0  }
0xa4: {  	s25 =	simm.s32 $0x1B8E;
	s24 =	sld [smem:$0x3FFE];
	[sflag:s23] =	ssyncadd.s32 $0xFFFFFFFF  }
0xa5: {  	s26 =	simm.s32 $execute0_lowered;
	[smem:$0x3FD2] =	sst s25  }
0xa6: {  	s5 =	sshll.u32 s26, $0x1;
	_ =	strace $0x80000046;
	[dreg:$0x1] =	wrdreg $0xFFFFFFFF  }
0xa7: {  	s28 =	simm.s32 $_size_execute0_lowered;
	s3 =	sadd.s32 s3, s5;
	[dreg:$0x0] =	wrdreg $0x0  }
0xa8: {  	s5 =	sshll.u32 s28, $0x1;
	[dreg:$0x2] =	wrdreg s3  }
0xa9: {  	[dreg:$0x3] =	wrdreg s5  }
0xaa: {  	[dreg:$0x4] =	wrdreg $0xC0  }
0xab: {  	_ =	task [dreg:s7], $0x5FFFF  }
0xac: {  	[dreg:$0x1] =	wrdreg $0xFFFFFFFF  }
0xad: {  	[dreg:$0x0] =	wrdreg $0x60  }
0xae: {  	[dreg:$0x2] =	wrdreg s2  }
0xaf: {  	[dreg:$0x3] =	wrdreg s24  }
0xb0: {  	[dreg:$0x4] =	wrdreg $0xA4000  }
0xb1: {  	[dreg:$0x5] =	wrdreg $0x9  }
0xb2: {  	_ =	task.clear_ibuf [dreg:s7], $0x6FFFF;
	_ =	strace $0x90000046  }
0xb3: {  	s29 =	simm.s32 $0x9;
	_ =	strace $0x80000048  }
0xb4: {  	_ =	swait.ge [sflag:s29], $0x1  }
0xb5: {  	[sflag:s29] =	ssyncadd.s32 $0xFFFFFFFF  }
0xb6: {  	_ =	strace $0x90000048  }
0xb7: {  	_ =	sfence  }
0xb8: {  	s30 =	sld [smem:$0x0];
	_ =	sdelay $0x2  }
0xb9: {  	s31 =	sshll.u32 s1, $0xD;
	s1 =	sshrl.u32 s1, $0x2  }
0xba: {  	s3 =	sand.u32 $0x4000, s31;
	s1 =	sadd.s32 s1, s30  }
0xbb: {  	s0 =	sor.u32 s3, s0;
	s1 =	sshll.u32 s1, $0x11  }
0xbc: {  	s0 =	sor.u32 s1, s0  }
0xbd: {  	s0 =	sadd.s32 $0x8F2B, s0  }
0xbe: {  	[sflag:s0] =	ssyncadd.remote.s32 $0x1  }
0xbf: {  	_ =	sfence.sel $0xFFFF  }
0xc0: {  	[dreg:$0x0] =	wrdreg $0xFFFFFFFF;
	(pc) =	sbr.abs _section_cstart, $3  }
0xc1: {  	[dreg:$0x1] =	wrdreg $0xFFFFFFFF  }
0xc2: {  	_ =	task.clear_ibuf [dreg:s7], $0x2FFFF;
	_ =	strace $0x9FFFFFFF  }
0xc3: {  	(tm) =	ssettm $0x7FFFFFFF  }
tec
execute0_lowered:
.L_overlay_start_1:
0x0: {  	(tag) =	ssettag $0x1  }
0x1: {  	s1 =	rddreg [dreg:$0x0]  }
0x2: {  	s0 =	rddreg [dreg:$0x1]  }
0x3: {  	s2 =	rddreg [dreg:$0x2];
	s4 =	simm.s32 $0x0;
	s3 =	srdreg.scid  }
0x4: {  	s11 =	stileid.u32;
	s29 =	simm.s32 $0x9;
	s30 =	simm.s32 $0xB  }
0x5: {  	[smem:$0x7FF] =	sst s4;
	s3 =	sand.u32 $0x1, s3;
	s10 =	smul.u32 $0x14000, s11  }
0x6: {  	s5 =	sadd.s32 $0x1EC00, s0;
	s19 =	sshll.u32 s11, $0x1;
	s11 =	smul.u32 $0x50000, s11  }
0x7: {  	s6 =	sadd.s32 $0x14E00, s0;
	s9 =	smul.u32 $0x140000, s3;
	_ =	strace $0x80000047  }
0x8: {  	s13 =	ssub.s32 $0x2, s3;
	s3 =	sor.u32 s3, s19;
	s11 =	sshrl.u32 s11, $0x2  }
0x9: {  	s20 =	sshrl.u32 s13, $0x1;
	s9 =	sadd.s32 s10, s9;
	s15 =	sadd.s32 s11, s2  }
0xa: {  	s10 =	ssub.s32 s13, s20;
	s11 =	sadd.s32 $0x2800, s15;
	[dreg:$0x4] =	wrdreg s15  }
0xb: {  	s12 =	sshrl.u32 s9, $0x3;
	s18 =	smax.u32 s10, $0x1;
	[dreg:$0x5] =	wrdreg s11  }
0xc: {  	s9 =	smul.u32 $0x2710, s3;
	s19 =	sadd.s32 $0x5000, s15;
	[dreg:$0x13] =	wrdreg s18  }
0xd: {  	s7 =	sadd.s32 $0xB000, s0;
	s20 =	sadd.s32 $0x7800, s15;
	[dreg:$0x14] =	wrdreg s19  }
0xe: {  	s3 =	smul.u32 $0x27100, s3;
	[dreg:$0x15] =	wrdreg s20;
	s14 =	sadd.s32 $0xA0, s9  }
0xf: {  	s8 =	sadd.s32 $0x1200, s0;
	s25 =	sadd.s32 $0xF0, s9;
	[dreg:$0x7] =	wrdreg s14  }
0x10: {  	s0 =	sadd.s32 s12, s0;
	s3 =	sadd.s32 s5, s3;
	[dreg:$0x9] =	wrdreg s25  }
0x11: {  	s21 =	sshrl.u32 s9, $0x3;
	s0 =	sadd.s32 $0x500C00, s0;
	[dreg:$0xe] =	wrdreg s3  }
0x12: {  	s31 =	simm.s32 $0x7;
	s23 =	sadd.s32 s7, s21;
	[dreg:$0x12] =	wrdreg s0  }
0x13: {  	s13 =	simm.s32 $0x6;
	s28 =	sadd.s32 s8, s21;
	[dreg:$0x6] =	wrdreg s23  }
0x14: {  	s22 =	sadd.s32 $0x50, s9;
	s11 =	sadd.s32 s6, s21;
	[dreg:$0xc] =	wrdreg s28  }
0x15: {  	s24 =	sshrl.u32 s22, $0x3;
	s21 =	sadd.s32 $0xA000, s15;
	[dreg:$0xd] =	wrdreg s11  }
0x16: {  	s26 =	sshrl.u32 s25, $0x3;
	s25 =	sadd.s32 $0x140, s9;
	[dreg:$0x16] =	wrdreg s21  }
0x17: {  	s14 =	sshrl.u32 s14, $0x3;
	s16 =	sadd.s32 s7, s24;
	[dreg:$0x1a] =	wrdreg s25  }
0x18: {  	s10 =	simm.s32 $0x0;
	s14 =	sadd.s32 s7, s14;
	[dreg:$0x8] =	wrdreg s16  }
0x19: {  	s20 =	simm.s32 $0x200;
	s17 =	sadd.s32 s6, s24;
	[dreg:$0xa] =	wrdreg s14  }
0x1a: {  	s18 =	simm.s32 $0xC;
	s23 =	sadd.s32 $0xF000, s15;
	[dreg:$0x10] =	wrdreg s17  }
0x1b: {  	s12 =	simm.s32 $0x8;
	s28 =	sadd.s32 $0x230, s9;
	[dreg:$0x18] =	wrdreg s23  }
0x1c: {  	s0 =	simm.s32 $0x5;
	s14 =	sadd.s32 s7, s26;
	[dreg:$0x1c] =	wrdreg s28  }
0x1d: {  	s16 =	sshll.u32 s22, $0x4;
	s22 =	sadd.s32 $0xC800, s15;
	[dreg:$0xb] =	wrdreg s14  }
0x1e: {  	s26 =	sadd.s32 $0x1E0, s9;
	s17 =	simm.s32 $0xA;
	[dreg:$0x17] =	wrdreg s22  }
0x1f: {  	s14 =	sadd.s32 s8, s24;
	s3 =	sadd.s32 s5, s16;
	[dreg:$0x1b] =	wrdreg s26  }
0x20: {  	s24 =	sadd.s32 $0x11800, s15;
	s16 =	simm.s32 $0xD;
	[dreg:$0xf] =	wrdreg s14  }
0x21: {  	s22 =	simm.s32 $0x50;
	s26 =	simm.s32 $0x2C00;
	[dreg:$0x11] =	wrdreg s3  }
0x22: {  	v0 =	vimm.f32 $0.0e+00;
	[dreg:$0x19] =	wrdreg s24;
	s14 =	simm.s32 $0x400;
	s24 =	simm.s32 $0x280  }
.LBB2_1:
0x23: {  	[dreg:$0x1d] =	wrdreg s10;
	s10 =	simm.s32 $0x0;
	s11 =	simm.s32 $0x200  }
.LBB2_2:
0x24: {  	p0 =	sne.s32 s11, $0x9E00;
	[tilespmem:s10+$0x470] =	vst v0  }
0x25: {  	[tilespmem:s10+$0x400] =	vst v0  }
0x26: {  	[tilespmem:s10+$0x410] =	vst v0  }
.Ltmp0:
0x27: {  	[tilespmem:s10+$0x420] =	vst v0;
	(pc) =	sbr.rel @p0 .LBB2_2-.Ltmp0, $4  }
0x28: {  	[tilespmem:s10+$0x430] =	vst v0  }
0x29: {  	[tilespmem:s10+$0x440] =	vst v0  }
0x2a: {  	[tilespmem:s10+$0x450] =	vst v0  }
0x2b: {  	[tilespmem:s10+$0x460] =	vst v0;
	s10 =	sshra.s32 s11, $0x2;
	s11 =	sadd.s32 $0x200, s11  }
0x2c: {  	[tilespmem:s10+$0x470] =	vst v0  }
0x2d: {  	[tilespmem:s10+$0x400] =	vst v0  }
0x2e: {  	[tilespmem:s10+$0x410] =	vst v0  }
0x2f: {  	[tilespmem:s10+$0x420] =	vst v0  }
0x30: {  	[tilespmem:s10+$0x430] =	vst v0  }
0x31: {  	[tilespmem:s10+$0x440] =	vst v0  }
0x32: {  	[tilespmem:s10+$0x450] =	vst v0  }
0x33: {  	[tilespmem:s10+$0x460] =	vst v0  }
0x34: {  	[spmem:s15] =	stream.linear.scatter [tilespmem:s14], [sflag:$0xD], $0x2800, $0x38;
	[tilespmem:$0x1E400] =	vst v63  }
0x35: {  	_ =	swait.ge [sflag:s16], $0x2800  }
0x36: {  	[sflag:s16] =	ssyncset.done $0x0  }
0x37: {  	s3 =	rddreg [dreg:$0x5];
	[sflag:s16] =	ssyncadd.s32 $0xFFFFD800  }
0x38: {  	[spmem:s3] =	stream.linear.scatter [tilespmem:s14], [sflag:$0xD], $0x2800, $0x38;
	[tilespmem:$0x1E400] =	vst v63  }
0x39: {  	_ =	swait.ge [sflag:s16], $0x2800  }
0x3a: {  	[sflag:s16] =	ssyncset.done $0x0  }
0x3b: {  	s21 =	rddreg [dreg:$0x14];
	[sflag:s16] =	ssyncadd.s32 $0xFFFFD800  }
0x3c: {  	[spmem:s21] =	stream.linear.scatter [tilespmem:s14], [sflag:$0xD], $0x2800, $0x38;
	[tilespmem:$0x1E400] =	vst v63  }
0x3d: {  	_ =	swait.ge [sflag:s16], $0x2800  }
0x3e: {  	[sflag:s16] =	ssyncset.done $0x0  }
0x3f: {  	s23 =	rddreg [dreg:$0x15];
	[sflag:s16] =	ssyncadd.s32 $0xFFFFD800  }
0x40: {  	[spmem:s23] =	stream.linear.scatter [tilespmem:s14], [sflag:$0xD], $0x2800, $0x38;
	[tilespmem:$0x1E400] =	vst v63  }
0x41: {  	_ =	swait.ge [sflag:s16], $0x2800  }
0x42: {  	[sflag:s16] =	ssyncset.done $0x0  }
0x43: {  	s25 =	rddreg [dreg:$0x16];
	[sflag:s16] =	ssyncadd.s32 $0xFFFFD800  }
0x44: {  	[spmem:s25] =	stream.linear.scatter [tilespmem:s14], [sflag:$0xD], $0x2800, $0x38;
	[tilespmem:$0x1E400] =	vst v63  }
0x45: {  	_ =	swait.ge [sflag:s16], $0x2800  }
0x46: {  	[sflag:s16] =	ssyncset.done $0x0  }
0x47: {  	s28 =	rddreg [dreg:$0x17];
	[sflag:s16] =	ssyncadd.s32 $0xFFFFD800  }
0x48: {  	[spmem:s28] =	stream.linear.scatter [tilespmem:s14], [sflag:$0xD], $0x2800, $0x38;
	[tilespmem:$0x1E400] =	vst v63  }
0x49: {  	_ =	swait.ge [sflag:s16], $0x2800  }
0x4a: {  	[sflag:s16] =	ssyncset.done $0x0  }
0x4b: {  	s10 =	rddreg [dreg:$0x18];
	[sflag:s16] =	ssyncadd.s32 $0xFFFFD800  }
0x4c: {  	[spmem:s10] =	stream.linear.scatter [tilespmem:s14], [sflag:$0xD], $0x2800, $0x38;
	[tilespmem:$0x1E400] =	vst v63  }
0x4d: {  	_ =	swait.ge [sflag:s16], $0x2800  }
0x4e: {  	[sflag:s16] =	ssyncset.done $0x0  }
0x4f: {  	s11 =	rddreg [dreg:$0x19];
	[sflag:s16] =	ssyncadd.s32 $0xFFFFD800  }
0x50: {  	[spmem:s11] =	stream.linear.scatter [tilespmem:s14], [sflag:$0xD], $0x2800, $0x38;
	[tilespmem:$0x1E400] =	vst v63  }
0x51: {  	_ =	swait.ge [sflag:s16], $0x2800  }
0x52: {  	[sflag:s16] =	ssyncset.done $0x0  }
0x53: {  	[sflag:s16] =	ssyncadd.s32 $0xFFFFD800  }
0x54: {  	[bflag:$0x0] =	sbarrier.arrive $0xFFFF  }
0x55: {  	s19 =	simm.s32 $0x0;
	s15 =	rddreg [dreg:$0x6]  }
0x56: {  	[tilespmem:s19], [sflag:$0xD] =	stream.linear.gather [hbm4b:s15+s19], $0x50, $0x38;
	[tilespmem:$0x1E400] =	vst v63  }
0x57: {  	_ =	swait.ge [sflag:s16], $0x50  }
0x58: {  	[sflag:s16] =	ssyncset.done $0x0  }
0x59: {  	s10 =	simm.s32 $0x80;
	s21 =	rddreg [dreg:$0x8];
	[sflag:s16] =	ssyncadd.s32 $0xFFFFFFB0  }
0x5a: {  	[tilespmem:s10], [sflag:$0xD] =	stream.linear.gather [hbm4b:s21+s19], $0x50, $0x38;
	[tilespmem:$0x1E400] =	vst v63  }
0x5b: {  	_ =	swait.ge [sflag:s16], $0x50  }
0x5c: {  	[sflag:s16] =	ssyncset.done $0x0  }
0x5d: {  	s11 =	simm.s32 $0x100;
	s23 =	rddreg [dreg:$0xa];
	[sflag:s16] =	ssyncadd.s32 $0xFFFFFFB0  }
0x5e: {  	[tilespmem:s11], [sflag:$0x3] =	stream.linear.gather [hbm4b:s23+s19], $0x50, $0x38;
	[tilespmem:$0x1E400] =	vst v63  }
0x5f: {  	s28 =	simm.s32 $0x180;
	s25 =	rddreg [dreg:$0xb]  }
0x60: {  	[tilespmem:s28], [sflag:$0x4] =	stream.linear.gather [hbm4b:s25+s19], $0x50, $0x38;
	[tilespmem:$0x1E400] =	vst v63  }
0x61: {  	s15 =	rddreg [dreg:$0xc]  }
0x62: {  	[tilespmem:s20], [sflag:$0x5] =	stream.linear.gather [hbm4b:s15+s19], $0x50, $0x38;
	[tilespmem:$0x1E400] =	vst v63  }
0x63: {  	s21 =	rddreg [dreg:$0xd];
	s23 =	simm.s32 $0x300  }
0x64: {  	[tilespmem:s23], [sflag:$0x7] =	stream.linear.gather [hbm4b:s21+s19], $0x50, $0x38;
	[tilespmem:$0x1E400] =	vst v63  }
0x65: {  	_ = 	snop  }
0x66: {  	[tilespmem:s14], [sflag:$0x9] =	stream.indirect.gather [hbm4b:s1+s22], $0x80, s19, s22, $0xb8;
	[tilespmem:$0x1E400] =	vst v63  }
0x67: {  	s25 =	rddreg [dreg:$0xe];
	s28 =	simm.s32 $0x5400  }
0x68: {  	[tilespmem:s28], [sflag:$0xB] =	stream.linear.gather [hbm4b:s25+s19], $0x2800, $0x38;
	[tilespmem:$0x1E400] =	vst v63  }
0x69: {  	s15 =	rddreg [dreg:$0xf]  }
0x6a: {  	[tilespmem:s24], [sflag:$0x6] =	stream.linear.gather [hbm4b:s15+s19], $0x50, $0x38;
	[tilespmem:$0x1E400] =	vst v63  }
0x6b: {  	s21 =	rddreg [dreg:$0x10];
	s23 =	simm.s32 $0x380  }
0x6c: {  	[tilespmem:s23], [sflag:$0x8] =	stream.linear.gather [hbm4b:s21+s19], $0x50, $0x38;
	[tilespmem:$0x1E400] =	vst v63  }
0x6d: {  	_ = 	snop  }
0x6e: {  	[tilespmem:s26], [sflag:$0xA] =	stream.indirect.gather [hbm4b:s1+s22], $0x80, s10, s22, $0xb8;
	[tilespmem:$0x1E400] =	vst v63  }
0x6f: {  	s25 =	rddreg [dreg:$0x11];
	s28 =	simm.s32 $0x7C00  }
0x70: {  	[tilespmem:s28], [sflag:$0xC] =	stream.linear.gather [hbm4b:s25+s19], $0x2800, $0x38;
	[tilespmem:$0x1E400] =	vst v63  }
.LBB2_4:
0x71: {  	_ =	swait.ge [sflag:s29], $0x2800  }
0x72: {  	[sflag:s29] =	ssyncset.done $0x0  }
0x73: {  	[sflag:s29] =	ssyncadd.s32 $0xFFFFD800  }
0x74: {  	_ =	swait.ge [sflag:s30], $0x2800  }
0x75: {  	[sflag:s30] =	ssyncset.done $0x0  }
0x76: {  	[sflag:s30] =	ssyncadd.s32 $0xFFFFD800  }
0x77: {  	_ =	swait.ge [sflag:s31], $0x50  }
0x78: {  	[sflag:s31] =	ssyncset.done $0x0  }
0x79: {  	s21 =	simm.s32 $0x0;
	[sflag:s31] =	ssyncadd.s32 $0xFFFFFFB0  }
0x7a: {  	v5 =	vld [tilespmem:s21+$0x5400]  }
0x7b: {  	v7 =	vld [tilespmem:s21+$0x5410]  }
0x7c: {  	v8 =	vld [tilespmem:s21+$0x5420]  }
0x7d: {  	v9 =	vld [tilespmem:s21+$0x5430]  }
0x7e: {  	v2 =	vld [tilespmem:s21+$0x5440]  }
0x7f: {  	v4 =	vld [tilespmem:s21+$0x5450]  }
0x80: {  	v1 =	vld [tilespmem:s21+$0x5460]  }
0x81: {  	s11 =	simm.s32 $0x300;
	v3 =	vld [tilespmem:s21+$0x5470]  }
0x82: {  	s10 =	simm.s32 $0x200;
	v6 =	vld.msk [tilespmem:s11+$0x0 ss:$0x0], $0xffff  }
.LBB2_5:
0x83: {  	p0 =	sne.s32 s10, $0x9E00;
	v10 =	vld [tilespmem:s21+$0x430]  }
0x84: {  	v11 =	vld [tilespmem:s21+$0x410]  }
0x85: {  	v12 =	vld [tilespmem:s21+$0x400]  }
0x86: {  	v13 =	vld [tilespmem:s21+$0x420]  }
0x87: {  	v14 =	vld [tilespmem:s21+$0x470]  }
0x88: {  	v5 =	vmul.f32 v5, v6;
	v7 =	vmul.f32 v7, v6;
	v15 =	vld [tilespmem:s21+$0x450]  }
0x89: {  	v8 =	vmul.f32 v8, v6;
	v9 =	vmul.f32 v9, v6;
	v16 =	vld [tilespmem:s21+$0x440]  }
0x8a: {  	v11 =	vmul.f32 v7, v11;
	v12 =	vmul.f32 v5, v12;
	v17 =	vld [tilespmem:s21+$0x460]  }
0x8b: {  	s15 =	sshra.s32 s10, $0x2;
	v10 =	vmul.f32 v9, v10;
	v13 =	vmul.f32 v8, v13  }
0x8c: {  	v2 =	vmul.f32 v2, v6;
	v4 =	vmul.f32 v4, v6;
	v5 =	vld [tilespmem:s15+$0x5400];
	[tilespmem:s21+$0x400] =	vst v12  }
0x8d: {  	v1 =	vmul.f32 v1, v6;
	v3 =	vmul.f32 v3, v6;
	v7 =	vld [tilespmem:s15+$0x5410];
	[tilespmem:s21+$0x410] =	vst v11  }
0x8e: {  	v11 =	vmul.f32 v4, v15;
	v8 =	vld [tilespmem:s15+$0x5420];
	[tilespmem:s21+$0x420] =	vst v13;
	v6 =	vmul.f32 v2, v16  }
0x8f: {  	v12 =	vmul.f32 v3, v14;
	v9 =	vld [tilespmem:s15+$0x5430];
	[tilespmem:s21+$0x430] =	vst v10;
	v10 =	vmul.f32 v1, v17  }
.Ltmp1:
0x90: {  	v2 =	vld [tilespmem:s15+$0x5440];
	[tilespmem:s21+$0x440] =	vst v6;
	(pc) =	sbr.rel @p0 .LBB2_5-.Ltmp1, $4  }
0x91: {  	v4 =	vld [tilespmem:s15+$0x5450];
	[tilespmem:s21+$0x450] =	vst v11  }
0x92: {  	v1 =	vld [tilespmem:s15+$0x5460];
	[tilespmem:s21+$0x460] =	vst v10  }
0x93: {  	s11 =	sadd.s32 $0x1, s11;
	v3 =	vld [tilespmem:s15+$0x5470];
	[tilespmem:s21+$0x470] =	vst v12;
	s21 =	smov.u32 s15  }
0x94: {  	s10 =	sadd.s32 $0x200, s10;
	v6 =	vld.msk [tilespmem:s11+$0x0 ss:$0x0], $0xffff  }
0x95: {  	_ = 	snop  }
0x96: {  	v11 =	vld [tilespmem:s21+$0x400]  }
0x97: {  	v12 =	vld [tilespmem:s21+$0x410]  }
0x98: {  	v13 =	vld [tilespmem:s21+$0x420]  }
0x99: {  	v15 =	vld [tilespmem:s21+$0x440];
	v5 =	vmul.f32 v5, v6  }
0x9a: {  	v16 =	vld [tilespmem:s21+$0x450];
	v7 =	vmul.f32 v7, v6  }
0x9b: {  	v10 =	vld [tilespmem:s21+$0x430];
	v8 =	vmul.f32 v8, v6;
	v5 =	vmul.f32 v5, v11  }
0x9c: {  	v14 =	vld [tilespmem:s21+$0x470];
	v2 =	vmul.f32 v2, v6;
	v7 =	vmul.f32 v7, v12  }
0x9d: {  	v4 =	vmul.f32 v4, v6;
	v11 =	vld [tilespmem:s21+$0x460];
	v8 =	vmul.f32 v8, v13;
	[tilespmem:s21+$0x400] =	vst v5  }
0x9e: {  	v9 =	vmul.f32 v9, v6;
	v2 =	vmul.f32 v2, v15;
	[tilespmem:s21+$0x410] =	vst v7  }
0x9f: {  	v3 =	vmul.f32 v3, v6;
	v4 =	vmul.f32 v4, v16;
	[tilespmem:s21+$0x420] =	vst v8  }
0xa0: {  	v1 =	vmul.f32 v1, v6;
	v5 =	vmul.f32 v9, v10;
	[tilespmem:s21+$0x440] =	vst v2  }
0xa1: {  	v2 =	vmul.f32 v3, v14;
	[tilespmem:s21+$0x450] =	vst v4  }
0xa2: {  	[tilespmem:s21+$0x430] =	vst v5;
	v1 =	vmul.f32 v1, v11  }
0xa3: {  	[tilespmem:s21+$0x470] =	vst v2  }
0xa4: {  	[tilespmem:s21+$0x460] =	vst v1  }
0xa5: {  	_ =	swait.ge [sflag:s0], $0x50  }
0xa6: {  	[sflag:s0] =	ssyncset.done $0x0  }
0xa7: {  	[sflag:s0] =	ssyncadd.s32 $0xFFFFFFB0  }
0xa8: {  	[spmem:s2] =	stream.indirect.scatter.add.f32 [tilespmem:s14], [sflag:$0xD], $0x80, s20, s22, $0xb8;
	[tilespmem:$0x1E400] =	vst v63  }
0xa9: {  	s25 =	smul.u32 $0x140, s19;
	_ =	swait.ge [sflag:s16], $0x2800  }
0xaa: {  	s3 =	rddreg [dreg:$0x1a]  }
0xab: {  	s11 =	simm.s32 $0x0;
	s28 =	sadd.s32 s25, s3  }
0xac: {  	s23 =	simm.s32 $0x3;
	[sflag:s16] =	ssyncset.done $0x0;
	s21 =	sshrl.u32 s28, $0x3  }
0xad: {  	s15 =	rddreg [dreg:$0x7];
	[sflag:s16] =	ssyncadd.s32 $0xFFFFD800;
	s10 =	sadd.s32 s7, s21  }
0xae: {  	[tilespmem:s11], [sflag:$0x1] =	stream.linear.gather [hbm4b:s10+s11], $0x50, $0x38;
	[tilespmem:$0x1E400] =	vst v63  }
0xaf: {  	s10 =	sadd.s32 s25, s15;
	_ =	swait.ge [sflag:s23], $0x50  }
0xb0: {  	s15 =	sshrl.u32 s10, $0x3;
	[sflag:s23] =	ssyncset.done $0x0  }
0xb1: {  	[sflag:s23] =	ssyncadd.s32 $0xFFFFFFB0;
	s23 =	sadd.s32 s8, s15  }
0xb2: {  	[tilespmem:s20], [sflag:$0x5] =	stream.linear.gather [hbm4b:s23+s11], $0x50, $0x38;
	[tilespmem:$0x1E400] =	vst v63  }
0xb3: {  	s15 =	sadd.s32 s6, s15;
	s23 =	simm.s32 $0x300  }
0xb4: {  	[tilespmem:s23], [sflag:$0x7] =	stream.linear.gather [hbm4b:s15+s11], $0x50, $0x38;
	[tilespmem:$0x1E400] =	vst v63  }
0xb5: {  	s10 =	sshll.u32 s10, $0x4;
	s15 =	simm.s32 $0x100  }
0xb6: {  	[tilespmem:s14], [sflag:$0x9] =	stream.indirect.gather [hbm4b:s1+s22], $0x80, s15, s22, $0xb8;
	[tilespmem:$0x1E400] =	vst v63  }
0xb7: {  	s10 =	sadd.s32 s5, s10;
	s23 =	simm.s32 $0x5400  }
0xb8: {  	[tilespmem:s23], [sflag:$0xB] =	stream.linear.gather [hbm4b:s10+s11], $0x2800, $0x38;
	[tilespmem:$0x1E400] =	vst v63  }
0xb9: {  	_ =	swait.ge [sflag:s17], $0x2800  }
0xba: {  	[sflag:s17] =	ssyncset.done $0x0  }
0xbb: {  	[sflag:s17] =	ssyncadd.s32 $0xFFFFD800  }
0xbc: {  	_ =	swait.ge [sflag:s18], $0x2800  }
0xbd: {  	[sflag:s18] =	ssyncset.done $0x0  }
0xbe: {  	[sflag:s18] =	ssyncadd.s32 $0xFFFFD800  }
0xbf: {  	_ =	swait.ge [sflag:s12], $0x50  }
0xc0: {  	[sflag:s12] =	ssyncset.done $0x0  }
0xc1: {  	s23 =	simm.s32 $0x0;
	[sflag:s12] =	ssyncadd.s32 $0xFFFFFFB0  }
0xc2: {  	v5 =	vld [tilespmem:s23+$0x7C00]  }
0xc3: {  	v7 =	vld [tilespmem:s23+$0x7C10]  }
0xc4: {  	v8 =	vld [tilespmem:s23+$0x7C20]  }
0xc5: {  	v9 =	vld [tilespmem:s23+$0x7C30]  }
0xc6: {  	v2 =	vld [tilespmem:s23+$0x7C40]  }
0xc7: {  	v4 =	vld [tilespmem:s23+$0x7C50]  }
0xc8: {  	v1 =	vld [tilespmem:s23+$0x7C60]  }
0xc9: {  	s11 =	simm.s32 $0x380;
	v3 =	vld [tilespmem:s23+$0x7C70]  }
0xca: {  	s10 =	simm.s32 $0x200;
	v6 =	vld.msk [tilespmem:s11+$0x0 ss:$0x0], $0xffff  }
.LBB2_7:
0xcb: {  	p0 =	sne.s32 s10, $0x9E00;
	v10 =	vld [tilespmem:s23+$0x2C30]  }
0xcc: {  	v11 =	vld [tilespmem:s23+$0x2C10]  }
0xcd: {  	v12 =	vld [tilespmem:s23+$0x2C00]  }
0xce: {  	v13 =	vld [tilespmem:s23+$0x2C20]  }
0xcf: {  	v14 =	vld [tilespmem:s23+$0x2C70]  }
0xd0: {  	v5 =	vmul.f32 v5, v6;
	v7 =	vmul.f32 v7, v6;
	v15 =	vld [tilespmem:s23+$0x2C50]  }
0xd1: {  	v8 =	vmul.f32 v8, v6;
	v9 =	vmul.f32 v9, v6;
	v16 =	vld [tilespmem:s23+$0x2C40]  }
0xd2: {  	v11 =	vmul.f32 v7, v11;
	v12 =	vmul.f32 v5, v12;
	v17 =	vld [tilespmem:s23+$0x2C60]  }
0xd3: {  	s15 =	sshra.s32 s10, $0x2;
	v10 =	vmul.f32 v9, v10;
	v13 =	vmul.f32 v8, v13  }
0xd4: {  	v2 =	vmul.f32 v2, v6;
	v4 =	vmul.f32 v4, v6;
	v5 =	vld [tilespmem:s15+$0x7C00];
	[tilespmem:s23+$0x2C00] =	vst v12  }
0xd5: {  	v1 =	vmul.f32 v1, v6;
	v3 =	vmul.f32 v3, v6;
	v7 =	vld [tilespmem:s15+$0x7C10];
	[tilespmem:s23+$0x2C10] =	vst v11  }
0xd6: {  	v11 =	vmul.f32 v4, v15;
	v8 =	vld [tilespmem:s15+$0x7C20];
	[tilespmem:s23+$0x2C20] =	vst v13;
	v6 =	vmul.f32 v2, v16  }
0xd7: {  	v12 =	vmul.f32 v3, v14;
	v9 =	vld [tilespmem:s15+$0x7C30];
	[tilespmem:s23+$0x2C30] =	vst v10;
	v10 =	vmul.f32 v1, v17  }
.Ltmp2:
0xd8: {  	v2 =	vld [tilespmem:s15+$0x7C40];
	[tilespmem:s23+$0x2C40] =	vst v6;
	(pc) =	sbr.rel @p0 .LBB2_7-.Ltmp2, $4  }
0xd9: {  	v4 =	vld [tilespmem:s15+$0x7C50];
	[tilespmem:s23+$0x2C50] =	vst v11  }
0xda: {  	v1 =	vld [tilespmem:s15+$0x7C60];
	[tilespmem:s23+$0x2C60] =	vst v10  }
0xdb: {  	s11 =	sadd.s32 $0x1, s11;
	v3 =	vld [tilespmem:s15+$0x7C70];
	[tilespmem:s23+$0x2C70] =	vst v12;
	s23 =	smov.u32 s15  }
0xdc: {  	s10 =	sadd.s32 $0x200, s10;
	v6 =	vld.msk [tilespmem:s11+$0x0 ss:$0x0], $0xffff  }
0xdd: {  	_ = 	snop  }
0xde: {  	v11 =	vld [tilespmem:s23+$0x2C00]  }
0xdf: {  	v12 =	vld [tilespmem:s23+$0x2C10]  }
0xe0: {  	v13 =	vld [tilespmem:s23+$0x2C20]  }
0xe1: {  	v15 =	vld [tilespmem:s23+$0x2C40];
	v5 =	vmul.f32 v5, v6  }
0xe2: {  	v16 =	vld [tilespmem:s23+$0x2C50];
	v7 =	vmul.f32 v7, v6  }
0xe3: {  	v10 =	vld [tilespmem:s23+$0x2C30];
	v8 =	vmul.f32 v8, v6;
	v5 =	vmul.f32 v5, v11  }
0xe4: {  	v14 =	vld [tilespmem:s23+$0x2C70];
	v2 =	vmul.f32 v2, v6;
	v7 =	vmul.f32 v7, v12  }
0xe5: {  	v4 =	vmul.f32 v4, v6;
	v11 =	vld [tilespmem:s23+$0x2C60];
	v8 =	vmul.f32 v8, v13;
	[tilespmem:s23+$0x2C00] =	vst v5  }
0xe6: {  	v9 =	vmul.f32 v9, v6;
	v2 =	vmul.f32 v2, v15;
	[tilespmem:s23+$0x2C10] =	vst v7  }
0xe7: {  	v3 =	vmul.f32 v3, v6;
	v4 =	vmul.f32 v4, v16;
	[tilespmem:s23+$0x2C20] =	vst v8  }
0xe8: {  	v1 =	vmul.f32 v1, v6;
	v5 =	vmul.f32 v9, v10;
	[tilespmem:s23+$0x2C40] =	vst v2  }
0xe9: {  	v2 =	vmul.f32 v3, v14;
	[tilespmem:s23+$0x2C50] =	vst v4  }
0xea: {  	[tilespmem:s23+$0x2C30] =	vst v5;
	v1 =	vmul.f32 v1, v11  }
0xeb: {  	[tilespmem:s23+$0x2C70] =	vst v2  }
0xec: {  	[tilespmem:s23+$0x2C60] =	vst v1  }
0xed: {  	s10 =	sshll.u32 s19, $0x2;
	_ =	swait.ge [sflag:s13], $0x50  }
0xee: {  	p0 =	seq.s32 s19, $0x1E;
	s23 =	sadd.s32 $0x5, s10;
	[sflag:s13] =	ssyncset.done $0x0  }
0xef: {  	s10 =	smul.u32 @!p0 $0x50, s23;
	[sflag:s13] =	ssyncadd.s32 $0xFFFFFFB0  }
0xf0: {  	[spmem:s2] =	stream.indirect.scatter.add.f32 [tilespmem:s26], [sflag:$0xD], $0x80, s24, s22, $0xb8;
	[tilespmem:$0x1E400] =	vst v63  }
0xf1: {  	s10 =	sadd.s32 @!p0 s9, s10;
	_ =	swait.ge [sflag:s16], $0x2800  }
0xf2: {  	s11 =	simm.s32 @!p0 $0x0;
	s10 =	sshrl.u32 @!p0 s10, $0x3;
	[sflag:s16] =	ssyncset.done $0x0  }
0xf3: {  	s15 =	simm.s32 @!p0 $0x80;
	s10 =	sadd.s32 @!p0 s7, s10;
	[sflag:s16] =	ssyncadd.s32 $0xFFFFD800  }
0xf4: {  	[tilespmem:s15], [sflag:$0x2] =	stream.linear.gather @!p0 [hbm4b:s10+s11], $0x50, $0x38;
	[tilespmem:$0x1E400] =	vst v63  }
0xf5: {  	s3 =	rddreg [dreg:$0x9];
	s15 =	simm.s32 $0x4  }
0xf6: {  	s10 =	sadd.s32 s25, s3;
	_ =	swait.ge [sflag:s15], $0x50  }
0xf7: {  	s11 =	sshrl.u32 s10, $0x3;
	[sflag:s15] =	ssyncset.done $0x0  }
0xf8: {  	s3 =	simm.s32 $0x0;
	[sflag:s15] =	ssyncadd.s32 $0xFFFFFFB0;
	s15 =	sadd.s32 s8, s11  }
0xf9: {  	[tilespmem:s24], [sflag:$0x6] =	stream.linear.gather [hbm4b:s15+s3], $0x50, $0x38;
	[tilespmem:$0x1E400] =	vst v63  }
0xfa: {  	s11 =	sadd.s32 s6, s11;
	s15 =	simm.s32 $0x380  }
0xfb: {  	[tilespmem:s15], [sflag:$0x8] =	stream.linear.gather [hbm4b:s11+s3], $0x50, $0x38;
	[tilespmem:$0x1E400] =	vst v63  }
0xfc: {  	s10 =	sshll.u32 s10, $0x4;
	s15 =	simm.s32 $0x180  }
0xfd: {  	[tilespmem:s26], [sflag:$0xA] =	stream.indirect.gather [hbm4b:s1+s22], $0x80, s15, s22, $0xb8;
	[tilespmem:$0x1E400] =	vst v63  }
0xfe: {  	s10 =	sadd.s32 s5, s10;
	s15 =	simm.s32 $0x7C00  }
0xff: {  	[tilespmem:s15], [sflag:$0xC] =	stream.linear.gather [hbm4b:s10+s3], $0x2800, $0x38;
	[tilespmem:$0x1E400] =	vst v63  }
0x100: {  	_ =	swait.ge [sflag:s29], $0x2800  }
0x101: {  	[sflag:s29] =	ssyncset.done $0x0  }
0x102: {  	[sflag:s29] =	ssyncadd.s32 $0xFFFFD800  }
0x103: {  	_ =	swait.ge [sflag:s30], $0x2800  }
0x104: {  	[sflag:s30] =	ssyncset.done $0x0  }
0x105: {  	[sflag:s30] =	ssyncadd.s32 $0xFFFFD800  }
0x106: {  	_ =	swait.ge [sflag:s31], $0x50  }
0x107: {  	[sflag:s31] =	ssyncset.done $0x0  }
0x108: {  	s11 =	simm.s32 $0x0;
	[sflag:s31] =	ssyncadd.s32 $0xFFFFFFB0  }
0x109: {  	v5 =	vld [tilespmem:s11+$0x5400]  }
0x10a: {  	v7 =	vld [tilespmem:s11+$0x5410]  }
0x10b: {  	v8 =	vld [tilespmem:s11+$0x5420]  }
0x10c: {  	v9 =	vld [tilespmem:s11+$0x5430]  }
0x10d: {  	v2 =	vld [tilespmem:s11+$0x5440]  }
0x10e: {  	v4 =	vld [tilespmem:s11+$0x5450]  }
0x10f: {  	v1 =	vld [tilespmem:s11+$0x5460]  }
0x110: {  	s10 =	simm.s32 $0x300;
	v3 =	vld [tilespmem:s11+$0x5470]  }
0x111: {  	s15 =	simm.s32 $0x200;
	v6 =	vld.msk [tilespmem:s10+$0x0 ss:$0x0], $0xffff  }
.LBB2_9:
0x112: {  	p1 =	sne.s32 s15, $0x9E00;
	v10 =	vld [tilespmem:s11+$0x430]  }
0x113: {  	v11 =	vld [tilespmem:s11+$0x410]  }
0x114: {  	v12 =	vld [tilespmem:s11+$0x400]  }
0x115: {  	v13 =	vld [tilespmem:s11+$0x420]  }
0x116: {  	v14 =	vld [tilespmem:s11+$0x470]  }
0x117: {  	v5 =	vmul.f32 v5, v6;
	v7 =	vmul.f32 v7, v6;
	v15 =	vld [tilespmem:s11+$0x450]  }
0x118: {  	v8 =	vmul.f32 v8, v6;
	v9 =	vmul.f32 v9, v6;
	v16 =	vld [tilespmem:s11+$0x440]  }
0x119: {  	v11 =	vmul.f32 v7, v11;
	v12 =	vmul.f32 v5, v12;
	v17 =	vld [tilespmem:s11+$0x460]  }
0x11a: {  	s3 =	sshra.s32 s15, $0x2;
	v10 =	vmul.f32 v9, v10;
	v13 =	vmul.f32 v8, v13  }
0x11b: {  	v2 =	vmul.f32 v2, v6;
	v4 =	vmul.f32 v4, v6;
	v5 =	vld [tilespmem:s3+$0x5400];
	[tilespmem:s11+$0x400] =	vst v12  }
0x11c: {  	v1 =	vmul.f32 v1, v6;
	v3 =	vmul.f32 v3, v6;
	v7 =	vld [tilespmem:s3+$0x5410];
	[tilespmem:s11+$0x410] =	vst v11  }
0x11d: {  	v11 =	vmul.f32 v4, v15;
	v8 =	vld [tilespmem:s3+$0x5420];
	[tilespmem:s11+$0x420] =	vst v13;
	v6 =	vmul.f32 v2, v16  }
0x11e: {  	v12 =	vmul.f32 v3, v14;
	v9 =	vld [tilespmem:s3+$0x5430];
	[tilespmem:s11+$0x430] =	vst v10;
	v10 =	vmul.f32 v1, v17  }
.Ltmp3:
0x11f: {  	v2 =	vld [tilespmem:s3+$0x5440];
	[tilespmem:s11+$0x440] =	vst v6;
	(pc) =	sbr.rel @p1 .LBB2_9-.Ltmp3, $4  }
0x120: {  	v4 =	vld [tilespmem:s3+$0x5450];
	[tilespmem:s11+$0x450] =	vst v11  }
0x121: {  	v1 =	vld [tilespmem:s3+$0x5460];
	[tilespmem:s11+$0x460] =	vst v10  }
0x122: {  	s10 =	sadd.s32 $0x1, s10;
	v3 =	vld [tilespmem:s3+$0x5470];
	[tilespmem:s11+$0x470] =	vst v12;
	s11 =	smov.u32 s3  }
0x123: {  	s15 =	sadd.s32 $0x200, s15;
	v6 =	vld.msk [tilespmem:s10+$0x0 ss:$0x0], $0xffff  }
0x124: {  	_ = 	snop  }
0x125: {  	v11 =	vld [tilespmem:s11+$0x400]  }
0x126: {  	v12 =	vld [tilespmem:s11+$0x410]  }
0x127: {  	v13 =	vld [tilespmem:s11+$0x420]  }
0x128: {  	v15 =	vld [tilespmem:s11+$0x440];
	v5 =	vmul.f32 v5, v6  }
0x129: {  	v16 =	vld [tilespmem:s11+$0x450];
	v7 =	vmul.f32 v7, v6  }
0x12a: {  	v10 =	vld [tilespmem:s11+$0x430];
	v8 =	vmul.f32 v8, v6;
	v5 =	vmul.f32 v5, v11  }
0x12b: {  	v14 =	vld [tilespmem:s11+$0x470];
	v2 =	vmul.f32 v2, v6;
	v7 =	vmul.f32 v7, v12  }
0x12c: {  	v4 =	vmul.f32 v4, v6;
	v11 =	vld [tilespmem:s11+$0x460];
	v8 =	vmul.f32 v8, v13;
	[tilespmem:s11+$0x400] =	vst v5  }
0x12d: {  	v9 =	vmul.f32 v9, v6;
	v2 =	vmul.f32 v2, v15;
	[tilespmem:s11+$0x410] =	vst v7  }
0x12e: {  	v3 =	vmul.f32 v3, v6;
	v4 =	vmul.f32 v4, v16;
	[tilespmem:s11+$0x420] =	vst v8  }
0x12f: {  	v1 =	vmul.f32 v1, v6;
	v5 =	vmul.f32 v9, v10;
	[tilespmem:s11+$0x440] =	vst v2  }
0x130: {  	v2 =	vmul.f32 v3, v14;
	[tilespmem:s11+$0x450] =	vst v4  }
0x131: {  	[tilespmem:s11+$0x430] =	vst v5;
	v1 =	vmul.f32 v1, v11  }
0x132: {  	[tilespmem:s11+$0x470] =	vst v2  }
0x133: {  	[tilespmem:s11+$0x460] =	vst v1  }
0x134: {  	_ =	swait.ge [sflag:s0], $0x50  }
0x135: {  	[sflag:s0] =	ssyncset.done $0x0  }
0x136: {  	[sflag:s0] =	ssyncadd.s32 $0xFFFFFFB0  }
0x137: {  	[spmem:s2] =	stream.indirect.scatter.add.f32 [tilespmem:s14], [sflag:$0xD], $0x80, s20, s22, $0xb8;
	[tilespmem:$0x1E400] =	vst v63  }
0x138: {  	_ =	swait.ge [sflag:s16], $0x2800  }
0x139: {  	s3 =	rddreg [dreg:$0x1b]  }
0x13a: {  	s3 =	sadd.s32 @!p0 s25, s3  }
0x13b: {  	s10 =	simm.s32 @!p0 $0x0;
	[sflag:s16] =	ssyncset.done $0x0;
	s3 =	sshrl.u32 @!p0 s3, $0x3  }
0x13c: {  	s11 =	simm.s32 @!p0 $0x100;
	[sflag:s16] =	ssyncadd.s32 $0xFFFFD800;
	s3 =	sadd.s32 @!p0 s7, s3  }
0x13d: {  	[tilespmem:s11], [sflag:$0x3] =	stream.linear.gather @!p0 [hbm4b:s3+s10], $0x50, $0x38;
	[tilespmem:$0x1E400] =	vst v63  }
0x13e: {  	s11 =	simm.s32 $0x1  }
0x13f: {  	_ =	swait.ge [sflag:s11], $0x50  }
0x140: {  	[sflag:s11] =	ssyncset.done $0x0  }
0x141: {  	s15 =	sadd.s32 s8, s21;
	s10 =	simm.s32 $0x0;
	[sflag:s11] =	ssyncadd.s32 $0xFFFFFFB0  }
0x142: {  	[tilespmem:s20], [sflag:$0x5] =	stream.linear.gather [hbm4b:s15+s10], $0x50, $0x38;
	[tilespmem:$0x1E400] =	vst v63  }
0x143: {  	s11 =	sadd.s32 s6, s21;
	s15 =	simm.s32 $0x300  }
0x144: {  	[tilespmem:s15], [sflag:$0x7] =	stream.linear.gather [hbm4b:s11+s10], $0x50, $0x38;
	[tilespmem:$0x1E400] =	vst v63  }
0x145: {  	s21 =	sshll.u32 s28, $0x4  }
0x146: {  	[tilespmem:s14], [sflag:$0x9] =	stream.indirect.gather [hbm4b:s1+s22], $0x80, s10, s22, $0xb8;
	[tilespmem:$0x1E400] =	vst v63  }
0x147: {  	s28 =	simm.s32 $0x5400;
	s3 =	sadd.s32 s5, s21  }
0x148: {  	[tilespmem:s28], [sflag:$0xB] =	stream.linear.gather [hbm4b:s3+s10], $0x2800, $0x38;
	[tilespmem:$0x1E400] =	vst v63  }
0x149: {  	_ =	swait.ge [sflag:s17], $0x2800  }
0x14a: {  	[sflag:s17] =	ssyncset.done $0x0  }
0x14b: {  	[sflag:s17] =	ssyncadd.s32 $0xFFFFD800  }
0x14c: {  	_ =	swait.ge [sflag:s18], $0x2800  }
0x14d: {  	[sflag:s18] =	ssyncset.done $0x0  }
0x14e: {  	[sflag:s18] =	ssyncadd.s32 $0xFFFFD800  }
0x14f: {  	_ =	swait.ge [sflag:s12], $0x50  }
0x150: {  	[sflag:s12] =	ssyncset.done $0x0  }
0x151: {  	s11 =	simm.s32 $0x0;
	[sflag:s12] =	ssyncadd.s32 $0xFFFFFFB0  }
0x152: {  	v5 =	vld [tilespmem:s11+$0x7C00]  }
0x153: {  	v7 =	vld [tilespmem:s11+$0x7C10]  }
0x154: {  	v8 =	vld [tilespmem:s11+$0x7C20]  }
0x155: {  	v9 =	vld [tilespmem:s11+$0x7C30]  }
0x156: {  	v2 =	vld [tilespmem:s11+$0x7C40]  }
0x157: {  	v4 =	vld [tilespmem:s11+$0x7C50]  }
0x158: {  	v1 =	vld [tilespmem:s11+$0x7C60]  }
0x159: {  	s10 =	simm.s32 $0x380;
	v3 =	vld [tilespmem:s11+$0x7C70]  }
0x15a: {  	s15 =	simm.s32 $0x200;
	v6 =	vld.msk [tilespmem:s10+$0x0 ss:$0x0], $0xffff  }
.LBB2_11:
0x15b: {  	p1 =	sne.s32 s15, $0x9E00;
	v10 =	vld [tilespmem:s11+$0x2C30]  }
0x15c: {  	v11 =	vld [tilespmem:s11+$0x2C10]  }
0x15d: {  	v12 =	vld [tilespmem:s11+$0x2C00]  }
0x15e: {  	v13 =	vld [tilespmem:s11+$0x2C20]  }
0x15f: {  	v14 =	vld [tilespmem:s11+$0x2C70]  }
0x160: {  	v5 =	vmul.f32 v5, v6;
	v7 =	vmul.f32 v7, v6;
	v15 =	vld [tilespmem:s11+$0x2C50]  }
0x161: {  	v8 =	vmul.f32 v8, v6;
	v9 =	vmul.f32 v9, v6;
	v16 =	vld [tilespmem:s11+$0x2C40]  }
0x162: {  	v11 =	vmul.f32 v7, v11;
	v12 =	vmul.f32 v5, v12;
	v17 =	vld [tilespmem:s11+$0x2C60]  }
0x163: {  	s3 =	sshra.s32 s15, $0x2;
	v10 =	vmul.f32 v9, v10;
	v13 =	vmul.f32 v8, v13  }
0x164: {  	v2 =	vmul.f32 v2, v6;
	v4 =	vmul.f32 v4, v6;
	v5 =	vld [tilespmem:s3+$0x7C00];
	[tilespmem:s11+$0x2C00] =	vst v12  }
0x165: {  	v1 =	vmul.f32 v1, v6;
	v3 =	vmul.f32 v3, v6;
	v7 =	vld [tilespmem:s3+$0x7C10];
	[tilespmem:s11+$0x2C10] =	vst v11  }
0x166: {  	v11 =	vmul.f32 v4, v15;
	v8 =	vld [tilespmem:s3+$0x7C20];
	[tilespmem:s11+$0x2C20] =	vst v13;
	v6 =	vmul.f32 v2, v16  }
0x167: {  	v12 =	vmul.f32 v3, v14;
	v9 =	vld [tilespmem:s3+$0x7C30];
	[tilespmem:s11+$0x2C30] =	vst v10;
	v10 =	vmul.f32 v1, v17  }
.Ltmp4:
0x168: {  	v2 =	vld [tilespmem:s3+$0x7C40];
	[tilespmem:s11+$0x2C40] =	vst v6;
	(pc) =	sbr.rel @p1 .LBB2_11-.Ltmp4, $4  }
0x169: {  	v4 =	vld [tilespmem:s3+$0x7C50];
	[tilespmem:s11+$0x2C50] =	vst v11  }
0x16a: {  	v1 =	vld [tilespmem:s3+$0x7C60];
	[tilespmem:s11+$0x2C60] =	vst v10  }
0x16b: {  	s10 =	sadd.s32 $0x1, s10;
	v3 =	vld [tilespmem:s3+$0x7C70];
	[tilespmem:s11+$0x2C70] =	vst v12;
	s11 =	smov.u32 s3  }
0x16c: {  	s15 =	sadd.s32 $0x200, s15;
	v6 =	vld.msk [tilespmem:s10+$0x0 ss:$0x0], $0xffff  }
0x16d: {  	_ = 	snop  }
0x16e: {  	v11 =	vld [tilespmem:s11+$0x2C00]  }
0x16f: {  	v12 =	vld [tilespmem:s11+$0x2C10]  }
0x170: {  	v13 =	vld [tilespmem:s11+$0x2C20]  }
0x171: {  	v10 =	vld [tilespmem:s11+$0x2C30];
	v5 =	vmul.f32 v5, v6  }
0x172: {  	v15 =	vld [tilespmem:s11+$0x2C40];
	v7 =	vmul.f32 v7, v6  }
0x173: {  	v16 =	vld [tilespmem:s11+$0x2C50];
	v8 =	vmul.f32 v8, v6;
	v5 =	vmul.f32 v5, v11  }
0x174: {  	v62 =	vld [tilespmem:s11+$0x2C60];
	v9 =	vmul.f32 v9, v6;
	v7 =	vmul.f32 v7, v12  }
0x175: {  	v14 =	vld [tilespmem:s11+$0x2C70];
	v2 =	vmul.f32 v2, v6;
	v8 =	vmul.f32 v8, v13;
	[tilespmem:s11+$0x2C00] =	vst v5  }
0x176: {  	v4 =	vmul.f32 v4, v6;
	v63 =	vmul.f32 v9, v10;
	[tilespmem:s11+$0x2C10] =	vst v7  }
0x177: {  	v1 =	vmul.f32 v1, v6;
	v2 =	vmul.f32 v2, v15;
	[tilespmem:s11+$0x2C20] =	vst v8  }
0x178: {  	v3 =	vmul.f32 v3, v6;
	v4 =	vmul.f32 v4, v16;
	[tilespmem:s11+$0x2C30] =	vst v63  }
0x179: {  	v1 =	vmul.f32 v1, v62;
	[tilespmem:s11+$0x2C40] =	vst v2  }
0x17a: {  	v2 =	vmul.f32 v3, v14;
	[tilespmem:s11+$0x2C50] =	vst v4  }
0x17b: {  	[tilespmem:s11+$0x2C60] =	vst v1  }
0x17c: {  	[tilespmem:s11+$0x2C70] =	vst v2  }
0x17d: {  	_ =	swait.ge [sflag:s13], $0x50  }
0x17e: {  	[sflag:s13] =	ssyncset.done $0x0  }
.Ltmp5:
0x17f: {  	[sflag:s13] =	ssyncadd.s32 $0xFFFFFFB0;
	(pc) =	sbr.rel @p0 .LBB2_14-.Ltmp5, $4  }
0x180: {  	[spmem:s2] =	stream.indirect.scatter.add.f32 [tilespmem:s26], [sflag:$0xD], $0x80, s24, s22, $0xb8;
	[tilespmem:$0x1E400] =	vst v63  }
0x181: {  	_ =	swait.ge [sflag:s16], $0x2800  }
0x182: {  	[sflag:s16] =	ssyncset.done $0x0  }
0x183: {  	[sflag:s16] =	ssyncadd.s32 $0xFFFFD800  }
0x184: {  	s3 =	rddreg [dreg:$0x1c]  }
0x185: {  	s3 =	sadd.s32 s25, s3  }
0x186: {  	s10 =	smul.u32 $0x50, s23;
	s3 =	sshrl.u32 s3, $0x3  }
0x187: {  	s11 =	simm.s32 $0x180;
	s15 =	simm.s32 $0x2;
	s3 =	sadd.s32 s7, s3  }
0x188: {  	[tilespmem:s11], [sflag:$0x4] =	stream.linear.gather [hbm4b:s3+s4], $0x50, $0x38;
	[tilespmem:$0x1E400] =	vst v63  }
0x189: {  	s28 =	sadd.s32 s9, s10;
	_ =	swait.ge [sflag:s15], $0x50  }
0x18a: {  	s10 =	sshrl.u32 s28, $0x3;
	[sflag:s15] =	ssyncset.done $0x0  }
0x18b: {  	s21 =	sadd.s32 s8, s10;
	[sflag:s15] =	ssyncadd.s32 $0xFFFFFFB0  }
0x18c: {  	[tilespmem:s24], [sflag:$0x6] =	stream.linear.gather [hbm4b:s21+s4], $0x50, $0x38;
	[tilespmem:$0x1E400] =	vst v63  }
0x18d: {  	s23 =	simm.s32 $0x380;
	s10 =	sadd.s32 s6, s10  }
0x18e: {  	[tilespmem:s23], [sflag:$0x8] =	stream.linear.gather [hbm4b:s10+s4], $0x50, $0x38;
	[tilespmem:$0x1E400] =	vst v63  }
.Ltmp6:
0x18f: {  	_ = 	snop;
	(pc) =	sbr.rel .LBB2_4-.Ltmp6, $4  }
0x190: {  	s25 =	simm.s32 $0x80;
	s3 =	sshll.u32 s28, $0x4  }
0x191: {  	[tilespmem:s26], [sflag:$0xA] =	stream.indirect.gather [hbm4b:s1+s22], $0x80, s25, s22, $0xb8;
	[tilespmem:$0x1E400] =	vst v63  }
0x192: {  	s19 =	sadd.s32 $0x1, s19;
	s28 =	simm.s32 $0x7C00;
	s3 =	sadd.s32 s5, s3  }
0x193: {  	[tilespmem:s28], [sflag:$0xC] =	stream.linear.gather [hbm4b:s3+s4], $0x2800, $0x38;
	[tilespmem:$0x1E400] =	vst v63  }
.LBB2_14:
0x194: {  	_ =	swait.ge [sflag:s29], $0x2800  }
0x195: {  	[sflag:s29] =	ssyncset.done $0x0  }
0x196: {  	[sflag:s29] =	ssyncadd.s32 $0xFFFFD800  }
0x197: {  	_ =	swait.ge [sflag:s30], $0x2800  }
0x198: {  	[sflag:s30] =	ssyncset.done $0x0  }
0x199: {  	[sflag:s30] =	ssyncadd.s32 $0xFFFFD800  }
0x19a: {  	_ =	swait.ge [sflag:s31], $0x50  }
0x19b: {  	[sflag:s31] =	ssyncset.done $0x0  }
0x19c: {  	s11 =	simm.s32 $0x0;
	[sflag:s31] =	ssyncadd.s32 $0xFFFFFFB0  }
0x19d: {  	v5 =	vld [tilespmem:s11+$0x5400]  }
0x19e: {  	v7 =	vld [tilespmem:s11+$0x5410]  }
0x19f: {  	v8 =	vld [tilespmem:s11+$0x5420]  }
0x1a0: {  	v9 =	vld [tilespmem:s11+$0x5430]  }
0x1a1: {  	v2 =	vld [tilespmem:s11+$0x5440]  }
0x1a2: {  	v4 =	vld [tilespmem:s11+$0x5450]  }
0x1a3: {  	v1 =	vld [tilespmem:s11+$0x5460]  }
0x1a4: {  	s10 =	simm.s32 $0x300;
	v3 =	vld [tilespmem:s11+$0x5470]  }
0x1a5: {  	s15 =	simm.s32 $0x200;
	v6 =	vld.msk [tilespmem:s10+$0x0 ss:$0x0], $0xffff  }
.LBB2_15:
0x1a6: {  	p0 =	sne.s32 s15, $0x9E00;
	v10 =	vld [tilespmem:s11+$0x430]  }
0x1a7: {  	v11 =	vld [tilespmem:s11+$0x410]  }
0x1a8: {  	v12 =	vld [tilespmem:s11+$0x400]  }
0x1a9: {  	v13 =	vld [tilespmem:s11+$0x420]  }
0x1aa: {  	v14 =	vld [tilespmem:s11+$0x470]  }
0x1ab: {  	v5 =	vmul.f32 v5, v6;
	v7 =	vmul.f32 v7, v6;
	v15 =	vld [tilespmem:s11+$0x450]  }
0x1ac: {  	v8 =	vmul.f32 v8, v6;
	v9 =	vmul.f32 v9, v6;
	v16 =	vld [tilespmem:s11+$0x440]  }
0x1ad: {  	v11 =	vmul.f32 v7, v11;
	v12 =	vmul.f32 v5, v12;
	v17 =	vld [tilespmem:s11+$0x460]  }
0x1ae: {  	s3 =	sshra.s32 s15, $0x2;
	v10 =	vmul.f32 v9, v10;
	v13 =	vmul.f32 v8, v13  }
0x1af: {  	v2 =	vmul.f32 v2, v6;
	v4 =	vmul.f32 v4, v6;
	v5 =	vld [tilespmem:s3+$0x5400];
	[tilespmem:s11+$0x400] =	vst v12  }
0x1b0: {  	v1 =	vmul.f32 v1, v6;
	v3 =	vmul.f32 v3, v6;
	v7 =	vld [tilespmem:s3+$0x5410];
	[tilespmem:s11+$0x410] =	vst v11  }
0x1b1: {  	v11 =	vmul.f32 v4, v15;
	v8 =	vld [tilespmem:s3+$0x5420];
	[tilespmem:s11+$0x420] =	vst v13;
	v6 =	vmul.f32 v2, v16  }
0x1b2: {  	v12 =	vmul.f32 v3, v14;
	v9 =	vld [tilespmem:s3+$0x5430];
	[tilespmem:s11+$0x430] =	vst v10;
	v10 =	vmul.f32 v1, v17  }
.Ltmp7:
0x1b3: {  	v2 =	vld [tilespmem:s3+$0x5440];
	[tilespmem:s11+$0x440] =	vst v6;
	(pc) =	sbr.rel @p0 .LBB2_15-.Ltmp7, $4  }
0x1b4: {  	v4 =	vld [tilespmem:s3+$0x5450];
	[tilespmem:s11+$0x450] =	vst v11  }
0x1b5: {  	v1 =	vld [tilespmem:s3+$0x5460];
	[tilespmem:s11+$0x460] =	vst v10  }
0x1b6: {  	s10 =	sadd.s32 $0x1, s10;
	v3 =	vld [tilespmem:s3+$0x5470];
	[tilespmem:s11+$0x470] =	vst v12;
	s11 =	smov.u32 s3  }
0x1b7: {  	s15 =	sadd.s32 $0x200, s15;
	v6 =	vld.msk [tilespmem:s10+$0x0 ss:$0x0], $0xffff  }
0x1b8: {  	_ = 	snop  }
0x1b9: {  	v11 =	vld [tilespmem:s11+$0x400]  }
0x1ba: {  	v12 =	vld [tilespmem:s11+$0x410]  }
0x1bb: {  	v13 =	vld [tilespmem:s11+$0x420]  }
0x1bc: {  	v10 =	vld [tilespmem:s11+$0x430];
	v5 =	vmul.f32 v5, v6  }
0x1bd: {  	v15 =	vld [tilespmem:s11+$0x440];
	v7 =	vmul.f32 v7, v6  }
0x1be: {  	v16 =	vld [tilespmem:s11+$0x450];
	v8 =	vmul.f32 v8, v6;
	v5 =	vmul.f32 v5, v11  }
0x1bf: {  	v62 =	vld [tilespmem:s11+$0x460];
	v9 =	vmul.f32 v9, v6;
	v7 =	vmul.f32 v7, v12  }
0x1c0: {  	v14 =	vld [tilespmem:s11+$0x470];
	v2 =	vmul.f32 v2, v6;
	v8 =	vmul.f32 v8, v13;
	[tilespmem:s11+$0x400] =	vst v5  }
0x1c1: {  	v4 =	vmul.f32 v4, v6;
	v63 =	vmul.f32 v9, v10;
	[tilespmem:s11+$0x410] =	vst v7  }
0x1c2: {  	v1 =	vmul.f32 v1, v6;
	v2 =	vmul.f32 v2, v15;
	[tilespmem:s11+$0x420] =	vst v8  }
0x1c3: {  	v3 =	vmul.f32 v3, v6;
	v4 =	vmul.f32 v4, v16;
	[tilespmem:s11+$0x430] =	vst v63  }
0x1c4: {  	v1 =	vmul.f32 v1, v62;
	[tilespmem:s11+$0x440] =	vst v2  }
0x1c5: {  	v2 =	vmul.f32 v3, v14;
	[tilespmem:s11+$0x450] =	vst v4  }
0x1c6: {  	[tilespmem:s11+$0x460] =	vst v1  }
0x1c7: {  	[tilespmem:s11+$0x470] =	vst v2  }
0x1c8: {  	_ =	swait.ge [sflag:s0], $0x50  }
0x1c9: {  	[sflag:s0] =	ssyncset.done $0x0  }
0x1ca: {  	[sflag:s0] =	ssyncadd.s32 $0xFFFFFFB0  }
0x1cb: {  	[spmem:s2] =	stream.indirect.scatter.add.f32 [tilespmem:s14], [sflag:$0xD], $0x80, s20, s22, $0xb8;
	[tilespmem:$0x1E400] =	vst v63  }
0x1cc: {  	_ =	swait.ge [sflag:s16], $0x2800  }
0x1cd: {  	[sflag:s16] =	ssyncset.done $0x0  }
0x1ce: {  	[sflag:s16] =	ssyncadd.s32 $0xFFFFD800  }
0x1cf: {  	s3 =	stileid.u32;
	[bflag:$0x0] =	sbarrier.arrive $0xFFFF  }
0x1d0: {  	s3 =	sshll.u32 s3, $0x6;
	s15 =	rddreg [dreg:$0x4]  }
0x1d1: {  	s3 =	sor.u32 $0x1C0D, s3;
	s23 =	rddreg [dreg:$0x12];
	s10 =	sshrl.u32 s15, $0x3  }
0x1d2: {  	[hbm:s23], [sflag:s3] =	dma.local [spmem:s10], $0x2800  }
0x1d3: {  	_ =	swait.ge [sflag:s16], $0x2800  }
0x1d4: {  	s25 =	rddreg [dreg:$0x1d]  }
0x1d5: {  	s28 =	rddreg [dreg:$0x13];
	s10 =	sadd.s32 $0x1, s25  }
0x1d6: {  	p0 =	sne.s32 s10, s28  }
.Ltmp8:
0x1d7: {  	_ = 	snop;
	(pc) =	sbr.rel @p0 .LBB2_1-.Ltmp8, $3  }
0x1d8: {  	_ =	sdelay $0x1  }
0x1d9: {  	[sflag:s16] =	ssyncset.done $0x0  }
0x1da: {  	[sflag:s16] =	ssyncadd.s32 $0xFFFFD800  }
0x1db: {  	_ =	sfence.sel $0x180000  }
0x1dc: {  	[bflag:$0x0] =	sbarrier.arrive $0xFFFF  }
0x1dd: {  	_ =	strace $0x90000047  }
0x1de: {  	s0 =	stileid.u32;
	[bflag:$0x2] =	sbarrier.arrive $0xFFFF  }
0x1df: {  	p0 =	sne.s32 s0, $0x0;
	s0 =	rddreg [dreg:$0x3]  }
0x1e0: {  	s0 =	sadd.s32 @!p0 $0x100000, s0  }
0x1e1: {  	[sflag:s0] =	ssyncadd.tile.s32 @!p0 $0x1;
	_ =	shalt  }
.Lfunc_end2:
_tile_overlayer_lowered:
.L_overlay_start_2:
0x1e2: {  	(tag) =	ssettag $0x2  }
0x1e3: {  	s0 =	rddreg [dreg:$0x0];
	s2 =	stileid.u32  }
0x1e4: {  	s1 =	rddreg [dreg:$0x1];
	p0 =	sne.s32 s2, $0x0  }
0x1e5: {  	s3 =	rddreg [dreg:$0x2];
	[bflag:$0x3] =	sbarrier.arrive $0xFFFF;
	s2 =	simm.s32 @!p0 $0x1C0D  }
0x1e6: {  	[timem:s3], [sflag:s2] =	dma.local @!p0 [hbm:s0], s1  }
0x1e7: {  	s0 =	simm.s32 @!p0 $0xD  }
0x1e8: {  	_ =	swait.ge @!p0 [sflag:s0], s1  }
0x1e9: {  	s1 =	ssub.s32 @!p0 $0x0, s1;
	[sflag:s0] =	ssyncset.done @!p0 $0x0  }
0x1ea: {  	[sflag:s0] =	ssyncadd.s32 @!p0 s1  }
0x1eb: {  	[bflag:$0x3] =	sbarrier.arrive $0xFFFF  }
0x1ec: {  	_ =	shalt  }

</sc_bundles>
